<compile_context>
chip_gen: v7x
topology: tpu7x:2x2x1
jax: 0.10.2.dev20260603
libtpu: 0.0.44.dev20260713+nightly
codegen_flags: <defaults>
</compile_context>

<pallas_src>
import functools

import jax
import jax.numpy as jnp
from jax import lax
from jax.experimental import pallas as pl
from jax.experimental.pallas import tpu as pltpu
from jax.experimental.pallas import tpu_sc as plsc

_E = 8
_K = 2
_D = 1024
_B = 4096
_SWITCHLOSS = 0.01
_ZLOSS = 0.001
_LANES = 128

_BM_G = 512
_NB_G = _B // _BM_G
_A = 2 * _BM_G
_NA = _K * _B
_BLK = 256
_NPAD = _NA + _E * _BLK
_NBLK = _NPAD // _BLK

_NTILES = 32
_CHUNK = _NA // _NTILES
_SUB = 32
_NSUB = _CHUNK // _SUB


def _softmax_top2(x_blk, wgt, lanes):
    emask = lanes < _E
    logits = jnp.dot(x_blk, wgt, preferred_element_type=jnp.float32)
    logits = jnp.where(emask, logits, -1e30)
    m = jnp.max(logits, axis=1, keepdims=True)
    p = jnp.exp(logits - m)
    s = jnp.sum(p, axis=1, keepdims=True)
    probs = p / s
    lse = jnp.log(s) + m
    g1 = jnp.max(probs, axis=1, keepdims=True)
    i1 = jnp.min(jnp.where(probs == g1, lanes, _LANES), axis=1, keepdims=True)
    probs2 = jnp.where(lanes == i1, -1.0, probs)
    g2 = jnp.max(probs2, axis=1, keepdims=True)
    i2 = jnp.min(jnp.where(probs2 == g2, lanes, _LANES), axis=1, keepdims=True)
    return probs, lse, g1, i1, g2, i2


def _gating_body(x_ref, wgt_ref, g1_ref, g2_ref, slot_ref, bemap_ref,
                 loss_ref, psum_ref, freq_ref, cnt_ref, offs_ref, cnt2_ref,
                 zsum_ref):
    i = pl.program_id(0)
    lanes = jax.lax.broadcasted_iota(jnp.int32, (_BM_G, _LANES), 1)
    probs, lse, g1, i1, g2, i2 = _softmax_top2(x_ref[...], wgt_ref[...], lanes)
    oh1 = (lanes == i1).astype(jnp.float32)
    oh2 = (lanes == i2).astype(jnp.float32)
    cnt_blk = (jnp.sum(oh1, axis=0, keepdims=True)
               + jnp.sum(oh2, axis=0, keepdims=True))

    denom = g1 + g2 + 1e-6
    g1n = g1 / denom
    g2n = g2 / denom
    g1_ref[...] = g1n[None]
    g2_ref[...] = g2n[None]

    @pl.when(i < _NB_G)
    def _pass1():
        gz1 = jnp.where(lanes == i1, g1n, 0.0)
        gz2 = jnp.where(lanes == i2, g2n, 0.0)
        freq_blk = (jnp.sum((gz1 > 0.0).astype(jnp.float32), axis=0,
                            keepdims=True)
                    + jnp.sum((gz2 > 0.0).astype(jnp.float32), axis=0,
                              keepdims=True))
        psum_blk = jnp.sum(probs, axis=0, keepdims=True)
        z_blk = jnp.sum(lse * lse)

        @pl.when(i == 0)
        def _init():
            psum_ref[...] = psum_blk
            freq_ref[...] = freq_blk
            cnt_ref[...] = cnt_blk
            zsum_ref[0, 0] = z_blk

        @pl.when(i > 0)
        def _acc():
            psum_ref[...] += psum_blk
            freq_ref[...] += freq_blk
            cnt_ref[...] += cnt_blk
            zsum_ref[0, 0] += z_blk

        @pl.when(i == _NB_G - 1)
        def _finish():
            psum = psum_ref[...]
            pnorm = psum / jnp.sum(jnp.abs(psum))
            freqs = freq_ref[...]
            fnorm = freqs / jnp.sum(jnp.abs(freqs))
            switch = jnp.sum(pnorm * fnorm) * _E
            z = zsum_ref[0, 0] / _B
            loss = _SWITCHLOSS * switch + _ZLOSS * z
            loss_ref[...] = jnp.broadcast_to(loss, (1, _LANES))

            cnt_i = cnt_ref[...].astype(jnp.int32)
            padded = jnp.bitwise_and(cnt_i + (_BLK - 1), -_BLK)
            padded_f = padded.astype(jnp.float32)
            riota = jax.lax.broadcasted_iota(jnp.int32, (_LANES, _LANES), 0)
            ciota = jax.lax.broadcasted_iota(jnp.int32, (_LANES, _LANES), 1)
            upper = (riota < ciota).astype(jnp.float32)
            offs = jnp.dot(padded_f, upper,
                           preferred_element_type=jnp.float32)
            offs_ref[...] = offs
            ends = offs + padded_f
            lrow = jax.lax.broadcasted_iota(jnp.int32, (1, _LANES), 1)
            tstart = (lrow * _BLK).astype(jnp.float32)
            bemap = jnp.zeros((1, _LANES), jnp.float32)
            for e in range(_E):
                end_e = jnp.sum(jnp.where(lrow == e, ends, 0.0))
                bemap += (tstart >= end_e).astype(jnp.float32)
            bemap_ref[...] = jnp.minimum(bemap, float(_E - 1)).astype(jnp.int32)

    @pl.when(i >= _NB_G)
    def _pass2():
        o2 = jnp.concatenate([oh1, oh2], axis=0)
        riota = jax.lax.broadcasted_iota(jnp.int32, (_A, _A), 0)
        ciota = jax.lax.broadcasted_iota(jnp.int32, (_A, _A), 1)
        tril = (ciota < riota).astype(jnp.float32)
        ranks = jnp.dot(tril, o2, preferred_element_type=jnp.float32)

        @pl.when(i == _NB_G)
        def _init2():
            cnt2_ref[...] = jnp.zeros((1, _LANES), jnp.float32)

        slots = ranks + cnt2_ref[...] + offs_ref[...]
        slot_col = jnp.sum(slots * o2, axis=1, keepdims=True)
        slot_ref[...] = slot_col.astype(jnp.int32)[None]
        cnt2_ref[...] += cnt_blk


def _gating(x, wgt_pad, interpret=False):
    return pl.pallas_call(
        _gating_body,
        grid=(2 * _NB_G,),
        in_specs=[
            pl.BlockSpec((_BM_G, _D), lambda i: (lax.rem(i, _NB_G), 0)),
            pl.BlockSpec((_D, _LANES), lambda i: (0, 0)),
        ],
        out_specs=[
            pl.BlockSpec((1, _BM_G, 1), lambda i: (lax.rem(i, _NB_G), 0, 0)),
            pl.BlockSpec((1, _BM_G, 1), lambda i: (lax.rem(i, _NB_G), 0, 0)),
            pl.BlockSpec((1, _A, 1), lambda i: (lax.rem(i, _NB_G), 0, 0)),
            pl.BlockSpec((1, _LANES), lambda i: (0, 0)),
            pl.BlockSpec((1, _LANES), lambda i: (0, 0)),
        ],
        out_shape=[
            jax.ShapeDtypeStruct((_NB_G, _BM_G, 1), jnp.float32),
            jax.ShapeDtypeStruct((_NB_G, _BM_G, 1), jnp.float32),
            jax.ShapeDtypeStruct((_NB_G, _A, 1), jnp.int32),
            jax.ShapeDtypeStruct((1, _LANES), jnp.int32),
            jax.ShapeDtypeStruct((1, _LANES), jnp.float32),
        ],
        scratch_shapes=[
            pltpu.VMEM((1, _LANES), jnp.float32),
            pltpu.VMEM((1, _LANES), jnp.float32),
            pltpu.VMEM((1, _LANES), jnp.float32),
            pltpu.VMEM((1, _LANES), jnp.float32),
            pltpu.VMEM((1, _LANES), jnp.float32),
            pltpu.SMEM((1, 1), jnp.float32),
        ],
        interpret=interpret,
    )(x, wgt_pad)


def _dispatch_sc(x, tok, slot):
    mesh = plsc.VectorSubcoreMesh(core_axis_name="c", subcore_axis_name="s")

    @functools.partial(
        pl.kernel, mesh=mesh,
        out_type=jax.ShapeDtypeStruct((_NPAD, _D), jnp.float32),
        scratch_types=(
            [pltpu.VMEM((_SUB,), jnp.int32) for _ in range(2 * _NSUB)]
            + [pltpu.VMEM((_SUB, _D), jnp.float32) for _ in range(2)]
            + [pltpu.SemaphoreType.DMA for _ in range(4)]
        ),
    )
    def body(x_hbm, tok_hbm, slot_hbm, xs_hbm, *rest):
        its = rest[:_NSUB]
        iss = rest[_NSUB:2 * _NSUB]
        rows = rest[2 * _NSUB:2 * _NSUB + 2]
        sgs = rest[2 * _NSUB + 2:2 * _NSUB + 4]
        sss = rest[2 * _NSUB + 4:2 * _NSUB + 6]
        w = lax.axis_index("s") * 2 + lax.axis_index("c")
        base = w * _CHUNK
        for c in range(_NSUB):
            pltpu.sync_copy(tok_hbm.at[pl.ds(base + c * _SUB, _SUB)], its[c])
            pltpu.sync_copy(slot_hbm.at[pl.ds(base + c * _SUB, _SUB)], iss[c])
        g = [None, None]
        s = [None, None]
        g[0] = pltpu.async_copy(x_hbm.at[its[0]], rows[0], sgs[0])
        g[1] = pltpu.async_copy(x_hbm.at[its[1]], rows[1], sgs[1])
        for c in range(_NSUB):
            b = c % 2
            g[b].wait()
            s[b] = pltpu.async_copy(rows[b], xs_hbm.at[iss[c]], sss[b])
            if c + 2 < _NSUB:
                s[b].wait()
                g[b] = pltpu.async_copy(x_hbm.at[its[c + 2]], rows[b], sgs[b])
        s[0].wait()
        s[1].wait()

    return body(x, tok, slot)


def _undispatch_sc(ys, slot):
    mesh = plsc.VectorSubcoreMesh(core_axis_name="c", subcore_axis_name="s")

    @functools.partial(
        pl.kernel, mesh=mesh,
        out_type=jax.ShapeDtypeStruct((_NA, _D), jnp.float32),
        scratch_types=(
            [pltpu.VMEM((_SUB,), jnp.int32) for _ in range(_NSUB)]
            + [pltpu.VMEM((_SUB, _D), jnp.float32) for _ in range(2)]
            + [pltpu.SemaphoreType.DMA for _ in range(4)]
        ),
    )
    def body(ys_hbm, slot_hbm, yg_hbm, *rest):
        iss = rest[:_NSUB]
        rows = rest[_NSUB:_NSUB + 2]
        sgs = rest[_NSUB + 2:_NSUB + 4]
        sss = rest[_NSUB + 4:_NSUB + 6]
        w = lax.axis_index("s") * 2 + lax.axis_index("c")
        base = w * _CHUNK
        for c in range(_NSUB):
            pltpu.sync_copy(slot_hbm.at[pl.ds(base + c * _SUB, _SUB)], iss[c])
        g = [None, None]
        s = [None, None]
        g[0] = pltpu.async_copy(ys_hbm.at[iss[0]], rows[0], sgs[0])
        g[1] = pltpu.async_copy(ys_hbm.at[iss[1]], rows[1], sgs[1])
        for c in range(_NSUB):
            b = c % 2
            g[b].wait()
            s[b] = pltpu.async_copy(
                rows[b], yg_hbm.at[pl.ds(base + c * _SUB, _SUB)], sss[b])
            if c + 2 < _NSUB:
                s[b].wait()
                g[b] = pltpu.async_copy(ys_hbm.at[iss[c + 2]], rows[b],
                                        sgs[b])
        s[0].wait()
        s[1].wait()

    return body(ys, slot)


def _grouped_body(bm_ref, x_ref, we_ref, be_ref, out_ref):
    out_ref[...] = (jnp.dot(x_ref[...], we_ref[0],
                            preferred_element_type=jnp.float32)
                    + be_ref[0])


def _grouped(xs, we, be3, bemap, interpret=False):
    grid_spec = pltpu.PrefetchScalarGridSpec(
        num_scalar_prefetch=1,
        grid=(_NBLK,),
        in_specs=[
            pl.BlockSpec((_BLK, _D), lambda t, m: (t, 0)),
            pl.BlockSpec((1, _D, _D), lambda t, m: (m[t], 0, 0)),
            pl.BlockSpec((1, 1, _D), lambda t, m: (m[t], 0, 0)),
        ],
        out_specs=pl.BlockSpec((_BLK, _D), lambda t, m: (t, 0)),
    )
    return pl.pallas_call(
        _grouped_body,
        grid_spec=grid_spec,
        out_shape=jax.ShapeDtypeStruct((_NPAD, _D), jnp.float32),
        interpret=interpret,
    )(bemap, xs, we, be3)


def _combine_body(y0_ref, y1_ref, g1_ref, g2_ref, out_ref):
    out_ref[...] = g1_ref[0] * y0_ref[...] + g2_ref[0] * y1_ref[...]


def _combine(yg, g1, g2, interpret=False):
    return pl.pallas_call(
        _combine_body,
        grid=(_NB_G,),
        in_specs=[
            pl.BlockSpec((_BM_G, _D), lambda i: (2 * i, 0)),
            pl.BlockSpec((_BM_G, _D), lambda i: (2 * i + 1, 0)),
            pl.BlockSpec((1, _BM_G, 1), lambda i: (i, 0, 0)),
            pl.BlockSpec((1, _BM_G, 1), lambda i: (i, 0, 0)),
        ],
        out_specs=pl.BlockSpec((_BM_G, _D), lambda i: (i, 0)),
        out_shape=jax.ShapeDtypeStruct((_B, _D), jnp.float32),
        interpret=interpret,
    )(yg, yg, g1, g2)


@functools.partial(jax.jit, static_argnames=("interpret",))
def kernel(x, Wg, We, be, interpret=False):
    wgt_pad = jnp.zeros((_D, _LANES), jnp.float32).at[:, :_E].set(Wg.T)
    g1, g2, slot3, bemap_row, loss_row = _gating(x, wgt_pad,
                                                 interpret=interpret)
    slot = slot3.reshape(_NA)
    bemap = bemap_row.reshape(_LANES)
    j = jnp.arange(_NA, dtype=jnp.int32)
    tok = (j // _A) * _BM_G + (j % _BM_G)

    xs = _dispatch_sc(x, tok, slot)
    ys = _grouped(xs, We, be.reshape(_E, 1, _D), bemap, interpret=interpret)
    yg = _undispatch_sc(ys, slot)
    out = _combine(yg, g1, g2, interpret=interpret)
    return out, loss_row[0, 0]

# --- scband reference (transcript-rebuilt; emitter-appended) ---
"""Pipeline reference for scband-mo-e-28097676051036 (READ-ONLY COPY).

The authoritative reference and input builder live on the scoring server;
editing this copy changes nothing except your own understanding.
"""

import jax, jax.numpy as jnp
import numpy as np

E = 8
K = 2
D = 1024
B = 4096
CVLOSS = 0.0
SWITCHLOSS = 0.01
ZLOSS = 0.001

def setup_inputs(seed: int = 0) -> dict:
    key = jax.random.key(seed)
    ks = jax.random.split(key, 4)
    x = jax.random.normal(ks[0], (B, D), dtype=jnp.float32)
    # gate weight (torch init is zeros; use small random so routing is nontrivial)
    Wg = jax.random.normal(ks[1], (E, D), dtype=jnp.float32) * 0.02
    # experts: E one-layer feed-forward (Linear) networks, Linear(D, D)
    We = jax.random.normal(ks[2], (E, D, D), dtype=jnp.float32) * 0.02
    be = jax.random.normal(ks[3], (E, D), dtype=jnp.float32) * 0.02
    return {"x": x, "Wg": Wg, "We": We, "be": be}

def reference(x, Wg, We, be):
    # top_k_gating
    logits = x @ Wg.T                                  # [B, E]
    probs = jax.nn.softmax(logits, axis=1)
    top_k_gates, top_k_indices = jax.lax.top_k(probs, K)
    denom = jax.lax.stop_gradient(top_k_gates.sum(axis=1, keepdims=True) + 1e-6)
    top_k_gates = top_k_gates / denom
    bidx = jnp.arange(x.shape[0])[:, None]
    gates = jnp.zeros_like(probs).at[bidx, top_k_indices].set(top_k_gates)  # [B, E]
    # aux losses
    eps = 1e-10
    psum = probs.sum(axis=0)
    pnorm = psum / jnp.abs(psum).sum()                 # F.normalize(p=1)
    cv = jnp.var(pnorm, ddof=1) / (jnp.mean(pnorm) ** 2 + eps)
    freqs = (gates > 0).astype(jnp.float32).sum(axis=0)
    fnorm = freqs / jnp.abs(freqs).sum()
    switch = (pnorm * fnorm).sum() * E
    z = jnp.mean(jax.nn.logsumexp(logits, axis=1) ** 2)
    loss = CVLOSS * cv + SWITCHLOSS * switch + ZLOSS * z
    # dispatch -> expert forward -> combine (dense-equivalent of SparseDispatcher:
    # out[b] = sum_e gates[b,e] * expert_e(x[b]) ; gates[b,e]==0 for non-selected experts)
    y = jnp.einsum('bd,edf->ebf', x, We) + be[:, None, :]   # [E, B, D]
    out = jnp.einsum('be,ebd->bd', gates, y)                # [B, D]
    return out, loss

if __name__ == "__main__":
    import jax
    _d = setup_inputs()
    print(jax.jit(kernel)(*tuple(_d.values())))

</pallas_src>

<mosaic_0001>
#map = affine_map<(d0, d1) -> (0, 0)>
#map1 = affine_map<(d0, d1) -> (0)>
module attributes {stable_mosaic.version = 14 : i64} {
  func.func @body(%arg0: i32, %arg1: i32, %arg2: memref<10240x1024xf32, #tpu.memory_space<hbm>>, %arg3: memref<8192xi32, #tpu.memory_space<hbm>>, %arg4: memref<8192x1024xf32, #tpu.memory_space<hbm>>, %arg5: memref<32xi32, #tpu.memory_space<vmem>>, %arg6: memref<32xi32, #tpu.memory_space<vmem>>, %arg7: memref<32xi32, #tpu.memory_space<vmem>>, %arg8: memref<32xi32, #tpu.memory_space<vmem>>, %arg9: memref<32xi32, #tpu.memory_space<vmem>>, %arg10: memref<32xi32, #tpu.memory_space<vmem>>, %arg11: memref<32xi32, #tpu.memory_space<vmem>>, %arg12: memref<32xi32, #tpu.memory_space<vmem>>, %arg13: memref<32x1024xf32, #tpu.memory_space<vmem>>, %arg14: memref<32x1024xf32, #tpu.memory_space<vmem>>, %arg15: memref<!tpu.dma_semaphore, #tpu.memory_space<semaphore_mem>>, %arg16: memref<!tpu.dma_semaphore, #tpu.memory_space<semaphore_mem>>, %arg17: memref<!tpu.dma_semaphore, #tpu.memory_space<semaphore_mem>>, %arg18: memref<!tpu.dma_semaphore, #tpu.memory_space<semaphore_mem>>) attributes {dimension_semantics = [#tpu.dimension_semantics<core_parallel>, #tpu.dimension_semantics<subcore_parallel>], iteration_bounds = array<i64: 2, 16>, scalar_prefetch = 0 : i64, scratch_operands = 14 : i64, tpu.core_type = #tpu.core_type<sc_vector_subcore>, window_params = [{transform_indices = #map}, {transform_indices = #map1}, {transform_indices = #map}]} {
    %mul3A = arith.constant 2 : i32
    %mul3A_0 = arith.muli %arg1, %mul3A : i32
    %add3A = arith.addi %mul3A_0, %arg0 : i32
    %mul3A_1 = arith.constant 256 : i32
    %mul3A_2 = arith.muli %add3A, %mul3A_1 : i32
    %add3A_3 = arith.constant 0 : i32
    %add3A_4 = arith.addi %mul3A_2, %add3A_3 : i32
    "tpu.region"() ({
      %run_scoped3A = tpu.sem_alloc : memref<!tpu.dma_semaphore, #tpu.memory_space<semaphore_mem>>
      %dma_start3A_145 = tpu.memref_slice %arg3[%add3A_4] : memref<8192xi32, #tpu.memory_space<hbm>> -> memref<32xi32, #tpu.memory_space<hbm>>
      %dma_start3A_146 = tpu.memref_slice %arg3[%add3A_4] : memref<8192xi32, #tpu.memory_space<hbm>> -> memref<32xi32, #tpu.memory_space<hbm>>
      tpu.enqueue_dma source(%dma_start3A_146 : memref<32xi32, #tpu.memory_space<hbm>>) target(%arg5 : memref<32xi32, #tpu.memory_space<vmem>>) target_semaphore(%run_scoped3A : memref<!tpu.dma_semaphore, #tpu.memory_space<semaphore_mem>>)
      %dma_wait3A_147 = tpu.memref_slice %arg3[%add3A_4] : memref<8192xi32, #tpu.memory_space<hbm>> -> memref<32xi32, #tpu.memory_space<hbm>>
      %dma_wait3A_148 = tpu.memref_slice %arg3[%add3A_4] : memref<8192xi32, #tpu.memory_space<hbm>> -> memref<32xi32, #tpu.memory_space<hbm>>
      tpu.wait_dma2 semaphore(%run_scoped3A : memref<!tpu.dma_semaphore, #tpu.memory_space<semaphore_mem>>) src(%dma_wait3A_148 : memref<32xi32, #tpu.memory_space<hbm>>) dst(%arg5 : memref<32xi32, #tpu.memory_space<vmem>>)
      tpu.yield
    }) : () -> ()
    %add3A_5 = arith.constant 32 : i32
    %add3A_6 = arith.addi %mul3A_2, %add3A_5 : i32
    "tpu.region"() ({
      %run_scoped3A = tpu.sem_alloc : memref<!tpu.dma_semaphore, #tpu.memory_space<semaphore_mem>>
      %dma_start3A_145 = tpu.memref_slice %arg3[%add3A_6] : memref<8192xi32, #tpu.memory_space<hbm>> -> memref<32xi32, #tpu.memory_space<hbm>>
      %dma_start3A_146 = tpu.memref_slice %arg3[%add3A_6] : memref<8192xi32, #tpu.memory_space<hbm>> -> memref<32xi32, #tpu.memory_space<hbm>>
      tpu.enqueue_dma source(%dma_start3A_146 : memref<32xi32, #tpu.memory_space<hbm>>) target(%arg6 : memref<32xi32, #tpu.memory_space<vmem>>) target_semaphore(%run_scoped3A : memref<!tpu.dma_semaphore, #tpu.memory_space<semaphore_mem>>)
      %dma_wait3A_147 = tpu.memref_slice %arg3[%add3A_6] : memref<8192xi32, #tpu.memory_space<hbm>> -> memref<32xi32, #tpu.memory_space<hbm>>
      %dma_wait3A_148 = tpu.memref_slice %arg3[%add3A_6] : memref<8192xi32, #tpu.memory_space<hbm>> -> memref<32xi32, #tpu.memory_space<hbm>>
      tpu.wait_dma2 semaphore(%run_scoped3A : memref<!tpu.dma_semaphore, #tpu.memory_space<semaphore_mem>>) src(%dma_wait3A_148 : memref<32xi32, #tpu.memory_space<hbm>>) dst(%arg6 : memref<32xi32, #tpu.memory_space<vmem>>)
      tpu.yield
    }) : () -> ()
    %add3A_7 = arith.constant 64 : i32
    %add3A_8 = arith.addi %mul3A_2, %add3A_7 : i32
    "tpu.region"() ({
      %run_scoped3A = tpu.sem_alloc : memref<!tpu.dma_semaphore, #tpu.memory_space<semaphore_mem>>
      %dma_start3A_145 = tpu.memref_slice %arg3[%add3A_8] : memref<8192xi32, #tpu.memory_space<hbm>> -> memref<32xi32, #tpu.memory_space<hbm>>
      %dma_start3A_146 = tpu.memref_slice %arg3[%add3A_8] : memref<8192xi32, #tpu.memory_space<hbm>> -> memref<32xi32, #tpu.memory_space<hbm>>
      tpu.enqueue_dma source(%dma_start3A_146 : memref<32xi32, #tpu.memory_space<hbm>>) target(%arg7 : memref<32xi32, #tpu.memory_space<vmem>>) target_semaphore(%run_scoped3A : memref<!tpu.dma_semaphore, #tpu.memory_space<semaphore_mem>>)
      %dma_wait3A_147 = tpu.memref_slice %arg3[%add3A_8] : memref<8192xi32, #tpu.memory_space<hbm>> -> memref<32xi32, #tpu.memory_space<hbm>>
      %dma_wait3A_148 = tpu.memref_slice %arg3[%add3A_8] : memref<8192xi32, #tpu.memory_space<hbm>> -> memref<32xi32, #tpu.memory_space<hbm>>
      tpu.wait_dma2 semaphore(%run_scoped3A : memref<!tpu.dma_semaphore, #tpu.memory_space<semaphore_mem>>) src(%dma_wait3A_148 : memref<32xi32, #tpu.memory_space<hbm>>) dst(%arg7 : memref<32xi32, #tpu.memory_space<vmem>>)
      tpu.yield
    }) : () -> ()
    %add3A_9 = arith.constant 96 : i32
    %add3A_10 = arith.addi %mul3A_2, %add3A_9 : i32
    "tpu.region"() ({
      %run_scoped3A = tpu.sem_alloc : memref<!tpu.dma_semaphore, #tpu.memory_space<semaphore_mem>>
      %dma_start3A_145 = tpu.memref_slice %arg3[%add3A_10] : memref<8192xi32, #tpu.memory_space<hbm>> -> memref<32xi32, #tpu.memory_space<hbm>>
      %dma_start3A_146 = tpu.memref_slice %arg3[%add3A_10] : memref<8192xi32, #tpu.memory_space<hbm>> -> memref<32xi32, #tpu.memory_space<hbm>>
      tpu.enqueue_dma source(%dma_start3A_146 : memref<32xi32, #tpu.memory_space<hbm>>) target(%arg8 : memref<32xi32, #tpu.memory_space<vmem>>) target_semaphore(%run_scoped3A : memref<!tpu.dma_semaphore, #tpu.memory_space<semaphore_mem>>)
      %dma_wait3A_147 = tpu.memref_slice %arg3[%add3A_10] : memref<8192xi32, #tpu.memory_space<hbm>> -> memref<32xi32, #tpu.memory_space<hbm>>
      %dma_wait3A_148 = tpu.memref_slice %arg3[%add3A_10] : memref<8192xi32, #tpu.memory_space<hbm>> -> memref<32xi32, #tpu.memory_space<hbm>>
      tpu.wait_dma2 semaphore(%run_scoped3A : memref<!tpu.dma_semaphore, #tpu.memory_space<semaphore_mem>>) src(%dma_wait3A_148 : memref<32xi32, #tpu.memory_space<hbm>>) dst(%arg8 : memref<32xi32, #tpu.memory_space<vmem>>)
      tpu.yield
    }) : () -> ()
    %add3A_11 = arith.constant 128 : i32
    %add3A_12 = arith.addi %mul3A_2, %add3A_11 : i32
    "tpu.region"() ({
      %run_scoped3A = tpu.sem_alloc : memref<!tpu.dma_semaphore, #tpu.memory_space<semaphore_mem>>
      %dma_start3A_145 = tpu.memref_slice %arg3[%add3A_12] : memref<8192xi32, #tpu.memory_space<hbm>> -> memref<32xi32, #tpu.memory_space<hbm>>
      %dma_start3A_146 = tpu.memref_slice %arg3[%add3A_12] : memref<8192xi32, #tpu.memory_space<hbm>> -> memref<32xi32, #tpu.memory_space<hbm>>
      tpu.enqueue_dma source(%dma_start3A_146 : memref<32xi32, #tpu.memory_space<hbm>>) target(%arg9 : memref<32xi32, #tpu.memory_space<vmem>>) target_semaphore(%run_scoped3A : memref<!tpu.dma_semaphore, #tpu.memory_space<semaphore_mem>>)
      %dma_wait3A_147 = tpu.memref_slice %arg3[%add3A_12] : memref<8192xi32, #tpu.memory_space<hbm>> -> memref<32xi32, #tpu.memory_space<hbm>>
      %dma_wait3A_148 = tpu.memref_slice %arg3[%add3A_12] : memref<8192xi32, #tpu.memory_space<hbm>> -> memref<32xi32, #tpu.memory_space<hbm>>
      tpu.wait_dma2 semaphore(%run_scoped3A : memref<!tpu.dma_semaphore, #tpu.memory_space<semaphore_mem>>) src(%dma_wait3A_148 : memref<32xi32, #tpu.memory_space<hbm>>) dst(%arg9 : memref<32xi32, #tpu.memory_space<vmem>>)
      tpu.yield
    }) : () -> ()
    %add3A_13 = arith.constant 160 : i32
    %add3A_14 = arith.addi %mul3A_2, %add3A_13 : i32
    "tpu.region"() ({
      %run_scoped3A = tpu.sem_alloc : memref<!tpu.dma_semaphore, #tpu.memory_space<semaphore_mem>>
      %dma_start3A_145 = tpu.memref_slice %arg3[%add3A_14] : memref<8192xi32, #tpu.memory_space<hbm>> -> memref<32xi32, #tpu.memory_space<hbm>>
      %dma_start3A_146 = tpu.memref_slice %arg3[%add3A_14] : memref<8192xi32, #tpu.memory_space<hbm>> -> memref<32xi32, #tpu.memory_space<hbm>>
      tpu.enqueue_dma source(%dma_start3A_146 : memref<32xi32, #tpu.memory_space<hbm>>) target(%arg10 : memref<32xi32, #tpu.memory_space<vmem>>) target_semaphore(%run_scoped3A : memref<!tpu.dma_semaphore, #tpu.memory_space<semaphore_mem>>)
      %dma_wait3A_147 = tpu.memref_slice %arg3[%add3A_14] : memref<8192xi32, #tpu.memory_space<hbm>> -> memref<32xi32, #tpu.memory_space<hbm>>
      %dma_wait3A_148 = tpu.memref_slice %arg3[%add3A_14] : memref<8192xi32, #tpu.memory_space<hbm>> -> memref<32xi32, #tpu.memory_space<hbm>>
      tpu.wait_dma2 semaphore(%run_scoped3A : memref<!tpu.dma_semaphore, #tpu.memory_space<semaphore_mem>>) src(%dma_wait3A_148 : memref<32xi32, #tpu.memory_space<hbm>>) dst(%arg10 : memref<32xi32, #tpu.memory_space<vmem>>)
      tpu.yield
    }) : () -> ()
    %add3A_15 = arith.constant 192 : i32
    %add3A_16 = arith.addi %mul3A_2, %add3A_15 : i32
    "tpu.region"() ({
      %run_scoped3A = tpu.sem_alloc : memref<!tpu.dma_semaphore, #tpu.memory_space<semaphore_mem>>
      %dma_start3A_145 = tpu.memref_slice %arg3[%add3A_16] : memref<8192xi32, #tpu.memory_space<hbm>> -> memref<32xi32, #tpu.memory_space<hbm>>
      %dma_start3A_146 = tpu.memref_slice %arg3[%add3A_16] : memref<8192xi32, #tpu.memory_space<hbm>> -> memref<32xi32, #tpu.memory_space<hbm>>
      tpu.enqueue_dma source(%dma_start3A_146 : memref<32xi32, #tpu.memory_space<hbm>>) target(%arg11 : memref<32xi32, #tpu.memory_space<vmem>>) target_semaphore(%run_scoped3A : memref<!tpu.dma_semaphore, #tpu.memory_space<semaphore_mem>>)
      %dma_wait3A_147 = tpu.memref_slice %arg3[%add3A_16] : memref<8192xi32, #tpu.memory_space<hbm>> -> memref<32xi32, #tpu.memory_space<hbm>>
      %dma_wait3A_148 = tpu.memref_slice %arg3[%add3A_16] : memref<8192xi32, #tpu.memory_space<hbm>> -> memref<32xi32, #tpu.memory_space<hbm>>
      tpu.wait_dma2 semaphore(%run_scoped3A : memref<!tpu.dma_semaphore, #tpu.memory_space<semaphore_mem>>) src(%dma_wait3A_148 : memref<32xi32, #tpu.memory_space<hbm>>) dst(%arg11 : memref<32xi32, #tpu.memory_space<vmem>>)
      tpu.yield
    }) : () -> ()
    %add3A_17 = arith.constant 224 : i32
    %add3A_18 = arith.addi %mul3A_2, %add3A_17 : i32
    "tpu.region"() ({
      %run_scoped3A = tpu.sem_alloc : memref<!tpu.dma_semaphore, #tpu.memory_space<semaphore_mem>>
      %dma_start3A_145 = tpu.memref_slice %arg3[%add3A_18] : memref<8192xi32, #tpu.memory_space<hbm>> -> memref<32xi32, #tpu.memory_space<hbm>>
      %dma_start3A_146 = tpu.memref_slice %arg3[%add3A_18] : memref<8192xi32, #tpu.memory_space<hbm>> -> memref<32xi32, #tpu.memory_space<hbm>>
      tpu.enqueue_dma source(%dma_start3A_146 : memref<32xi32, #tpu.memory_space<hbm>>) target(%arg12 : memref<32xi32, #tpu.memory_space<vmem>>) target_semaphore(%run_scoped3A : memref<!tpu.dma_semaphore, #tpu.memory_space<semaphore_mem>>)
      %dma_wait3A_147 = tpu.memref_slice %arg3[%add3A_18] : memref<8192xi32, #tpu.memory_space<hbm>> -> memref<32xi32, #tpu.memory_space<hbm>>
      %dma_wait3A_148 = tpu.memref_slice %arg3[%add3A_18] : memref<8192xi32, #tpu.memory_space<hbm>> -> memref<32xi32, #tpu.memory_space<hbm>>
      tpu.wait_dma2 semaphore(%run_scoped3A : memref<!tpu.dma_semaphore, #tpu.memory_space<semaphore_mem>>) src(%dma_wait3A_148 : memref<32xi32, #tpu.memory_space<hbm>>) dst(%arg12 : memref<32xi32, #tpu.memory_space<vmem>>)
      tpu.yield
    }) : () -> ()
    %dma_start3A = arith.constant 0 : i32
    %dma_start3A_19 = arith.constant 0 : i32
    %dma_start3A_20 = tpu.memref_slice %arg2[%dma_start3A, %dma_start3A_19] : memref<10240x1024xf32, #tpu.memory_space<hbm>> -> memref<10240x1024xf32, #tpu.memory_space<hbm>>
    tpu.enqueue_indirect_dma source(%dma_start3A_20 : memref<10240x1024xf32, #tpu.memory_space<hbm>>) target(%arg13 : memref<32x1024xf32, #tpu.memory_space<vmem>>) offsets(%arg5 : memref<32xi32, #tpu.memory_space<vmem>>) semaphore(%arg15 : memref<!tpu.dma_semaphore, #tpu.memory_space<semaphore_mem>>)
    %dma_start3A_21 = arith.constant 0 : i32
    %dma_start3A_22 = arith.constant 0 : i32
    %dma_start3A_23 = tpu.memref_slice %arg2[%dma_start3A_21, %dma_start3A_22] : memref<10240x1024xf32, #tpu.memory_space<hbm>> -> memref<10240x1024xf32, #tpu.memory_space<hbm>>
    tpu.enqueue_indirect_dma source(%dma_start3A_23 : memref<10240x1024xf32, #tpu.memory_space<hbm>>) target(%arg14 : memref<32x1024xf32, #tpu.memory_space<vmem>>) offsets(%arg6 : memref<32xi32, #tpu.memory_space<vmem>>) semaphore(%arg16 : memref<!tpu.dma_semaphore, #tpu.memory_space<semaphore_mem>>)
    %dma_wait3A = arith.constant 0 : i32
    %dma_wait3A_24 = arith.constant 0 : i32
    %dma_wait3A_25 = tpu.memref_slice %arg2[%dma_wait3A, %dma_wait3A_24] : memref<10240x1024xf32, #tpu.memory_space<hbm>> -> memref<10240x1024xf32, #tpu.memory_space<hbm>>
    tpu.wait_indirect_dma semaphore(%arg15 : memref<!tpu.dma_semaphore, #tpu.memory_space<semaphore_mem>>) src(%dma_wait3A_25 : memref<10240x1024xf32, #tpu.memory_space<hbm>>) dst(%arg13 : memref<32x1024xf32, #tpu.memory_space<vmem>>)
    %add3A_26 = arith.constant 0 : i32
    %add3A_27 = arith.addi %mul3A_2, %add3A_26 : i32
    %dma_start3A_28 = arith.constant 0 : i32
    %dma_start3A_29 = tpu.memref_slice %arg4[%add3A_27, %dma_start3A_28] : memref<8192x1024xf32, #tpu.memory_space<hbm>> -> memref<32x1024xf32, #tpu.memory_space<hbm>>
    %dma_start3A_30 = arith.constant 0 : i32
    %dma_start3A_31 = tpu.memref_slice %arg4[%add3A_27, %dma_start3A_30] : memref<8192x1024xf32, #tpu.memory_space<hbm>> -> memref<32x1024xf32, #tpu.memory_space<hbm>>
    tpu.enqueue_dma source(%arg13 : memref<32x1024xf32, #tpu.memory_space<vmem>>) target(%dma_start3A_31 : memref<32x1024xf32, #tpu.memory_space<hbm>>) target_semaphore(%arg17 : memref<!tpu.dma_semaphore, #tpu.memory_space<semaphore_mem>>)
    %dma_wait3A_32 = arith.constant 0 : i32
    %dma_wait3A_33 = tpu.memref_slice %arg4[%add3A_27, %dma_wait3A_32] : memref<8192x1024xf32, #tpu.memory_space<hbm>> -> memref<32x1024xf32, #tpu.memory_space<hbm>>
    %dma_wait3A_34 = arith.constant 0 : i32
    %dma_wait3A_35 = tpu.memref_slice %arg4[%add3A_27, %dma_wait3A_34] : memref<8192x1024xf32, #tpu.memory_space<hbm>> -> memref<32x1024xf32, #tpu.memory_space<hbm>>
    tpu.wait_dma2 semaphore(%arg17 : memref<!tpu.dma_semaphore, #tpu.memory_space<semaphore_mem>>) src(%arg13 : memref<32x1024xf32, #tpu.memory_space<vmem>>) dst(%dma_wait3A_35 : memref<32x1024xf32, #tpu.memory_space<hbm>>)
    %dma_start3A_36 = arith.constant 0 : i32
    %dma_start3A_37 = arith.constant 0 : i32
    %dma_start3A_38 = tpu.memref_slice %arg2[%dma_start3A_36, %dma_start3A_37] : memref<10240x1024xf32, #tpu.memory_space<hbm>> -> memref<10240x1024xf32, #tpu.memory_space<hbm>>
    tpu.enqueue_indirect_dma source(%dma_start3A_38 : memref<10240x1024xf32, #tpu.memory_space<hbm>>) target(%arg13 : memref<32x1024xf32, #tpu.memory_space<vmem>>) offsets(%arg7 : memref<32xi32, #tpu.memory_space<vmem>>) semaphore(%arg15 : memref<!tpu.dma_semaphore, #tpu.memory_space<semaphore_mem>>)
    %dma_wait3A_39 = arith.constant 0 : i32
    %dma_wait3A_40 = arith.constant 0 : i32
    %dma_wait3A_41 = tpu.memref_slice %arg2[%dma_wait3A_39, %dma_wait3A_40] : memref<10240x1024xf32, #tpu.memory_space<hbm>> -> memref<10240x1024xf32, #tpu.memory_space<hbm>>
    tpu.wait_indirect_dma semaphore(%arg16 : memref<!tpu.dma_semaphore, #tpu.memory_space<semaphore_mem>>) src(%dma_wait3A_41 : memref<10240x1024xf32, #tpu.memory_space<hbm>>) dst(%arg14 : memref<32x1024xf32, #tpu.memory_space<vmem>>)
    %add3A_42 = arith.constant 32 : i32
    %add3A_43 = arith.addi %mul3A_2, %add3A_42 : i32
    %dma_start3A_44 = arith.constant 0 : i32
    %dma_start3A_45 = tpu.memref_slice %arg4[%add3A_43, %dma_start3A_44] : memref<8192x1024xf32, #tpu.memory_space<hbm>> -> memref<32x1024xf32, #tpu.memory_space<hbm>>
    %dma_start3A_46 = arith.constant 0 : i32
    %dma_start3A_47 = tpu.memref_slice %arg4[%add3A_43, %dma_start3A_46] : memref<8192x1024xf32, #tpu.memory_space<hbm>> -> memref<32x1024xf32, #tpu.memory_space<hbm>>
    tpu.enqueue_dma source(%arg14 : memref<32x1024xf32, #tpu.memory_space<vmem>>) target(%dma_start3A_47 : memref<32x1024xf32, #tpu.memory_space<hbm>>) target_semaphore(%arg18 : memref<!tpu.dma_semaphore, #tpu.memory_space<semaphore_mem>>)
    %dma_wait3A_48 = arith.constant 0 : i32
    %dma_wait3A_49 = tpu.memref_slice %arg4[%add3A_43, %dma_wait3A_48] : memref<8192x1024xf32, #tpu.memory_space<hbm>> -> memref<32x1024xf32, #tpu.memory_space<hbm>>
    %dma_wait3A_50 = arith.constant 0 : i32
    %dma_wait3A_51 = tpu.memref_slice %arg4[%add3A_43, %dma_wait3A_50] : memref<8192x1024xf32, #tpu.memory_space<hbm>> -> memref<32x1024xf32, #tpu.memory_space<hbm>>
    tpu.wait_dma2 semaphore(%arg18 : memref<!tpu.dma_semaphore, #tpu.memory_space<semaphore_mem>>) src(%arg14 : memref<32x1024xf32, #tpu.memory_space<vmem>>) dst(%dma_wait3A_51 : memref<32x1024xf32, #tpu.memory_space<hbm>>)
    %dma_start3A_52 = arith.constant 0 : i32
    %dma_start3A_53 = arith.constant 0 : i32
    %dma_start3A_54 = tpu.memref_slice %arg2[%dma_start3A_52, %dma_start3A_53] : memref<10240x1024xf32, #tpu.memory_space<hbm>> -> memref<10240x1024xf32, #tpu.memory_space<hbm>>
    tpu.enqueue_indirect_dma source(%dma_start3A_54 : memref<10240x1024xf32, #tpu.memory_space<hbm>>) target(%arg14 : memref<32x1024xf32, #tpu.memory_space<vmem>>) offsets(%arg8 : memref<32xi32, #tpu.memory_space<vmem>>) semaphore(%arg16 : memref<!tpu.dma_semaphore, #tpu.memory_space<semaphore_mem>>)
    %dma_wait3A_55 = arith.constant 0 : i32
    %dma_wait3A_56 = arith.constant 0 : i32
    %dma_wait3A_57 = tpu.memref_slice %arg2[%dma_wait3A_55, %dma_wait3A_56] : memref<10240x1024xf32, #tpu.memory_space<hbm>> -> memref<10240x1024xf32, #tpu.memory_space<hbm>>
    tpu.wait_indirect_dma semaphore(%arg15 : memref<!tpu.dma_semaphore, #tpu.memory_space<semaphore_mem>>) src(%dma_wait3A_57 : memref<10240x1024xf32, #tpu.memory_space<hbm>>) dst(%arg13 : memref<32x1024xf32, #tpu.memory_space<vmem>>)
    %add3A_58 = arith.constant 64 : i32
    %add3A_59 = arith.addi %mul3A_2, %add3A_58 : i32
    %dma_start3A_60 = arith.constant 0 : i32
    %dma_start3A_61 = tpu.memref_slice %arg4[%add3A_59, %dma_start3A_60] : memref<8192x1024xf32, #tpu.memory_space<hbm>> -> memref<32x1024xf32, #tpu.memory_space<hbm>>
    %dma_start3A_62 = arith.constant 0 : i32
    %dma_start3A_63 = tpu.memref_slice %arg4[%add3A_59, %dma_start3A_62] : memref<8192x1024xf32, #tpu.memory_space<hbm>> -> memref<32x1024xf32, #tpu.memory_space<hbm>>
    tpu.enqueue_dma source(%arg13 : memref<32x1024xf32, #tpu.memory_space<vmem>>) target(%dma_start3A_63 : memref<32x1024xf32, #tpu.memory_space<hbm>>) target_semaphore(%arg17 : memref<!tpu.dma_semaphore, #tpu.memory_space<semaphore_mem>>)
    %dma_wait3A_64 = arith.constant 0 : i32
    %dma_wait3A_65 = tpu.memref_slice %arg4[%add3A_59, %dma_wait3A_64] : memref<8192x1024xf32, #tpu.memory_space<hbm>> -> memref<32x1024xf32, #tpu.memory_space<hbm>>
    %dma_wait3A_66 = arith.constant 0 : i32
    %dma_wait3A_67 = tpu.memref_slice %arg4[%add3A_59, %dma_wait3A_66] : memref<8192x1024xf32, #tpu.memory_space<hbm>> -> memref<32x1024xf32, #tpu.memory_space<hbm>>
    tpu.wait_dma2 semaphore(%arg17 : memref<!tpu.dma_semaphore, #tpu.memory_space<semaphore_mem>>) src(%arg13 : memref<32x1024xf32, #tpu.memory_space<vmem>>) dst(%dma_wait3A_67 : memref<32x1024xf32, #tpu.memory_space<hbm>>)
    %dma_start3A_68 = arith.constant 0 : i32
    %dma_start3A_69 = arith.constant 0 : i32
    %dma_start3A_70 = tpu.memref_slice %arg2[%dma_start3A_68, %dma_start3A_69] : memref<10240x1024xf32, #tpu.memory_space<hbm>> -> memref<10240x1024xf32, #tpu.memory_space<hbm>>
    tpu.enqueue_indirect_dma source(%dma_start3A_70 : memref<10240x1024xf32, #tpu.memory_space<hbm>>) target(%arg13 : memref<32x1024xf32, #tpu.memory_space<vmem>>) offsets(%arg9 : memref<32xi32, #tpu.memory_space<vmem>>) semaphore(%arg15 : memref<!tpu.dma_semaphore, #tpu.memory_space<semaphore_mem>>)
    %dma_wait3A_71 = arith.constant 0 : i32
    %dma_wait3A_72 = arith.constant 0 : i32
    %dma_wait3A_73 = tpu.memref_slice %arg2[%dma_wait3A_71, %dma_wait3A_72] : memref<10240x1024xf32, #tpu.memory_space<hbm>> -> memref<10240x1024xf32, #tpu.memory_space<hbm>>
    tpu.wait_indirect_dma semaphore(%arg16 : memref<!tpu.dma_semaphore, #tpu.memory_space<semaphore_mem>>) src(%dma_wait3A_73 : memref<10240x1024xf32, #tpu.memory_space<hbm>>) dst(%arg14 : memref<32x1024xf32, #tpu.memory_space<vmem>>)
    %add3A_74 = arith.constant 96 : i32
    %add3A_75 = arith.addi %mul3A_2, %add3A_74 : i32
    %dma_start3A_76 = arith.constant 0 : i32
    %dma_start3A_77 = tpu.memref_slice %arg4[%add3A_75, %dma_start3A_76] : memref<8192x1024xf32, #tpu.memory_space<hbm>> -> memref<32x1024xf32, #tpu.memory_space<hbm>>
    %dma_start3A_78 = arith.constant 0 : i32
    %dma_start3A_79 = tpu.memref_slice %arg4[%add3A_75, %dma_start3A_78] : memref<8192x1024xf32, #tpu.memory_space<hbm>> -> memref<32x1024xf32, #tpu.memory_space<hbm>>
    tpu.enqueue_dma source(%arg14 : memref<32x1024xf32, #tpu.memory_space<vmem>>) target(%dma_start3A_79 : memref<32x1024xf32, #tpu.memory_space<hbm>>) target_semaphore(%arg18 : memref<!tpu.dma_semaphore, #tpu.memory_space<semaphore_mem>>)
    %dma_wait3A_80 = arith.constant 0 : i32
    %dma_wait3A_81 = tpu.memref_slice %arg4[%add3A_75, %dma_wait3A_80] : memref<8192x1024xf32, #tpu.memory_space<hbm>> -> memref<32x1024xf32, #tpu.memory_space<hbm>>
    %dma_wait3A_82 = arith.constant 0 : i32
    %dma_wait3A_83 = tpu.memref_slice %arg4[%add3A_75, %dma_wait3A_82] : memref<8192x1024xf32, #tpu.memory_space<hbm>> -> memref<32x1024xf32, #tpu.memory_space<hbm>>
    tpu.wait_dma2 semaphore(%arg18 : memref<!tpu.dma_semaphore, #tpu.memory_space<semaphore_mem>>) src(%arg14 : memref<32x1024xf32, #tpu.memory_space<vmem>>) dst(%dma_wait3A_83 : memref<32x1024xf32, #tpu.memory_space<hbm>>)
    %dma_start3A_84 = arith.constant 0 : i32
    %dma_start3A_85 = arith.constant 0 : i32
    %dma_start3A_86 = tpu.memref_slice %arg2[%dma_start3A_84, %dma_start3A_85] : memref<10240x1024xf32, #tpu.memory_space<hbm>> -> memref<10240x1024xf32, #tpu.memory_space<hbm>>
    tpu.enqueue_indirect_dma source(%dma_start3A_86 : memref<10240x1024xf32, #tpu.memory_space<hbm>>) target(%arg14 : memref<32x1024xf32, #tpu.memory_space<vmem>>) offsets(%arg10 : memref<32xi32, #tpu.memory_space<vmem>>) semaphore(%arg16 : memref<!tpu.dma_semaphore, #tpu.memory_space<semaphore_mem>>)
    %dma_wait3A_87 = arith.constant 0 : i32
    %dma_wait3A_88 = arith.constant 0 : i32
    %dma_wait3A_89 = tpu.memref_slice %arg2[%dma_wait3A_87, %dma_wait3A_88] : memref<10240x1024xf32, #tpu.memory_space<hbm>> -> memref<10240x1024xf32, #tpu.memory_space<hbm>>
    tpu.wait_indirect_dma semaphore(%arg15 : memref<!tpu.dma_semaphore, #tpu.memory_space<semaphore_mem>>) src(%dma_wait3A_89 : memref<10240x1024xf32, #tpu.memory_space<hbm>>) dst(%arg13 : memref<32x1024xf32, #tpu.memory_space<vmem>>)
    %add3A_90 = arith.constant 128 : i32
    %add3A_91 = arith.addi %mul3A_2, %add3A_90 : i32
    %dma_start3A_92 = arith.constant 0 : i32
    %dma_start3A_93 = tpu.memref_slice %arg4[%add3A_91, %dma_start3A_92] : memref<8192x1024xf32, #tpu.memory_space<hbm>> -> memref<32x1024xf32, #tpu.memory_space<hbm>>
    %dma_start3A_94 = arith.constant 0 : i32
    %dma_start3A_95 = tpu.memref_slice %arg4[%add3A_91, %dma_start3A_94] : memref<8192x1024xf32, #tpu.memory_space<hbm>> -> memref<32x1024xf32, #tpu.memory_space<hbm>>
    tpu.enqueue_dma source(%arg13 : memref<32x1024xf32, #tpu.memory_space<vmem>>) target(%dma_start3A_95 : memref<32x1024xf32, #tpu.memory_space<hbm>>) target_semaphore(%arg17 : memref<!tpu.dma_semaphore, #tpu.memory_space<semaphore_mem>>)
    %dma_wait3A_96 = arith.constant 0 : i32
    %dma_wait3A_97 = tpu.memref_slice %arg4[%add3A_91, %dma_wait3A_96] : memref<8192x1024xf32, #tpu.memory_space<hbm>> -> memref<32x1024xf32, #tpu.memory_space<hbm>>
    %dma_wait3A_98 = arith.constant 0 : i32
    %dma_wait3A_99 = tpu.memref_slice %arg4[%add3A_91, %dma_wait3A_98] : memref<8192x1024xf32, #tpu.memory_space<hbm>> -> memref<32x1024xf32, #tpu.memory_space<hbm>>
    tpu.wait_dma2 semaphore(%arg17 : memref<!tpu.dma_semaphore, #tpu.memory_space<semaphore_mem>>) src(%arg13 : memref<32x1024xf32, #tpu.memory_space<vmem>>) dst(%dma_wait3A_99 : memref<32x1024xf32, #tpu.memory_space<hbm>>)
    %dma_start3A_100 = arith.constant 0 : i32
    %dma_start3A_101 = arith.constant 0 : i32
    %dma_start3A_102 = tpu.memref_slice %arg2[%dma_start3A_100, %dma_start3A_101] : memref<10240x1024xf32, #tpu.memory_space<hbm>> -> memref<10240x1024xf32, #tpu.memory_space<hbm>>
    tpu.enqueue_indirect_dma source(%dma_start3A_102 : memref<10240x1024xf32, #tpu.memory_space<hbm>>) target(%arg13 : memref<32x1024xf32, #tpu.memory_space<vmem>>) offsets(%arg11 : memref<32xi32, #tpu.memory_space<vmem>>) semaphore(%arg15 : memref<!tpu.dma_semaphore, #tpu.memory_space<semaphore_mem>>)
    %dma_wait3A_103 = arith.constant 0 : i32
    %dma_wait3A_104 = arith.constant 0 : i32
    %dma_wait3A_105 = tpu.memref_slice %arg2[%dma_wait3A_103, %dma_wait3A_104] : memref<10240x1024xf32, #tpu.memory_space<hbm>> -> memref<10240x1024xf32, #tpu.memory_space<hbm>>
    tpu.wait_indirect_dma semaphore(%arg16 : memref<!tpu.dma_semaphore, #tpu.memory_space<semaphore_mem>>) src(%dma_wait3A_105 : memref<10240x1024xf32, #tpu.memory_space<hbm>>) dst(%arg14 : memref<32x1024xf32, #tpu.memory_space<vmem>>)
    %add3A_106 = arith.constant 160 : i32
    %add3A_107 = arith.addi %mul3A_2, %add3A_106 : i32
    %dma_start3A_108 = arith.constant 0 : i32
    %dma_start3A_109 = tpu.memref_slice %arg4[%add3A_107, %dma_start3A_108] : memref<8192x1024xf32, #tpu.memory_space<hbm>> -> memref<32x1024xf32, #tpu.memory_space<hbm>>
    %dma_start3A_110 = arith.constant 0 : i32
    %dma_start3A_111 = tpu.memref_slice %arg4[%add3A_107, %dma_start3A_110] : memref<8192x1024xf32, #tpu.memory_space<hbm>> -> memref<32x1024xf32, #tpu.memory_space<hbm>>
    tpu.enqueue_dma source(%arg14 : memref<32x1024xf32, #tpu.memory_space<vmem>>) target(%dma_start3A_111 : memref<32x1024xf32, #tpu.memory_space<hbm>>) target_semaphore(%arg18 : memref<!tpu.dma_semaphore, #tpu.memory_space<semaphore_mem>>)
    %dma_wait3A_112 = arith.constant 0 : i32
    %dma_wait3A_113 = tpu.memref_slice %arg4[%add3A_107, %dma_wait3A_112] : memref<8192x1024xf32, #tpu.memory_space<hbm>> -> memref<32x1024xf32, #tpu.memory_space<hbm>>
    %dma_wait3A_114 = arith.constant 0 : i32
    %dma_wait3A_115 = tpu.memref_slice %arg4[%add3A_107, %dma_wait3A_114] : memref<8192x1024xf32, #tpu.memory_space<hbm>> -> memref<32x1024xf32, #tpu.memory_space<hbm>>
    tpu.wait_dma2 semaphore(%arg18 : memref<!tpu.dma_semaphore, #tpu.memory_space<semaphore_mem>>) src(%arg14 : memref<32x1024xf32, #tpu.memory_space<vmem>>) dst(%dma_wait3A_115 : memref<32x1024xf32, #tpu.memory_space<hbm>>)
    %dma_start3A_116 = arith.constant 0 : i32
    %dma_start3A_117 = arith.constant 0 : i32
    %dma_start3A_118 = tpu.memref_slice %arg2[%dma_start3A_116, %dma_start3A_117] : memref<10240x1024xf32, #tpu.memory_space<hbm>> -> memref<10240x1024xf32, #tpu.memory_space<hbm>>
    tpu.enqueue_indirect_dma source(%dma_start3A_118 : memref<10240x1024xf32, #tpu.memory_space<hbm>>) target(%arg14 : memref<32x1024xf32, #tpu.memory_space<vmem>>) offsets(%arg12 : memref<32xi32, #tpu.memory_space<vmem>>) semaphore(%arg16 : memref<!tpu.dma_semaphore, #tpu.memory_space<semaphore_mem>>)
    %dma_wait3A_119 = arith.constant 0 : i32
    %dma_wait3A_120 = arith.constant 0 : i32
    %dma_wait3A_121 = tpu.memref_slice %arg2[%dma_wait3A_119, %dma_wait3A_120] : memref<10240x1024xf32, #tpu.memory_space<hbm>> -> memref<10240x1024xf32, #tpu.memory_space<hbm>>
    tpu.wait_indirect_dma semaphore(%arg15 : memref<!tpu.dma_semaphore, #tpu.memory_space<semaphore_mem>>) src(%dma_wait3A_121 : memref<10240x1024xf32, #tpu.memory_space<hbm>>) dst(%arg13 : memref<32x1024xf32, #tpu.memory_space<vmem>>)
    %add3A_122 = arith.constant 192 : i32
    %add3A_123 = arith.addi %mul3A_2, %add3A_122 : i32
    %dma_start3A_124 = arith.constant 0 : i32
    %dma_start3A_125 = tpu.memref_slice %arg4[%add3A_123, %dma_start3A_124] : memref<8192x1024xf32, #tpu.memory_space<hbm>> -> memref<32x1024xf32, #tpu.memory_space<hbm>>
    %dma_start3A_126 = arith.constant 0 : i32
    %dma_start3A_127 = tpu.memref_slice %arg4[%add3A_123, %dma_start3A_126] : memref<8192x1024xf32, #tpu.memory_space<hbm>> -> memref<32x1024xf32, #tpu.memory_space<hbm>>
    tpu.enqueue_dma source(%arg13 : memref<32x1024xf32, #tpu.memory_space<vmem>>) target(%dma_start3A_127 : memref<32x1024xf32, #tpu.memory_space<hbm>>) target_semaphore(%arg17 : memref<!tpu.dma_semaphore, #tpu.memory_space<semaphore_mem>>)
    %dma_wait3A_128 = arith.constant 0 : i32
    %dma_wait3A_129 = arith.constant 0 : i32
    %dma_wait3A_130 = tpu.memref_slice %arg2[%dma_wait3A_128, %dma_wait3A_129] : memref<10240x1024xf32, #tpu.memory_space<hbm>> -> memref<10240x1024xf32, #tpu.memory_space<hbm>>
    tpu.wait_indirect_dma semaphore(%arg16 : memref<!tpu.dma_semaphore, #tpu.memory_space<semaphore_mem>>) src(%dma_wait3A_130 : memref<10240x1024xf32, #tpu.memory_space<hbm>>) dst(%arg14 : memref<32x1024xf32, #tpu.memory_space<vmem>>)
    %add3A_131 = arith.constant 224 : i32
    %add3A_132 = arith.addi %mul3A_2, %add3A_131 : i32
    %dma_start3A_133 = arith.constant 0 : i32
    %dma_start3A_134 = tpu.memref_slice %arg4[%add3A_132, %dma_start3A_133] : memref<8192x1024xf32, #tpu.memory_space<hbm>> -> memref<32x1024xf32, #tpu.memory_space<hbm>>
    %dma_start3A_135 = arith.constant 0 : i32
    %dma_start3A_136 = tpu.memref_slice %arg4[%add3A_132, %dma_start3A_135] : memref<8192x1024xf32, #tpu.memory_space<hbm>> -> memref<32x1024xf32, #tpu.memory_space<hbm>>
    tpu.enqueue_dma source(%arg14 : memref<32x1024xf32, #tpu.memory_space<vmem>>) target(%dma_start3A_136 : memref<32x1024xf32, #tpu.memory_space<hbm>>) target_semaphore(%arg18 : memref<!tpu.dma_semaphore, #tpu.memory_space<semaphore_mem>>)
    %dma_wait3A_137 = arith.constant 0 : i32
    %dma_wait3A_138 = tpu.memref_slice %arg4[%add3A_123, %dma_wait3A_137] : memref<8192x1024xf32, #tpu.memory_space<hbm>> -> memref<32x1024xf32, #tpu.memory_space<hbm>>
    %dma_wait3A_139 = arith.constant 0 : i32
    %dma_wait3A_140 = tpu.memref_slice %arg4[%add3A_123, %dma_wait3A_139] : memref<8192x1024xf32, #tpu.memory_space<hbm>> -> memref<32x1024xf32, #tpu.memory_space<hbm>>
    tpu.wait_dma2 semaphore(%arg17 : memref<!tpu.dma_semaphore, #tpu.memory_space<semaphore_mem>>) src(%arg13 : memref<32x1024xf32, #tpu.memory_space<vmem>>) dst(%dma_wait3A_140 : memref<32x1024xf32, #tpu.memory_space<hbm>>)
    %dma_wait3A_141 = arith.constant 0 : i32
    %dma_wait3A_142 = tpu.memref_slice %arg4[%add3A_132, %dma_wait3A_141] : memref<8192x1024xf32, #tpu.memory_space<hbm>> -> memref<32x1024xf32, #tpu.memory_space<hbm>>
    %dma_wait3A_143 = arith.constant 0 : i32
    %dma_wait3A_144 = tpu.memref_slice %arg4[%add3A_132, %dma_wait3A_143] : memref<8192x1024xf32, #tpu.memory_space<hbm>> -> memref<32x1024xf32, #tpu.memory_space<hbm>>
    tpu.wait_dma2 semaphore(%arg18 : memref<!tpu.dma_semaphore, #tpu.memory_space<semaphore_mem>>) src(%arg14 : memref<32x1024xf32, #tpu.memory_space<vmem>>) dst(%dma_wait3A_144 : memref<32x1024xf32, #tpu.memory_space<hbm>>)
    return
  }
}

#map = affine_map<(d0, d1) -> (0, 0)>
#map1 = affine_map<(d0, d1) -> (0)>
module attributes {stable_mosaic.version = 14 : i64} {
  func.func @body(%arg0: i32, %arg1: i32, %arg2: memref<4096x1024xf32, #tpu.memory_space<hbm>>, %arg3: memref<8192xi32, #tpu.memory_space<hbm>>, %arg4: memref<8192xi32, #tpu.memory_space<hbm>>, %arg5: memref<10240x1024xf32, #tpu.memory_space<hbm>>, %arg6: memref<32xi32, #tpu.memory_space<vmem>>, %arg7: memref<32xi32, #tpu.memory_space<vmem>>, %arg8: memref<32xi32, #tpu.memory_space<vmem>>, %arg9: memref<32xi32, #tpu.memory_space<vmem>>, %arg10: memref<32xi32, #tpu.memory_space<vmem>>, %arg11: memref<32xi32, #tpu.memory_space<vmem>>, %arg12: memref<32xi32, #tpu.memory_space<vmem>>, %arg13: memref<32xi32, #tpu.memory_space<vmem>>, %arg14: memref<32xi32, #tpu.memory_space<vmem>>, %arg15: memref<32xi32, #tpu.memory_space<vmem>>, %arg16: memref<32xi32, #tpu.memory_space<vmem>>, %arg17: memref<32xi32, #tpu.memory_space<vmem>>, %arg18: memref<32xi32, #tpu.memory_space<vmem>>, %arg19: memref<32xi32, #tpu.memory_space<vmem>>, %arg20: memref<32xi32, #tpu.memory_space<vmem>>, %arg21: memref<32xi32, #tpu.memory_space<vmem>>, %arg22: memref<32x1024xf32, #tpu.memory_space<vmem>>, %arg23: memref<32x1024xf32, #tpu.memory_space<vmem>>, %arg24: memref<!tpu.dma_semaphore, #tpu.memory_space<semaphore_mem>>, %arg25: memref<!tpu.dma_semaphore, #tpu.memory_space<semaphore_mem>>, %arg26: memref<!tpu.dma_semaphore, #tpu.memory_space<semaphore_mem>>, %arg27: memref<!tpu.dma_semaphore, #tpu.memory_space<semaphore_mem>>) attributes {dimension_semantics = [#tpu.dimension_semantics<core_parallel>, #tpu.dimension_semantics<subcore_parallel>], iteration_bounds = array<i64: 2, 16>, scalar_prefetch = 0 : i64, scratch_operands = 22 : i64, tpu.core_type = #tpu.core_type<sc_vector_subcore>, window_params = [{transform_indices = #map}, {transform_indices = #map1}, {transform_indices = #map1}, {transform_indices = #map}]} {
    %mul3A = arith.constant 2 : i32
    %mul3A_0 = arith.muli %arg1, %mul3A : i32
    %add3A = arith.addi %mul3A_0, %arg0 : i32
    %mul3A_1 = arith.constant 256 : i32
    %mul3A_2 = arith.muli %add3A, %mul3A_1 : i32
    %add3A_3 = arith.constant 0 : i32
    %add3A_4 = arith.addi %mul3A_2, %add3A_3 : i32
    "tpu.region"() ({
      %run_scoped3A = tpu.sem_alloc : memref<!tpu.dma_semaphore, #tpu.memory_space<semaphore_mem>>
      %dma_start3A_129 = tpu.memref_slice %arg3[%add3A_4] : memref<8192xi32, #tpu.memory_space<hbm>> -> memref<32xi32, #tpu.memory_space<hbm>>
      %dma_start3A_130 = tpu.memref_slice %arg3[%add3A_4] : memref<8192xi32, #tpu.memory_space<hbm>> -> memref<32xi32, #tpu.memory_space<hbm>>
      tpu.enqueue_dma source(%dma_start3A_130 : memref<32xi32, #tpu.memory_space<hbm>>) target(%arg6 : memref<32xi32, #tpu.memory_space<vmem>>) target_semaphore(%run_scoped3A : memref<!tpu.dma_semaphore, #tpu.memory_space<semaphore_mem>>)
      %dma_wait3A_131 = tpu.memref_slice %arg3[%add3A_4] : memref<8192xi32, #tpu.memory_space<hbm>> -> memref<32xi32, #tpu.memory_space<hbm>>
      %dma_wait3A_132 = tpu.memref_slice %arg3[%add3A_4] : memref<8192xi32, #tpu.memory_space<hbm>> -> memref<32xi32, #tpu.memory_space<hbm>>
      tpu.wait_dma2 semaphore(%run_scoped3A : memref<!tpu.dma_semaphore, #tpu.memory_space<semaphore_mem>>) src(%dma_wait3A_132 : memref<32xi32, #tpu.memory_space<hbm>>) dst(%arg6 : memref<32xi32, #tpu.memory_space<vmem>>)
      tpu.yield
    }) : () -> ()
    %add3A_5 = arith.constant 0 : i32
    %add3A_6 = arith.addi %mul3A_2, %add3A_5 : i32
    "tpu.region"() ({
      %run_scoped3A = tpu.sem_alloc : memref<!tpu.dma_semaphore, #tpu.memory_space<semaphore_mem>>
      %dma_start3A_129 = tpu.memref_slice %arg4[%add3A_6] : memref<8192xi32, #tpu.memory_space<hbm>> -> memref<32xi32, #tpu.memory_space<hbm>>
      %dma_start3A_130 = tpu.memref_slice %arg4[%add3A_6] : memref<8192xi32, #tpu.memory_space<hbm>> -> memref<32xi32, #tpu.memory_space<hbm>>
      tpu.enqueue_dma source(%dma_start3A_130 : memref<32xi32, #tpu.memory_space<hbm>>) target(%arg14 : memref<32xi32, #tpu.memory_space<vmem>>) target_semaphore(%run_scoped3A : memref<!tpu.dma_semaphore, #tpu.memory_space<semaphore_mem>>)
      %dma_wait3A_131 = tpu.memref_slice %arg4[%add3A_6] : memref<8192xi32, #tpu.memory_space<hbm>> -> memref<32xi32, #tpu.memory_space<hbm>>
      %dma_wait3A_132 = tpu.memref_slice %arg4[%add3A_6] : memref<8192xi32, #tpu.memory_space<hbm>> -> memref<32xi32, #tpu.memory_space<hbm>>
      tpu.wait_dma2 semaphore(%run_scoped3A : memref<!tpu.dma_semaphore, #tpu.memory_space<semaphore_mem>>) src(%dma_wait3A_132 : memref<32xi32, #tpu.memory_space<hbm>>) dst(%arg14 : memref<32xi32, #tpu.memory_space<vmem>>)
      tpu.yield
    }) : () -> ()
    %add3A_7 = arith.constant 32 : i32
    %add3A_8 = arith.addi %mul3A_2, %add3A_7 : i32
    "tpu.region"() ({
      %run_scoped3A = tpu.sem_alloc : memref<!tpu.dma_semaphore, #tpu.memory_space<semaphore_mem>>
      %dma_start3A_129 = tpu.memref_slice %arg3[%add3A_8] : memref<8192xi32, #tpu.memory_space<hbm>> -> memref<32xi32, #tpu.memory_space<hbm>>
      %dma_start3A_130 = tpu.memref_slice %arg3[%add3A_8] : memref<8192xi32, #tpu.memory_space<hbm>> -> memref<32xi32, #tpu.memory_space<hbm>>
      tpu.enqueue_dma source(%dma_start3A_130 : memref<32xi32, #tpu.memory_space<hbm>>) target(%arg7 : memref<32xi32, #tpu.memory_space<vmem>>) target_semaphore(%run_scoped3A : memref<!tpu.dma_semaphore, #tpu.memory_space<semaphore_mem>>)
      %dma_wait3A_131 = tpu.memref_slice %arg3[%add3A_8] : memref<8192xi32, #tpu.memory_space<hbm>> -> memref<32xi32, #tpu.memory_space<hbm>>
      %dma_wait3A_132 = tpu.memref_slice %arg3[%add3A_8] : memref<8192xi32, #tpu.memory_space<hbm>> -> memref<32xi32, #tpu.memory_space<hbm>>
      tpu.wait_dma2 semaphore(%run_scoped3A : memref<!tpu.dma_semaphore, #tpu.memory_space<semaphore_mem>>) src(%dma_wait3A_132 : memref<32xi32, #tpu.memory_space<hbm>>) dst(%arg7 : memref<32xi32, #tpu.memory_space<vmem>>)
      tpu.yield
    }) : () -> ()
    %add3A_9 = arith.constant 32 : i32
    %add3A_10 = arith.addi %mul3A_2, %add3A_9 : i32
    "tpu.region"() ({
      %run_scoped3A = tpu.sem_alloc : memref<!tpu.dma_semaphore, #tpu.memory_space<semaphore_mem>>
      %dma_start3A_129 = tpu.memref_slice %arg4[%add3A_10] : memref<8192xi32, #tpu.memory_space<hbm>> -> memref<32xi32, #tpu.memory_space<hbm>>
      %dma_start3A_130 = tpu.memref_slice %arg4[%add3A_10] : memref<8192xi32, #tpu.memory_space<hbm>> -> memref<32xi32, #tpu.memory_space<hbm>>
      tpu.enqueue_dma source(%dma_start3A_130 : memref<32xi32, #tpu.memory_space<hbm>>) target(%arg15 : memref<32xi32, #tpu.memory_space<vmem>>) target_semaphore(%run_scoped3A : memref<!tpu.dma_semaphore, #tpu.memory_space<semaphore_mem>>)
      %dma_wait3A_131 = tpu.memref_slice %arg4[%add3A_10] : memref<8192xi32, #tpu.memory_space<hbm>> -> memref<32xi32, #tpu.memory_space<hbm>>
      %dma_wait3A_132 = tpu.memref_slice %arg4[%add3A_10] : memref<8192xi32, #tpu.memory_space<hbm>> -> memref<32xi32, #tpu.memory_space<hbm>>
      tpu.wait_dma2 semaphore(%run_scoped3A : memref<!tpu.dma_semaphore, #tpu.memory_space<semaphore_mem>>) src(%dma_wait3A_132 : memref<32xi32, #tpu.memory_space<hbm>>) dst(%arg15 : memref<32xi32, #tpu.memory_space<vmem>>)
      tpu.yield
    }) : () -> ()
    %add3A_11 = arith.constant 64 : i32
    %add3A_12 = arith.addi %mul3A_2, %add3A_11 : i32
    "tpu.region"() ({
      %run_scoped3A = tpu.sem_alloc : memref<!tpu.dma_semaphore, #tpu.memory_space<semaphore_mem>>
      %dma_start3A_129 = tpu.memref_slice %arg3[%add3A_12] : memref<8192xi32, #tpu.memory_space<hbm>> -> memref<32xi32, #tpu.memory_space<hbm>>
      %dma_start3A_130 = tpu.memref_slice %arg3[%add3A_12] : memref<8192xi32, #tpu.memory_space<hbm>> -> memref<32xi32, #tpu.memory_space<hbm>>
      tpu.enqueue_dma source(%dma_start3A_130 : memref<32xi32, #tpu.memory_space<hbm>>) target(%arg8 : memref<32xi32, #tpu.memory_space<vmem>>) target_semaphore(%run_scoped3A : memref<!tpu.dma_semaphore, #tpu.memory_space<semaphore_mem>>)
      %dma_wait3A_131 = tpu.memref_slice %arg3[%add3A_12] : memref<8192xi32, #tpu.memory_space<hbm>> -> memref<32xi32, #tpu.memory_space<hbm>>
      %dma_wait3A_132 = tpu.memref_slice %arg3[%add3A_12] : memref<8192xi32, #tpu.memory_space<hbm>> -> memref<32xi32, #tpu.memory_space<hbm>>
      tpu.wait_dma2 semaphore(%run_scoped3A : memref<!tpu.dma_semaphore, #tpu.memory_space<semaphore_mem>>) src(%dma_wait3A_132 : memref<32xi32, #tpu.memory_space<hbm>>) dst(%arg8 : memref<32xi32, #tpu.memory_space<vmem>>)
      tpu.yield
    }) : () -> ()
    %add3A_13 = arith.constant 64 : i32
    %add3A_14 = arith.addi %mul3A_2, %add3A_13 : i32
    "tpu.region"() ({
      %run_scoped3A = tpu.sem_alloc : memref<!tpu.dma_semaphore, #tpu.memory_space<semaphore_mem>>
      %dma_start3A_129 = tpu.memref_slice %arg4[%add3A_14] : memref<8192xi32, #tpu.memory_space<hbm>> -> memref<32xi32, #tpu.memory_space<hbm>>
      %dma_start3A_130 = tpu.memref_slice %arg4[%add3A_14] : memref<8192xi32, #tpu.memory_space<hbm>> -> memref<32xi32, #tpu.memory_space<hbm>>
      tpu.enqueue_dma source(%dma_start3A_130 : memref<32xi32, #tpu.memory_space<hbm>>) target(%arg16 : memref<32xi32, #tpu.memory_space<vmem>>) target_semaphore(%run_scoped3A : memref<!tpu.dma_semaphore, #tpu.memory_space<semaphore_mem>>)
      %dma_wait3A_131 = tpu.memref_slice %arg4[%add3A_14] : memref<8192xi32, #tpu.memory_space<hbm>> -> memref<32xi32, #tpu.memory_space<hbm>>
      %dma_wait3A_132 = tpu.memref_slice %arg4[%add3A_14] : memref<8192xi32, #tpu.memory_space<hbm>> -> memref<32xi32, #tpu.memory_space<hbm>>
      tpu.wait_dma2 semaphore(%run_scoped3A : memref<!tpu.dma_semaphore, #tpu.memory_space<semaphore_mem>>) src(%dma_wait3A_132 : memref<32xi32, #tpu.memory_space<hbm>>) dst(%arg16 : memref<32xi32, #tpu.memory_space<vmem>>)
      tpu.yield
    }) : () -> ()
    %add3A_15 = arith.constant 96 : i32
    %add3A_16 = arith.addi %mul3A_2, %add3A_15 : i32
    "tpu.region"() ({
      %run_scoped3A = tpu.sem_alloc : memref<!tpu.dma_semaphore, #tpu.memory_space<semaphore_mem>>
      %dma_start3A_129 = tpu.memref_slice %arg3[%add3A_16] : memref<8192xi32, #tpu.memory_space<hbm>> -> memref<32xi32, #tpu.memory_space<hbm>>
      %dma_start3A_130 = tpu.memref_slice %arg3[%add3A_16] : memref<8192xi32, #tpu.memory_space<hbm>> -> memref<32xi32, #tpu.memory_space<hbm>>
      tpu.enqueue_dma source(%dma_start3A_130 : memref<32xi32, #tpu.memory_space<hbm>>) target(%arg9 : memref<32xi32, #tpu.memory_space<vmem>>) target_semaphore(%run_scoped3A : memref<!tpu.dma_semaphore, #tpu.memory_space<semaphore_mem>>)
      %dma_wait3A_131 = tpu.memref_slice %arg3[%add3A_16] : memref<8192xi32, #tpu.memory_space<hbm>> -> memref<32xi32, #tpu.memory_space<hbm>>
      %dma_wait3A_132 = tpu.memref_slice %arg3[%add3A_16] : memref<8192xi32, #tpu.memory_space<hbm>> -> memref<32xi32, #tpu.memory_space<hbm>>
      tpu.wait_dma2 semaphore(%run_scoped3A : memref<!tpu.dma_semaphore, #tpu.memory_space<semaphore_mem>>) src(%dma_wait3A_132 : memref<32xi32, #tpu.memory_space<hbm>>) dst(%arg9 : memref<32xi32, #tpu.memory_space<vmem>>)
      tpu.yield
    }) : () -> ()
    %add3A_17 = arith.constant 96 : i32
    %add3A_18 = arith.addi %mul3A_2, %add3A_17 : i32
    "tpu.region"() ({
      %run_scoped3A = tpu.sem_alloc : memref<!tpu.dma_semaphore, #tpu.memory_space<semaphore_mem>>
      %dma_start3A_129 = tpu.memref_slice %arg4[%add3A_18] : memref<8192xi32, #tpu.memory_space<hbm>> -> memref<32xi32, #tpu.memory_space<hbm>>
      %dma_start3A_130 = tpu.memref_slice %arg4[%add3A_18] : memref<8192xi32, #tpu.memory_space<hbm>> -> memref<32xi32, #tpu.memory_space<hbm>>
      tpu.enqueue_dma source(%dma_start3A_130 : memref<32xi32, #tpu.memory_space<hbm>>) target(%arg17 : memref<32xi32, #tpu.memory_space<vmem>>) target_semaphore(%run_scoped3A : memref<!tpu.dma_semaphore, #tpu.memory_space<semaphore_mem>>)
      %dma_wait3A_131 = tpu.memref_slice %arg4[%add3A_18] : memref<8192xi32, #tpu.memory_space<hbm>> -> memref<32xi32, #tpu.memory_space<hbm>>
      %dma_wait3A_132 = tpu.memref_slice %arg4[%add3A_18] : memref<8192xi32, #tpu.memory_space<hbm>> -> memref<32xi32, #tpu.memory_space<hbm>>
      tpu.wait_dma2 semaphore(%run_scoped3A : memref<!tpu.dma_semaphore, #tpu.memory_space<semaphore_mem>>) src(%dma_wait3A_132 : memref<32xi32, #tpu.memory_space<hbm>>) dst(%arg17 : memref<32xi32, #tpu.memory_space<vmem>>)
      tpu.yield
    }) : () -> ()
    %add3A_19 = arith.constant 128 : i32
    %add3A_20 = arith.addi %mul3A_2, %add3A_19 : i32
    "tpu.region"() ({
      %run_scoped3A = tpu.sem_alloc : memref<!tpu.dma_semaphore, #tpu.memory_space<semaphore_mem>>
      %dma_start3A_129 = tpu.memref_slice %arg3[%add3A_20] : memref<8192xi32, #tpu.memory_space<hbm>> -> memref<32xi32, #tpu.memory_space<hbm>>
      %dma_start3A_130 = tpu.memref_slice %arg3[%add3A_20] : memref<8192xi32, #tpu.memory_space<hbm>> -> memref<32xi32, #tpu.memory_space<hbm>>
      tpu.enqueue_dma source(%dma_start3A_130 : memref<32xi32, #tpu.memory_space<hbm>>) target(%arg10 : memref<32xi32, #tpu.memory_space<vmem>>) target_semaphore(%run_scoped3A : memref<!tpu.dma_semaphore, #tpu.memory_space<semaphore_mem>>)
      %dma_wait3A_131 = tpu.memref_slice %arg3[%add3A_20] : memref<8192xi32, #tpu.memory_space<hbm>> -> memref<32xi32, #tpu.memory_space<hbm>>
      %dma_wait3A_132 = tpu.memref_slice %arg3[%add3A_20] : memref<8192xi32, #tpu.memory_space<hbm>> -> memref<32xi32, #tpu.memory_space<hbm>>
      tpu.wait_dma2 semaphore(%run_scoped3A : memref<!tpu.dma_semaphore, #tpu.memory_space<semaphore_mem>>) src(%dma_wait3A_132 : memref<32xi32, #tpu.memory_space<hbm>>) dst(%arg10 : memref<32xi32, #tpu.memory_space<vmem>>)
      tpu.yield
    }) : () -> ()
    %add3A_21 = arith.constant 128 : i32
    %add3A_22 = arith.addi %mul3A_2, %add3A_21 : i32
    "tpu.region"() ({
      %run_scoped3A = tpu.sem_alloc : memref<!tpu.dma_semaphore, #tpu.memory_space<semaphore_mem>>
      %dma_start3A_129 = tpu.memref_slice %arg4[%add3A_22] : memref<8192xi32, #tpu.memory_space<hbm>> -> memref<32xi32, #tpu.memory_space<hbm>>
      %dma_start3A_130 = tpu.memref_slice %arg4[%add3A_22] : memref<8192xi32, #tpu.memory_space<hbm>> -> memref<32xi32, #tpu.memory_space<hbm>>
      tpu.enqueue_dma source(%dma_start3A_130 : memref<32xi32, #tpu.memory_space<hbm>>) target(%arg18 : memref<32xi32, #tpu.memory_space<vmem>>) target_semaphore(%run_scoped3A : memref<!tpu.dma_semaphore, #tpu.memory_space<semaphore_mem>>)
      %dma_wait3A_131 = tpu.memref_slice %arg4[%add3A_22] : memref<8192xi32, #tpu.memory_space<hbm>> -> memref<32xi32, #tpu.memory_space<hbm>>
      %dma_wait3A_132 = tpu.memref_slice %arg4[%add3A_22] : memref<8192xi32, #tpu.memory_space<hbm>> -> memref<32xi32, #tpu.memory_space<hbm>>
      tpu.wait_dma2 semaphore(%run_scoped3A : memref<!tpu.dma_semaphore, #tpu.memory_space<semaphore_mem>>) src(%dma_wait3A_132 : memref<32xi32, #tpu.memory_space<hbm>>) dst(%arg18 : memref<32xi32, #tpu.memory_space<vmem>>)
      tpu.yield
    }) : () -> ()
    %add3A_23 = arith.constant 160 : i32
    %add3A_24 = arith.addi %mul3A_2, %add3A_23 : i32
    "tpu.region"() ({
      %run_scoped3A = tpu.sem_alloc : memref<!tpu.dma_semaphore, #tpu.memory_space<semaphore_mem>>
      %dma_start3A_129 = tpu.memref_slice %arg3[%add3A_24] : memref<8192xi32, #tpu.memory_space<hbm>> -> memref<32xi32, #tpu.memory_space<hbm>>
      %dma_start3A_130 = tpu.memref_slice %arg3[%add3A_24] : memref<8192xi32, #tpu.memory_space<hbm>> -> memref<32xi32, #tpu.memory_space<hbm>>
      tpu.enqueue_dma source(%dma_start3A_130 : memref<32xi32, #tpu.memory_space<hbm>>) target(%arg11 : memref<32xi32, #tpu.memory_space<vmem>>) target_semaphore(%run_scoped3A : memref<!tpu.dma_semaphore, #tpu.memory_space<semaphore_mem>>)
      %dma_wait3A_131 = tpu.memref_slice %arg3[%add3A_24] : memref<8192xi32, #tpu.memory_space<hbm>> -> memref<32xi32, #tpu.memory_space<hbm>>
      %dma_wait3A_132 = tpu.memref_slice %arg3[%add3A_24] : memref<8192xi32, #tpu.memory_space<hbm>> -> memref<32xi32, #tpu.memory_space<hbm>>
      tpu.wait_dma2 semaphore(%run_scoped3A : memref<!tpu.dma_semaphore, #tpu.memory_space<semaphore_mem>>) src(%dma_wait3A_132 : memref<32xi32, #tpu.memory_space<hbm>>) dst(%arg11 : memref<32xi32, #tpu.memory_space<vmem>>)
      tpu.yield
    }) : () -> ()
    %add3A_25 = arith.constant 160 : i32
    %add3A_26 = arith.addi %mul3A_2, %add3A_25 : i32
    "tpu.region"() ({
      %run_scoped3A = tpu.sem_alloc : memref<!tpu.dma_semaphore, #tpu.memory_space<semaphore_mem>>
      %dma_start3A_129 = tpu.memref_slice %arg4[%add3A_26] : memref<8192xi32, #tpu.memory_space<hbm>> -> memref<32xi32, #tpu.memory_space<hbm>>
      %dma_start3A_130 = tpu.memref_slice %arg4[%add3A_26] : memref<8192xi32, #tpu.memory_space<hbm>> -> memref<32xi32, #tpu.memory_space<hbm>>
      tpu.enqueue_dma source(%dma_start3A_130 : memref<32xi32, #tpu.memory_space<hbm>>) target(%arg19 : memref<32xi32, #tpu.memory_space<vmem>>) target_semaphore(%run_scoped3A : memref<!tpu.dma_semaphore, #tpu.memory_space<semaphore_mem>>)
      %dma_wait3A_131 = tpu.memref_slice %arg4[%add3A_26] : memref<8192xi32, #tpu.memory_space<hbm>> -> memref<32xi32, #tpu.memory_space<hbm>>
      %dma_wait3A_132 = tpu.memref_slice %arg4[%add3A_26] : memref<8192xi32, #tpu.memory_space<hbm>> -> memref<32xi32, #tpu.memory_space<hbm>>
      tpu.wait_dma2 semaphore(%run_scoped3A : memref<!tpu.dma_semaphore, #tpu.memory_space<semaphore_mem>>) src(%dma_wait3A_132 : memref<32xi32, #tpu.memory_space<hbm>>) dst(%arg19 : memref<32xi32, #tpu.memory_space<vmem>>)
      tpu.yield
    }) : () -> ()
    %add3A_27 = arith.constant 192 : i32
    %add3A_28 = arith.addi %mul3A_2, %add3A_27 : i32
    "tpu.region"() ({
      %run_scoped3A = tpu.sem_alloc : memref<!tpu.dma_semaphore, #tpu.memory_space<semaphore_mem>>
      %dma_start3A_129 = tpu.memref_slice %arg3[%add3A_28] : memref<8192xi32, #tpu.memory_space<hbm>> -> memref<32xi32, #tpu.memory_space<hbm>>
      %dma_start3A_130 = tpu.memref_slice %arg3[%add3A_28] : memref<8192xi32, #tpu.memory_space<hbm>> -> memref<32xi32, #tpu.memory_space<hbm>>
      tpu.enqueue_dma source(%dma_start3A_130 : memref<32xi32, #tpu.memory_space<hbm>>) target(%arg12 : memref<32xi32, #tpu.memory_space<vmem>>) target_semaphore(%run_scoped3A : memref<!tpu.dma_semaphore, #tpu.memory_space<semaphore_mem>>)
      %dma_wait3A_131 = tpu.memref_slice %arg3[%add3A_28] : memref<8192xi32, #tpu.memory_space<hbm>> -> memref<32xi32, #tpu.memory_space<hbm>>
      %dma_wait3A_132 = tpu.memref_slice %arg3[%add3A_28] : memref<8192xi32, #tpu.memory_space<hbm>> -> memref<32xi32, #tpu.memory_space<hbm>>
      tpu.wait_dma2 semaphore(%run_scoped3A : memref<!tpu.dma_semaphore, #tpu.memory_space<semaphore_mem>>) src(%dma_wait3A_132 : memref<32xi32, #tpu.memory_space<hbm>>) dst(%arg12 : memref<32xi32, #tpu.memory_space<vmem>>)
      tpu.yield
    }) : () -> ()
    %add3A_29 = arith.constant 192 : i32
    %add3A_30 = arith.addi %mul3A_2, %add3A_29 : i32
    "tpu.region"() ({
      %run_scoped3A = tpu.sem_alloc : memref<!tpu.dma_semaphore, #tpu.memory_space<semaphore_mem>>
      %dma_start3A_129 = tpu.memref_slice %arg4[%add3A_30] : memref<8192xi32, #tpu.memory_space<hbm>> -> memref<32xi32, #tpu.memory_space<hbm>>
      %dma_start3A_130 = tpu.memref_slice %arg4[%add3A_30] : memref<8192xi32, #tpu.memory_space<hbm>> -> memref<32xi32, #tpu.memory_space<hbm>>
      tpu.enqueue_dma source(%dma_start3A_130 : memref<32xi32, #tpu.memory_space<hbm>>) target(%arg20 : memref<32xi32, #tpu.memory_space<vmem>>) target_semaphore(%run_scoped3A : memref<!tpu.dma_semaphore, #tpu.memory_space<semaphore_mem>>)
      %dma_wait3A_131 = tpu.memref_slice %arg4[%add3A_30] : memref<8192xi32, #tpu.memory_space<hbm>> -> memref<32xi32, #tpu.memory_space<hbm>>
      %dma_wait3A_132 = tpu.memref_slice %arg4[%add3A_30] : memref<8192xi32, #tpu.memory_space<hbm>> -> memref<32xi32, #tpu.memory_space<hbm>>
      tpu.wait_dma2 semaphore(%run_scoped3A : memref<!tpu.dma_semaphore, #tpu.memory_space<semaphore_mem>>) src(%dma_wait3A_132 : memref<32xi32, #tpu.memory_space<hbm>>) dst(%arg20 : memref<32xi32, #tpu.memory_space<vmem>>)
      tpu.yield
    }) : () -> ()
    %add3A_31 = arith.constant 224 : i32
    %add3A_32 = arith.addi %mul3A_2, %add3A_31 : i32
    "tpu.region"() ({
      %run_scoped3A = tpu.sem_alloc : memref<!tpu.dma_semaphore, #tpu.memory_space<semaphore_mem>>
      %dma_start3A_129 = tpu.memref_slice %arg3[%add3A_32] : memref<8192xi32, #tpu.memory_space<hbm>> -> memref<32xi32, #tpu.memory_space<hbm>>
      %dma_start3A_130 = tpu.memref_slice %arg3[%add3A_32] : memref<8192xi32, #tpu.memory_space<hbm>> -> memref<32xi32, #tpu.memory_space<hbm>>
      tpu.enqueue_dma source(%dma_start3A_130 : memref<32xi32, #tpu.memory_space<hbm>>) target(%arg13 : memref<32xi32, #tpu.memory_space<vmem>>) target_semaphore(%run_scoped3A : memref<!tpu.dma_semaphore, #tpu.memory_space<semaphore_mem>>)
      %dma_wait3A_131 = tpu.memref_slice %arg3[%add3A_32] : memref<8192xi32, #tpu.memory_space<hbm>> -> memref<32xi32, #tpu.memory_space<hbm>>
      %dma_wait3A_132 = tpu.memref_slice %arg3[%add3A_32] : memref<8192xi32, #tpu.memory_space<hbm>> -> memref<32xi32, #tpu.memory_space<hbm>>
      tpu.wait_dma2 semaphore(%run_scoped3A : memref<!tpu.dma_semaphore, #tpu.memory_space<semaphore_mem>>) src(%dma_wait3A_132 : memref<32xi32, #tpu.memory_space<hbm>>) dst(%arg13 : memref<32xi32, #tpu.memory_space<vmem>>)
      tpu.yield
    }) : () -> ()
    %add3A_33 = arith.constant 224 : i32
    %add3A_34 = arith.addi %mul3A_2, %add3A_33 : i32
    "tpu.region"() ({
      %run_scoped3A = tpu.sem_alloc : memref<!tpu.dma_semaphore, #tpu.memory_space<semaphore_mem>>
      %dma_start3A_129 = tpu.memref_slice %arg4[%add3A_34] : memref<8192xi32, #tpu.memory_space<hbm>> -> memref<32xi32, #tpu.memory_space<hbm>>
      %dma_start3A_130 = tpu.memref_slice %arg4[%add3A_34] : memref<8192xi32, #tpu.memory_space<hbm>> -> memref<32xi32, #tpu.memory_space<hbm>>
      tpu.enqueue_dma source(%dma_start3A_130 : memref<32xi32, #tpu.memory_space<hbm>>) target(%arg21 : memref<32xi32, #tpu.memory_space<vmem>>) target_semaphore(%run_scoped3A : memref<!tpu.dma_semaphore, #tpu.memory_space<semaphore_mem>>)
      %dma_wait3A_131 = tpu.memref_slice %arg4[%add3A_34] : memref<8192xi32, #tpu.memory_space<hbm>> -> memref<32xi32, #tpu.memory_space<hbm>>
      %dma_wait3A_132 = tpu.memref_slice %arg4[%add3A_34] : memref<8192xi32, #tpu.memory_space<hbm>> -> memref<32xi32, #tpu.memory_space<hbm>>
      tpu.wait_dma2 semaphore(%run_scoped3A : memref<!tpu.dma_semaphore, #tpu.memory_space<semaphore_mem>>) src(%dma_wait3A_132 : memref<32xi32, #tpu.memory_space<hbm>>) dst(%arg21 : memref<32xi32, #tpu.memory_space<vmem>>)
      tpu.yield
    }) : () -> ()
    %dma_start3A = arith.constant 0 : i32
    %dma_start3A_35 = arith.constant 0 : i32
    %dma_start3A_36 = tpu.memref_slice %arg2[%dma_start3A, %dma_start3A_35] : memref<4096x1024xf32, #tpu.memory_space<hbm>> -> memref<4096x1024xf32, #tpu.memory_space<hbm>>
    tpu.enqueue_indirect_dma source(%dma_start3A_36 : memref<4096x1024xf32, #tpu.memory_space<hbm>>) target(%arg22 : memref<32x1024xf32, #tpu.memory_space<vmem>>) offsets(%arg6 : memref<32xi32, #tpu.memory_space<vmem>>) semaphore(%arg24 : memref<!tpu.dma_semaphore, #tpu.memory_space<semaphore_mem>>)
    %dma_start3A_37 = arith.constant 0 : i32
    %dma_start3A_38 = arith.constant 0 : i32
    %dma_start3A_39 = tpu.memref_slice %arg2[%dma_start3A_37, %dma_start3A_38] : memref<4096x1024xf32, #tpu.memory_space<hbm>> -> memref<4096x1024xf32, #tpu.memory_space<hbm>>
    tpu.enqueue_indirect_dma source(%dma_start3A_39 : memref<4096x1024xf32, #tpu.memory_space<hbm>>) target(%arg23 : memref<32x1024xf32, #tpu.memory_space<vmem>>) offsets(%arg7 : memref<32xi32, #tpu.memory_space<vmem>>) semaphore(%arg25 : memref<!tpu.dma_semaphore, #tpu.memory_space<semaphore_mem>>)
    %dma_wait3A = arith.constant 0 : i32
    %dma_wait3A_40 = arith.constant 0 : i32
    %dma_wait3A_41 = tpu.memref_slice %arg2[%dma_wait3A, %dma_wait3A_40] : memref<4096x1024xf32, #tpu.memory_space<hbm>> -> memref<4096x1024xf32, #tpu.memory_space<hbm>>
    tpu.wait_indirect_dma semaphore(%arg24 : memref<!tpu.dma_semaphore, #tpu.memory_space<semaphore_mem>>) src(%dma_wait3A_41 : memref<4096x1024xf32, #tpu.memory_space<hbm>>) dst(%arg22 : memref<32x1024xf32, #tpu.memory_space<vmem>>)
    %dma_start3A_42 = arith.constant 0 : i32
    %dma_start3A_43 = arith.constant 0 : i32
    %dma_start3A_44 = tpu.memref_slice %arg5[%dma_start3A_42, %dma_start3A_43] : memref<10240x1024xf32, #tpu.memory_space<hbm>> -> memref<10240x1024xf32, #tpu.memory_space<hbm>>
    tpu.enqueue_indirect_dma source(%arg22 : memref<32x1024xf32, #tpu.memory_space<vmem>>) target(%dma_start3A_44 : memref<10240x1024xf32, #tpu.memory_space<hbm>>) offsets(%arg14 : memref<32xi32, #tpu.memory_space<vmem>>) semaphore(%arg26 : memref<!tpu.dma_semaphore, #tpu.memory_space<semaphore_mem>>)
    %dma_wait3A_45 = arith.constant 0 : i32
    %dma_wait3A_46 = arith.constant 0 : i32
    %dma_wait3A_47 = tpu.memref_slice %arg5[%dma_wait3A_45, %dma_wait3A_46] : memref<10240x1024xf32, #tpu.memory_space<hbm>> -> memref<10240x1024xf32, #tpu.memory_space<hbm>>
    tpu.wait_indirect_dma semaphore(%arg26 : memref<!tpu.dma_semaphore, #tpu.memory_space<semaphore_mem>>) src(%arg22 : memref<32x1024xf32, #tpu.memory_space<vmem>>) dst(%dma_wait3A_47 : memref<10240x1024xf32, #tpu.memory_space<hbm>>)
    %dma_start3A_48 = arith.constant 0 : i32
    %dma_start3A_49 = arith.constant 0 : i32
    %dma_start3A_50 = tpu.memref_slice %arg2[%dma_start3A_48, %dma_start3A_49] : memref<4096x1024xf32, #tpu.memory_space<hbm>> -> memref<4096x1024xf32, #tpu.memory_space<hbm>>
    tpu.enqueue_indirect_dma source(%dma_start3A_50 : memref<4096x1024xf32, #tpu.memory_space<hbm>>) target(%arg22 : memref<32x1024xf32, #tpu.memory_space<vmem>>) offsets(%arg8 : memref<32xi32, #tpu.memory_space<vmem>>) semaphore(%arg24 : memref<!tpu.dma_semaphore, #tpu.memory_space<semaphore_mem>>)
    %dma_wait3A_51 = arith.constant 0 : i32
    %dma_wait3A_52 = arith.constant 0 : i32
    %dma_wait3A_53 = tpu.memref_slice %arg2[%dma_wait3A_51, %dma_wait3A_52] : memref<4096x1024xf32, #tpu.memory_space<hbm>> -> memref<4096x1024xf32, #tpu.memory_space<hbm>>
    tpu.wait_indirect_dma semaphore(%arg25 : memref<!tpu.dma_semaphore, #tpu.memory_space<semaphore_mem>>) src(%dma_wait3A_53 : memref<4096x1024xf32, #tpu.memory_space<hbm>>) dst(%arg23 : memref<32x1024xf32, #tpu.memory_space<vmem>>)
    %dma_start3A_54 = arith.constant 0 : i32
    %dma_start3A_55 = arith.constant 0 : i32
    %dma_start3A_56 = tpu.memref_slice %arg5[%dma_start3A_54, %dma_start3A_55] : memref<10240x1024xf32, #tpu.memory_space<hbm>> -> memref<10240x1024xf32, #tpu.memory_space<hbm>>
    tpu.enqueue_indirect_dma source(%arg23 : memref<32x1024xf32, #tpu.memory_space<vmem>>) target(%dma_start3A_56 : memref<10240x1024xf32, #tpu.memory_space<hbm>>) offsets(%arg15 : memref<32xi32, #tpu.memory_space<vmem>>) semaphore(%arg27 : memref<!tpu.dma_semaphore, #tpu.memory_space<semaphore_mem>>)
    %dma_wait3A_57 = arith.constant 0 : i32
    %dma_wait3A_58 = arith.constant 0 : i32
    %dma_wait3A_59 = tpu.memref_slice %arg5[%dma_wait3A_57, %dma_wait3A_58] : memref<10240x1024xf32, #tpu.memory_space<hbm>> -> memref<10240x1024xf32, #tpu.memory_space<hbm>>
    tpu.wait_indirect_dma semaphore(%arg27 : memref<!tpu.dma_semaphore, #tpu.memory_space<semaphore_mem>>) src(%arg23 : memref<32x1024xf32, #tpu.memory_space<vmem>>) dst(%dma_wait3A_59 : memref<10240x1024xf32, #tpu.memory_space<hbm>>)
    %dma_start3A_60 = arith.constant 0 : i32
    %dma_start3A_61 = arith.constant 0 : i32
    %dma_start3A_62 = tpu.memref_slice %arg2[%dma_start3A_60, %dma_start3A_61] : memref<4096x1024xf32, #tpu.memory_space<hbm>> -> memref<4096x1024xf32, #tpu.memory_space<hbm>>
    tpu.enqueue_indirect_dma source(%dma_start3A_62 : memref<4096x1024xf32, #tpu.memory_space<hbm>>) target(%arg23 : memref<32x1024xf32, #tpu.memory_space<vmem>>) offsets(%arg9 : memref<32xi32, #tpu.memory_space<vmem>>) semaphore(%arg25 : memref<!tpu.dma_semaphore, #tpu.memory_space<semaphore_mem>>)
    %dma_wait3A_63 = arith.constant 0 : i32
    %dma_wait3A_64 = arith.constant 0 : i32
    %dma_wait3A_65 = tpu.memref_slice %arg2[%dma_wait3A_63, %dma_wait3A_64] : memref<4096x1024xf32, #tpu.memory_space<hbm>> -> memref<4096x1024xf32, #tpu.memory_space<hbm>>
    tpu.wait_indirect_dma semaphore(%arg24 : memref<!tpu.dma_semaphore, #tpu.memory_space<semaphore_mem>>) src(%dma_wait3A_65 : memref<4096x1024xf32, #tpu.memory_space<hbm>>) dst(%arg22 : memref<32x1024xf32, #tpu.memory_space<vmem>>)
    %dma_start3A_66 = arith.constant 0 : i32
    %dma_start3A_67 = arith.constant 0 : i32
    %dma_start3A_68 = tpu.memref_slice %arg5[%dma_start3A_66, %dma_start3A_67] : memref<10240x1024xf32, #tpu.memory_space<hbm>> -> memref<10240x1024xf32, #tpu.memory_space<hbm>>
    tpu.enqueue_indirect_dma source(%arg22 : memref<32x1024xf32, #tpu.memory_space<vmem>>) target(%dma_start3A_68 : memref<10240x1024xf32, #tpu.memory_space<hbm>>) offsets(%arg16 : memref<32xi32, #tpu.memory_space<vmem>>) semaphore(%arg26 : memref<!tpu.dma_semaphore, #tpu.memory_space<semaphore_mem>>)
    %dma_wait3A_69 = arith.constant 0 : i32
    %dma_wait3A_70 = arith.constant 0 : i32
    %dma_wait3A_71 = tpu.memref_slice %arg5[%dma_wait3A_69, %dma_wait3A_70] : memref<10240x1024xf32, #tpu.memory_space<hbm>> -> memref<10240x1024xf32, #tpu.memory_space<hbm>>
    tpu.wait_indirect_dma semaphore(%arg26 : memref<!tpu.dma_semaphore, #tpu.memory_space<semaphore_mem>>) src(%arg22 : memref<32x1024xf32, #tpu.memory_space<vmem>>) dst(%dma_wait3A_71 : memref<10240x1024xf32, #tpu.memory_space<hbm>>)
    %dma_start3A_72 = arith.constant 0 : i32
    %dma_start3A_73 = arith.constant 0 : i32
    %dma_start3A_74 = tpu.memref_slice %arg2[%dma_start3A_72, %dma_start3A_73] : memref<4096x1024xf32, #tpu.memory_space<hbm>> -> memref<4096x1024xf32, #tpu.memory_space<hbm>>
    tpu.enqueue_indirect_dma source(%dma_start3A_74 : memref<4096x1024xf32, #tpu.memory_space<hbm>>) target(%arg22 : memref<32x1024xf32, #tpu.memory_space<vmem>>) offsets(%arg10 : memref<32xi32, #tpu.memory_space<vmem>>) semaphore(%arg24 : memref<!tpu.dma_semaphore, #tpu.memory_space<semaphore_mem>>)
    %dma_wait3A_75 = arith.constant 0 : i32
    %dma_wait3A_76 = arith.constant 0 : i32
    %dma_wait3A_77 = tpu.memref_slice %arg2[%dma_wait3A_75, %dma_wait3A_76] : memref<4096x1024xf32, #tpu.memory_space<hbm>> -> memref<4096x1024xf32, #tpu.memory_space<hbm>>
    tpu.wait_indirect_dma semaphore(%arg25 : memref<!tpu.dma_semaphore, #tpu.memory_space<semaphore_mem>>) src(%dma_wait3A_77 : memref<4096x1024xf32, #tpu.memory_space<hbm>>) dst(%arg23 : memref<32x1024xf32, #tpu.memory_space<vmem>>)
    %dma_start3A_78 = arith.constant 0 : i32
    %dma_start3A_79 = arith.constant 0 : i32
    %dma_start3A_80 = tpu.memref_slice %arg5[%dma_start3A_78, %dma_start3A_79] : memref<10240x1024xf32, #tpu.memory_space<hbm>> -> memref<10240x1024xf32, #tpu.memory_space<hbm>>
    tpu.enqueue_indirect_dma source(%arg23 : memref<32x1024xf32, #tpu.memory_space<vmem>>) target(%dma_start3A_80 : memref<10240x1024xf32, #tpu.memory_space<hbm>>) offsets(%arg17 : memref<32xi32, #tpu.memory_space<vmem>>) semaphore(%arg27 : memref<!tpu.dma_semaphore, #tpu.memory_space<semaphore_mem>>)
    %dma_wait3A_81 = arith.constant 0 : i32
    %dma_wait3A_82 = arith.constant 0 : i32
    %dma_wait3A_83 = tpu.memref_slice %arg5[%dma_wait3A_81, %dma_wait3A_82] : memref<10240x1024xf32, #tpu.memory_space<hbm>> -> memref<10240x1024xf32, #tpu.memory_space<hbm>>
    tpu.wait_indirect_dma semaphore(%arg27 : memref<!tpu.dma_semaphore, #tpu.memory_space<semaphore_mem>>) src(%arg23 : memref<32x1024xf32, #tpu.memory_space<vmem>>) dst(%dma_wait3A_83 : memref<10240x1024xf32, #tpu.memory_space<hbm>>)
    %dma_start3A_84 = arith.constant 0 : i32
    %dma_start3A_85 = arith.constant 0 : i32
    %dma_start3A_86 = tpu.memref_slice %arg2[%dma_start3A_84, %dma_start3A_85] : memref<4096x1024xf32, #tpu.memory_space<hbm>> -> memref<4096x1024xf32, #tpu.memory_space<hbm>>
    tpu.enqueue_indirect_dma source(%dma_start3A_86 : memref<4096x1024xf32, #tpu.memory_space<hbm>>) target(%arg23 : memref<32x1024xf32, #tpu.memory_space<vmem>>) offsets(%arg11 : memref<32xi32, #tpu.memory_space<vmem>>) semaphore(%arg25 : memref<!tpu.dma_semaphore, #tpu.memory_space<semaphore_mem>>)
    %dma_wait3A_87 = arith.constant 0 : i32
    %dma_wait3A_88 = arith.constant 0 : i32
    %dma_wait3A_89 = tpu.memref_slice %arg2[%dma_wait3A_87, %dma_wait3A_88] : memref<4096x1024xf32, #tpu.memory_space<hbm>> -> memref<4096x1024xf32, #tpu.memory_space<hbm>>
    tpu.wait_indirect_dma semaphore(%arg24 : memref<!tpu.dma_semaphore, #tpu.memory_space<semaphore_mem>>) src(%dma_wait3A_89 : memref<4096x1024xf32, #tpu.memory_space<hbm>>) dst(%arg22 : memref<32x1024xf32, #tpu.memory_space<vmem>>)
    %dma_start3A_90 = arith.constant 0 : i32
    %dma_start3A_91 = arith.constant 0 : i32
    %dma_start3A_92 = tpu.memref_slice %arg5[%dma_start3A_90, %dma_start3A_91] : memref<10240x1024xf32, #tpu.memory_space<hbm>> -> memref<10240x1024xf32, #tpu.memory_space<hbm>>
    tpu.enqueue_indirect_dma source(%arg22 : memref<32x1024xf32, #tpu.memory_space<vmem>>) target(%dma_start3A_92 : memref<10240x1024xf32, #tpu.memory_space<hbm>>) offsets(%arg18 : memref<32xi32, #tpu.memory_space<vmem>>) semaphore(%arg26 : memref<!tpu.dma_semaphore, #tpu.memory_space<semaphore_mem>>)
    %dma_wait3A_93 = arith.constant 0 : i32
    %dma_wait3A_94 = arith.constant 0 : i32
    %dma_wait3A_95 = tpu.memref_slice %arg5[%dma_wait3A_93, %dma_wait3A_94] : memref<10240x1024xf32, #tpu.memory_space<hbm>> -> memref<10240x1024xf32, #tpu.memory_space<hbm>>
    tpu.wait_indirect_dma semaphore(%arg26 : memref<!tpu.dma_semaphore, #tpu.memory_space<semaphore_mem>>) src(%arg22 : memref<32x1024xf32, #tpu.memory_space<vmem>>) dst(%dma_wait3A_95 : memref<10240x1024xf32, #tpu.memory_space<hbm>>)
    %dma_start3A_96 = arith.constant 0 : i32
    %dma_start3A_97 = arith.constant 0 : i32
    %dma_start3A_98 = tpu.memref_slice %arg2[%dma_start3A_96, %dma_start3A_97] : memref<4096x1024xf32, #tpu.memory_space<hbm>> -> memref<4096x1024xf32, #tpu.memory_space<hbm>>
    tpu.enqueue_indirect_dma source(%dma_start3A_98 : memref<4096x1024xf32, #tpu.memory_space<hbm>>) target(%arg22 : memref<32x1024xf32, #tpu.memory_space<vmem>>) offsets(%arg12 : memref<32xi32, #tpu.memory_space<vmem>>) semaphore(%arg24 : memref<!tpu.dma_semaphore, #tpu.memory_space<semaphore_mem>>)
    %dma_wait3A_99 = arith.constant 0 : i32
    %dma_wait3A_100 = arith.constant 0 : i32
    %dma_wait3A_101 = tpu.memref_slice %arg2[%dma_wait3A_99, %dma_wait3A_100] : memref<4096x1024xf32, #tpu.memory_space<hbm>> -> memref<4096x1024xf32, #tpu.memory_space<hbm>>
    tpu.wait_indirect_dma semaphore(%arg25 : memref<!tpu.dma_semaphore, #tpu.memory_space<semaphore_mem>>) src(%dma_wait3A_101 : memref<4096x1024xf32, #tpu.memory_space<hbm>>) dst(%arg23 : memref<32x1024xf32, #tpu.memory_space<vmem>>)
    %dma_start3A_102 = arith.constant 0 : i32
    %dma_start3A_103 = arith.constant 0 : i32
    %dma_start3A_104 = tpu.memref_slice %arg5[%dma_start3A_102, %dma_start3A_103] : memref<10240x1024xf32, #tpu.memory_space<hbm>> -> memref<10240x1024xf32, #tpu.memory_space<hbm>>
    tpu.enqueue_indirect_dma source(%arg23 : memref<32x1024xf32, #tpu.memory_space<vmem>>) target(%dma_start3A_104 : memref<10240x1024xf32, #tpu.memory_space<hbm>>) offsets(%arg19 : memref<32xi32, #tpu.memory_space<vmem>>) semaphore(%arg27 : memref<!tpu.dma_semaphore, #tpu.memory_space<semaphore_mem>>)
    %dma_wait3A_105 = arith.constant 0 : i32
    %dma_wait3A_106 = arith.constant 0 : i32
    %dma_wait3A_107 = tpu.memref_slice %arg5[%dma_wait3A_105, %dma_wait3A_106] : memref<10240x1024xf32, #tpu.memory_space<hbm>> -> memref<10240x1024xf32, #tpu.memory_space<hbm>>
    tpu.wait_indirect_dma semaphore(%arg27 : memref<!tpu.dma_semaphore, #tpu.memory_space<semaphore_mem>>) src(%arg23 : memref<32x1024xf32, #tpu.memory_space<vmem>>) dst(%dma_wait3A_107 : memref<10240x1024xf32, #tpu.memory_space<hbm>>)
    %dma_start3A_108 = arith.constant 0 : i32
    %dma_start3A_109 = arith.constant 0 : i32
    %dma_start3A_110 = tpu.memref_slice %arg2[%dma_start3A_108, %dma_start3A_109] : memref<4096x1024xf32, #tpu.memory_space<hbm>> -> memref<4096x1024xf32, #tpu.memory_space<hbm>>
    tpu.enqueue_indirect_dma source(%dma_start3A_110 : memref<4096x1024xf32, #tpu.memory_space<hbm>>) target(%arg23 : memref<32x1024xf32, #tpu.memory_space<vmem>>) offsets(%arg13 : memref<32xi32, #tpu.memory_space<vmem>>) semaphore(%arg25 : memref<!tpu.dma_semaphore, #tpu.memory_space<semaphore_mem>>)
    %dma_wait3A_111 = arith.constant 0 : i32
    %dma_wait3A_112 = arith.constant 0 : i32
    %dma_wait3A_113 = tpu.memref_slice %arg2[%dma_wait3A_111, %dma_wait3A_112] : memref<4096x1024xf32, #tpu.memory_space<hbm>> -> memref<4096x1024xf32, #tpu.memory_space<hbm>>
    tpu.wait_indirect_dma semaphore(%arg24 : memref<!tpu.dma_semaphore, #tpu.memory_space<semaphore_mem>>) src(%dma_wait3A_113 : memref<4096x1024xf32, #tpu.memory_space<hbm>>) dst(%arg22 : memref<32x1024xf32, #tpu.memory_space<vmem>>)
    %dma_start3A_114 = arith.constant 0 : i32
    %dma_start3A_115 = arith.constant 0 : i32
    %dma_start3A_116 = tpu.memref_slice %arg5[%dma_start3A_114, %dma_start3A_115] : memref<10240x1024xf32, #tpu.memory_space<hbm>> -> memref<10240x1024xf32, #tpu.memory_space<hbm>>
    tpu.enqueue_indirect_dma source(%arg22 : memref<32x1024xf32, #tpu.memory_space<vmem>>) target(%dma_start3A_116 : memref<10240x1024xf32, #tpu.memory_space<hbm>>) offsets(%arg20 : memref<32xi32, #tpu.memory_space<vmem>>) semaphore(%arg26 : memref<!tpu.dma_semaphore, #tpu.memory_space<semaphore_mem>>)
    %dma_wait3A_117 = arith.constant 0 : i32
    %dma_wait3A_118 = arith.constant 0 : i32
    %dma_wait3A_119 = tpu.memref_slice %arg2[%dma_wait3A_117, %dma_wait3A_118] : memref<4096x1024xf32, #tpu.memory_space<hbm>> -> memref<4096x1024xf32, #tpu.memory_space<hbm>>
    tpu.wait_indirect_dma semaphore(%arg25 : memref<!tpu.dma_semaphore, #tpu.memory_space<semaphore_mem>>) src(%dma_wait3A_119 : memref<4096x1024xf32, #tpu.memory_space<hbm>>) dst(%arg23 : memref<32x1024xf32, #tpu.memory_space<vmem>>)
    %dma_start3A_120 = arith.constant 0 : i32
    %dma_start3A_121 = arith.constant 0 : i32
    %dma_start3A_122 = tpu.memref_slice %arg5[%dma_start3A_120, %dma_start3A_121] : memref<10240x1024xf32, #tpu.memory_space<hbm>> -> memref<10240x1024xf32, #tpu.memory_space<hbm>>
    tpu.enqueue_indirect_dma source(%arg23 : memref<32x1024xf32, #tpu.memory_space<vmem>>) target(%dma_start3A_122 : memref<10240x1024xf32, #tpu.memory_space<hbm>>) offsets(%arg21 : memref<32xi32, #tpu.memory_space<vmem>>) semaphore(%arg27 : memref<!tpu.dma_semaphore, #tpu.memory_space<semaphore_mem>>)
    %dma_wait3A_123 = arith.constant 0 : i32
    %dma_wait3A_124 = arith.constant 0 : i32
    %dma_wait3A_125 = tpu.memref_slice %arg5[%dma_wait3A_123, %dma_wait3A_124] : memref<10240x1024xf32, #tpu.memory_space<hbm>> -> memref<10240x1024xf32, #tpu.memory_space<hbm>>
    tpu.wait_indirect_dma semaphore(%arg26 : memref<!tpu.dma_semaphore, #tpu.memory_space<semaphore_mem>>) src(%arg22 : memref<32x1024xf32, #tpu.memory_space<vmem>>) dst(%dma_wait3A_125 : memref<10240x1024xf32, #tpu.memory_space<hbm>>)
    %dma_wait3A_126 = arith.constant 0 : i32
    %dma_wait3A_127 = arith.constant 0 : i32
    %dma_wait3A_128 = tpu.memref_slice %arg5[%dma_wait3A_126, %dma_wait3A_127] : memref<10240x1024xf32, #tpu.memory_space<hbm>> -> memref<10240x1024xf32, #tpu.memory_space<hbm>>
    tpu.wait_indirect_dma semaphore(%arg27 : memref<!tpu.dma_semaphore, #tpu.memory_space<semaphore_mem>>) src(%arg23 : memref<32x1024xf32, #tpu.memory_space<vmem>>) dst(%dma_wait3A_128 : memref<10240x1024xf32, #tpu.memory_space<hbm>>)
    return
  }
}

module attributes {stable_mosaic.version = 14 : i64} {
  func.func @_gating_body(%arg0: i32, %arg1: memref<512x1024xf32, #tpu.memory_space<vmem>>, %arg2: memref<1024x128xf32, #tpu.memory_space<vmem>>, %arg3: memref<1x512x1xf32, #tpu.memory_space<vmem>>, %arg4: memref<1x512x1xf32, #tpu.memory_space<vmem>>, %arg5: memref<1x1024x1xi32, #tpu.memory_space<vmem>>, %arg6: memref<1x128xi32, #tpu.memory_space<vmem>>, %arg7: memref<1x128xf32, #tpu.memory_space<vmem>>, %arg8: memref<1x128xf32, #tpu.memory_space<vmem>>, %arg9: memref<1x128xf32, #tpu.memory_space<vmem>>, %arg10: memref<1x128xf32, #tpu.memory_space<vmem>>, %arg11: memref<1x128xf32, #tpu.memory_space<vmem>>, %arg12: memref<1x128xf32, #tpu.memory_space<vmem>>, %arg13: memref<1x1xf32, #tpu.memory_space<smem>>) attributes {dimension_semantics = [#tpu.dimension_semantics<arbitrary>], iteration_bounds = array<i64: 16>, scalar_prefetch = 0 : i64, scratch_operands = 6 : i64, tpu.core_type = #tpu.core_type<tc>, window_params = [{transform_indices = @transform_0, window_bounds = array<i64: 512, 1024>}, {pipeline_mode = #tpu.pipeline_mode<synchronous>, transform_indices = @transform_1, window_bounds = array<i64: 1024, 128>}, {transform_indices = @transform_2, window_bounds = array<i64: 1, 512, 1>}, {transform_indices = @transform_3, window_bounds = array<i64: 1, 512, 1>}, {transform_indices = @transform_4, window_bounds = array<i64: 1, 1024, 1>}, {pipeline_mode = #tpu.pipeline_mode<synchronous>, transform_indices = @transform_5, window_bounds = array<i64: 1, 128>}, {pipeline_mode = #tpu.pipeline_mode<synchronous>, transform_indices = @transform_6, window_bounds = array<i64: 1, 128>}]} {
    %iota3A = tpu.iota {dimensions = array<i32: 1>} : vector<512x128xi32>
    %get3A = arith.constant 0 : index
    %get3A_0 = arith.constant 0 : index
    %get3A_1 = vector.load %arg1[%get3A, %get3A_0] : memref<512x1024xf32, #tpu.memory_space<vmem>>, vector<512x1024xf32>
    %get3A_2 = arith.constant 0 : index
    %get3A_3 = arith.constant 0 : index
    %get3A_4 = vector.load %arg2[%get3A_2, %get3A_3] : memref<1024x128xf32, #tpu.memory_space<vmem>>, vector<1024x128xf32>
    %lt3A = arith.constant 8 : i32
    %lt3A_5 = vector.broadcast %lt3A : i32 to vector<512x128xi32>
    %lt3A_6 = arith.cmpi slt, %iota3A, %lt3A_5 : vector<512x128xi32>
    %dot_general3A = arith.constant dense<0.000000e+00> : vector<512x128xf32>
    %dot_general3A_7 = tpu.matmul %get3A_1, %get3A_4, %dot_general3A {dimension_numbers = #tpu.dot_dimension_numbers<[1], [0], [0], [1], [0, 0, 1, 1], [], []>, transpose_lhs_hint = false} : vector<512x1024xf32>, vector<1024x128xf32>, vector<512x128xf32> -> vector<512x128xf32>
    %jit3A = arith.constant -1.000000e+30 : f32
    %broadcast_in_dim3A = vector.broadcast %jit3A : f32 to vector<512x128xf32>
    %select_n3A = arith.select %lt3A_6, %dot_general3A_7, %broadcast_in_dim3A : vector<512x128xi1>, vector<512x128xf32>
    %reduce_max3A = arith.constant dense<0xFF800000> : vector<512xf32>
    %reduce_max3A_8 = vector.multi_reduction <maximumf>, %select_n3A, %reduce_max3A [1] : vector<512x128xf32> to vector<512xf32>
    %broadcast_in_dim3A_9 = vector.shape_cast %reduce_max3A_8 : vector<512xf32> to vector<512x1xf32>
    %sub3A = vector.broadcast %broadcast_in_dim3A_9 : vector<512x1xf32> to vector<512x128xf32>
    %sub3A_10 = arith.subf %select_n3A, %sub3A : vector<512x128xf32>
    %exp3A = math.exp %sub3A_10 : vector<512x128xf32>
    %reduce_sum3A = arith.constant dense<0.000000e+00> : vector<512xf32>
    %reduce_sum3A_11 = vector.multi_reduction <add>, %exp3A, %reduce_sum3A [1] : vector<512x128xf32> to vector<512xf32>
    %broadcast_in_dim3A_12 = vector.shape_cast %reduce_sum3A_11 : vector<512xf32> to vector<512x1xf32>
    %div3A = vector.broadcast %broadcast_in_dim3A_12 : vector<512x1xf32> to vector<512x128xf32>
    %div3A_13 = arith.divf %exp3A, %div3A : vector<512x128xf32>
    %log3A = math.log %broadcast_in_dim3A_12 : vector<512x1xf32>
    %add3A = arith.addf %log3A, %broadcast_in_dim3A_9 : vector<512x1xf32>
    %reduce_max3A_14 = arith.constant dense<0xFF800000> : vector<512xf32>
    %reduce_max3A_15 = vector.multi_reduction <maximumf>, %div3A_13, %reduce_max3A_14 [1] : vector<512x128xf32> to vector<512xf32>
    %broadcast_in_dim3A_16 = vector.shape_cast %reduce_max3A_15 : vector<512xf32> to vector<512x1xf32>
    %eq3A = vector.broadcast %broadcast_in_dim3A_16 : vector<512x1xf32> to vector<512x128xf32>
    %eq3A_17 = arith.cmpf oeq, %div3A_13, %eq3A : vector<512x128xf32>
    %jit3A_18 = arith.constant 128 : i32
    %broadcast_in_dim3A_19 = vector.broadcast %jit3A_18 : i32 to vector<512x128xi32>
    %select_n3A_20 = arith.select %eq3A_17, %iota3A, %broadcast_in_dim3A_19 : vector<512x128xi1>, vector<512x128xi32>
    %reduce_min3A = arith.constant dense<2147483647> : vector<512xi32>
    %reduce_min3A_21 = vector.multi_reduction <minsi>, %select_n3A_20, %reduce_min3A [1] : vector<512x128xi32> to vector<512xi32>
    %broadcast_in_dim3A_22 = vector.shape_cast %reduce_min3A_21 : vector<512xi32> to vector<512x1xi32>
    %eq3A_23 = vector.broadcast %broadcast_in_dim3A_22 : vector<512x1xi32> to vector<512x128xi32>
    %eq3A_24 = arith.cmpi eq, %iota3A, %eq3A_23 : vector<512x128xi32>
    %jit3A_25 = arith.constant -1.000000e+00 : f32
    %broadcast_in_dim3A_26 = vector.broadcast %jit3A_25 : f32 to vector<512x128xf32>
    %select_n3A_27 = arith.select %eq3A_24, %broadcast_in_dim3A_26, %div3A_13 : vector<512x128xi1>, vector<512x128xf32>
    %reduce_max3A_28 = arith.constant dense<0xFF800000> : vector<512xf32>
    %reduce_max3A_29 = vector.multi_reduction <maximumf>, %select_n3A_27, %reduce_max3A_28 [1] : vector<512x128xf32> to vector<512xf32>
    %broadcast_in_dim3A_30 = vector.shape_cast %reduce_max3A_29 : vector<512xf32> to vector<512x1xf32>
    %eq3A_31 = vector.broadcast %broadcast_in_dim3A_30 : vector<512x1xf32> to vector<512x128xf32>
    %eq3A_32 = arith.cmpf oeq, %select_n3A_27, %eq3A_31 : vector<512x128xf32>
    %jit3A_33 = arith.constant 128 : i32
    %broadcast_in_dim3A_34 = vector.broadcast %jit3A_33 : i32 to vector<512x128xi32>
    %select_n3A_35 = arith.select %eq3A_32, %iota3A, %broadcast_in_dim3A_34 : vector<512x128xi1>, vector<512x128xi32>
    %reduce_min3A_36 = arith.constant dense<2147483647> : vector<512xi32>
    %reduce_min3A_37 = vector.multi_reduction <minsi>, %select_n3A_35, %reduce_min3A_36 [1] : vector<512x128xi32> to vector<512xi32>
    %broadcast_in_dim3A_38 = vector.shape_cast %reduce_min3A_37 : vector<512xi32> to vector<512x1xi32>
    %eq3A_39 = vector.broadcast %broadcast_in_dim3A_22 : vector<512x1xi32> to vector<512x128xi32>
    %eq3A_40 = arith.cmpi eq, %iota3A, %eq3A_39 : vector<512x128xi32>
    %convert_element_type3A = arith.extui %eq3A_40 : vector<512x128xi1> to vector<512x128xi32>
    %convert_element_type3A_41 = arith.sitofp %convert_element_type3A : vector<512x128xi32> to vector<512x128xf32>
    %eq3A_42 = vector.broadcast %broadcast_in_dim3A_38 : vector<512x1xi32> to vector<512x128xi32>
    %eq3A_43 = arith.cmpi eq, %iota3A, %eq3A_42 : vector<512x128xi32>
    %convert_element_type3A_44 = arith.extui %eq3A_43 : vector<512x128xi1> to vector<512x128xi32>
    %convert_element_type3A_45 = arith.sitofp %convert_element_type3A_44 : vector<512x128xi32> to vector<512x128xf32>
    %reduce_sum3A_46 = arith.constant dense<0.000000e+00> : vector<128xf32>
    %reduce_sum3A_47 = vector.multi_reduction <add>, %convert_element_type3A_41, %reduce_sum3A_46 [0] : vector<512x128xf32> to vector<128xf32>
    %broadcast_in_dim3A_48 = vector.shape_cast %reduce_sum3A_47 : vector<128xf32> to vector<1x128xf32>
    %reduce_sum3A_49 = arith.constant dense<0.000000e+00> : vector<128xf32>
    %reduce_sum3A_50 = vector.multi_reduction <add>, %convert_element_type3A_45, %reduce_sum3A_49 [0] : vector<512x128xf32> to vector<128xf32>
    %broadcast_in_dim3A_51 = vector.shape_cast %reduce_sum3A_50 : vector<128xf32> to vector<1x128xf32>
    %add3A_52 = arith.addf %broadcast_in_dim3A_48, %broadcast_in_dim3A_51 : vector<1x128xf32>
    %add3A_53 = arith.addf %broadcast_in_dim3A_16, %broadcast_in_dim3A_30 : vector<512x1xf32>
    %add3A_54 = arith.constant 9.99999997E-7 : f32
    %add3A_55 = vector.broadcast %add3A_54 : f32 to vector<512x1xf32>
    %add3A_56 = arith.addf %add3A_53, %add3A_55 : vector<512x1xf32>
    %div3A_57 = arith.divf %broadcast_in_dim3A_16, %add3A_56 : vector<512x1xf32>
    %div3A_58 = arith.divf %broadcast_in_dim3A_30, %add3A_56 : vector<512x1xf32>
    %broadcast_in_dim3A_59 = vector.shape_cast %div3A_57 : vector<512x1xf32> to vector<1x512x1xf32>
    %swap3A = arith.constant 0 : index
    %swap3A_60 = arith.constant 0 : index
    %swap3A_61 = arith.constant 0 : index
    %swap3A_62 = vector.load %arg3[%swap3A, %swap3A_60, %swap3A_61] : memref<1x512x1xf32, #tpu.memory_space<vmem>>, vector<1x512x1xf32>
    tpu.vector_store %arg3[%swap3A, %swap3A_60, %swap3A_61], %broadcast_in_dim3A_59 {strides = array<i32>} : memref<1x512x1xf32, #tpu.memory_space<vmem>>, vector<1x512x1xf32>,
    %broadcast_in_dim3A_63 = vector.shape_cast %div3A_58 : vector<512x1xf32> to vector<1x512x1xf32>
    %swap3A_64 = arith.constant 0 : index
    %swap3A_65 = arith.constant 0 : index
    %swap3A_66 = arith.constant 0 : index
    %swap3A_67 = vector.load %arg4[%swap3A_64, %swap3A_65, %swap3A_66] : memref<1x512x1xf32, #tpu.memory_space<vmem>>, vector<1x512x1xf32>
    tpu.vector_store %arg4[%swap3A_64, %swap3A_65, %swap3A_66], %broadcast_in_dim3A_63 {strides = array<i32>} : memref<1x512x1xf32, #tpu.memory_space<vmem>>, vector<1x512x1xf32>,
    %lt3A_68 = arith.constant 8 : i32
    %lt3A_69 = arith.cmpi slt, %arg0, %lt3A_68 : i32
    %convert_element_type3A_70 = arith.extui %lt3A_69 : i1 to i32
    %cond3A = arith.constant 0 : i32
    %cond3A_71 = arith.cmpi ne, %convert_element_type3A_70, %cond3A : i32
    scf.if %cond3A_71 {
      %eq3A_76 = vector.broadcast %broadcast_in_dim3A_22 : vector<512x1xi32> to vector<512x128xi32>
      %eq3A_77 = arith.cmpi eq, %iota3A, %eq3A_76 : vector<512x128xi32>
      %jit3A_78 = arith.constant 0.000000e+00 : f32
      %broadcast_in_dim3A_79 = vector.shape_cast %div3A_57 : vector<512x1xf32> to vector<512x1xf32>
      %broadcast_in_dim3A_80 = vector.broadcast %broadcast_in_dim3A_79 : vector<512x1xf32> to vector<512x128xf32>
      %broadcast_in_dim3A_81 = vector.broadcast %jit3A_78 : f32 to vector<512x128xf32>
      %select_n3A_82 = arith.select %eq3A_77, %broadcast_in_dim3A_80, %broadcast_in_dim3A_81 : vector<512x128xi1>, vector<512x128xf32>
      %eq3A_83 = vector.broadcast %broadcast_in_dim3A_38 : vector<512x1xi32> to vector<512x128xi32>
      %eq3A_84 = arith.cmpi eq, %iota3A, %eq3A_83 : vector<512x128xi32>
      %jit3A_85 = arith.constant 0.000000e+00 : f32
      %broadcast_in_dim3A_86 = vector.shape_cast %div3A_58 : vector<512x1xf32> to vector<512x1xf32>
      %broadcast_in_dim3A_87 = vector.broadcast %broadcast_in_dim3A_86 : vector<512x1xf32> to vector<512x128xf32>
      %broadcast_in_dim3A_88 = vector.broadcast %jit3A_85 : f32 to vector<512x128xf32>
      %select_n3A_89 = arith.select %eq3A_84, %broadcast_in_dim3A_87, %broadcast_in_dim3A_88 : vector<512x128xi1>, vector<512x128xf32>
      %gt3A = arith.constant 0.000000e+00 : f32
      %gt3A_90 = vector.broadcast %gt3A : f32 to vector<512x128xf32>
      %gt3A_91 = arith.cmpf ogt, %select_n3A_82, %gt3A_90 : vector<512x128xf32>
      %convert_element_type3A_92 = arith.extui %gt3A_91 : vector<512x128xi1> to vector<512x128xi32>
      %convert_element_type3A_93 = arith.sitofp %convert_element_type3A_92 : vector<512x128xi32> to vector<512x128xf32>
      %reduce_sum3A_94 = arith.constant dense<0.000000e+00> : vector<128xf32>
      %reduce_sum3A_95 = vector.multi_reduction <add>, %convert_element_type3A_93, %reduce_sum3A_94 [0] : vector<512x128xf32> to vector<128xf32>
      %broadcast_in_dim3A_96 = vector.shape_cast %reduce_sum3A_95 : vector<128xf32> to vector<1x128xf32>
      %gt3A_97 = arith.constant 0.000000e+00 : f32
      %gt3A_98 = vector.broadcast %gt3A_97 : f32 to vector<512x128xf32>
      %gt3A_99 = arith.cmpf ogt, %select_n3A_89, %gt3A_98 : vector<512x128xf32>
      %convert_element_type3A_100 = arith.extui %gt3A_99 : vector<512x128xi1> to vector<512x128xi32>
      %convert_element_type3A_101 = arith.sitofp %convert_element_type3A_100 : vector<512x128xi32> to vector<512x128xf32>
      %reduce_sum3A_102 = arith.constant dense<0.000000e+00> : vector<128xf32>
      %reduce_sum3A_103 = vector.multi_reduction <add>, %convert_element_type3A_101, %reduce_sum3A_102 [0] : vector<512x128xf32> to vector<128xf32>
      %broadcast_in_dim3A_104 = vector.shape_cast %reduce_sum3A_103 : vector<128xf32> to vector<1x128xf32>
      %add3A_105 = arith.addf %broadcast_in_dim3A_96, %broadcast_in_dim3A_104 : vector<1x128xf32>
      %reduce_sum3A_106 = arith.constant dense<0.000000e+00> : vector<128xf32>
      %reduce_sum3A_107 = vector.multi_reduction <add>, %div3A_13, %reduce_sum3A_106 [0] : vector<512x128xf32> to vector<128xf32>
      %broadcast_in_dim3A_108 = vector.shape_cast %reduce_sum3A_107 : vector<128xf32> to vector<1x128xf32>
      %mul3A = arith.mulf %add3A, %add3A : vector<512x1xf32>
      %reduce_sum3A_109 = vector.shape_cast %mul3A : vector<512x1xf32> to vector<1x512x1xf32>
      %reduce_sum3A_110 = arith.constant dense<0.000000e+00> : vector<1xf32>
      %reduce_sum3A_111 = vector.multi_reduction <add>, %reduce_sum3A_109, %reduce_sum3A_110 [1, 2] : vector<1x512x1xf32> to vector<1xf32>
      %reduce_sum3A_112 = vector.shape_cast %reduce_sum3A_111 : vector<1xf32> to vector<1x1x1xf32>
      %reduce_sum3A_113 = vector.extract %reduce_sum3A_112[0, 0, 0] : f32 from vector<1x1x1xf32>
      %eq3A_114 = arith.constant 0 : i32
      %eq3A_115 = arith.cmpi eq, %arg0, %eq3A_114 : i32
      %convert_element_type3A_116 = arith.extui %eq3A_115 : i1 to i32
      %cond3A_117 = arith.constant 0 : i32
      %cond3A_118 = arith.cmpi ne, %convert_element_type3A_116, %cond3A_117 : i32
      scf.if %cond3A_118 {
        %swap3A_129 = arith.constant 0 : index
        %swap3A_130 = arith.constant 0 : index
        %swap3A_131 = vector.load %arg8[%swap3A_129, %swap3A_130] : memref<1x128xf32, #tpu.memory_space<vmem>>, vector<1x128xf32>
        tpu.vector_store %arg8[%swap3A_129, %swap3A_130], %broadcast_in_dim3A_108 {strides = array<i32>} : memref<1x128xf32, #tpu.memory_space<vmem>>, vector<1x128xf32>,
        %swap3A_132 = arith.constant 0 : index
        %swap3A_133 = arith.constant 0 : index
        %swap3A_134 = vector.load %arg9[%swap3A_132, %swap3A_133] : memref<1x128xf32, #tpu.memory_space<vmem>>, vector<1x128xf32>
        tpu.vector_store %arg9[%swap3A_132, %swap3A_133], %add3A_105 {strides = array<i32>} : memref<1x128xf32, #tpu.memory_space<vmem>>, vector<1x128xf32>,
        %swap3A_135 = arith.constant 0 : index
        %swap3A_136 = arith.constant 0 : index
        %swap3A_137 = vector.load %arg10[%swap3A_135, %swap3A_136] : memref<1x128xf32, #tpu.memory_space<vmem>>, vector<1x128xf32>
        tpu.vector_store %arg10[%swap3A_135, %swap3A_136], %add3A_52 {strides = array<i32>} : memref<1x128xf32, #tpu.memory_space<vmem>>, vector<1x128xf32>,
        %swap3A_138 = arith.constant 0 : index
        %swap3A_139 = arith.constant 0 : index
        %swap3A_140 = memref.load %arg13[%swap3A_138, %swap3A_139] : memref<1x1xf32, #tpu.memory_space<smem>>
        memref.store %reduce_sum3A_113, %arg13[%swap3A_138, %swap3A_139] : memref<1x1xf32, #tpu.memory_space<smem>>
      } else {
      }
      %gt3A_119 = arith.constant 0 : i32
      %gt3A_120 = arith.cmpi sgt, %arg0, %gt3A_119 : i32
      %convert_element_type3A_121 = arith.extui %gt3A_120 : i1 to i32
      %cond3A_122 = arith.constant 0 : i32
      %cond3A_123 = arith.cmpi ne, %convert_element_type3A_121, %cond3A_122 : i32
      scf.if %cond3A_123 {
        %get3A_129 = arith.constant 0 : index
        %get3A_130 = arith.constant 0 : index
        %get3A_131 = vector.load %arg8[%get3A_129, %get3A_130] : memref<1x128xf32, #tpu.memory_space<vmem>>, vector<1x128xf32>
        %add3A_132 = arith.addf %get3A_131, %broadcast_in_dim3A_108 : vector<1x128xf32>
        %swap3A_133 = arith.constant 0 : index
        %swap3A_134 = arith.constant 0 : index
        %swap3A_135 = vector.load %arg8[%swap3A_133, %swap3A_134] : memref<1x128xf32, #tpu.memory_space<vmem>>, vector<1x128xf32>
        tpu.vector_store %arg8[%swap3A_133, %swap3A_134], %add3A_132 {strides = array<i32>} : memref<1x128xf32, #tpu.memory_space<vmem>>, vector<1x128xf32>,
        %get3A_136 = arith.constant 0 : index
        %get3A_137 = arith.constant 0 : index
        %get3A_138 = vector.load %arg9[%get3A_136, %get3A_137] : memref<1x128xf32, #tpu.memory_space<vmem>>, vector<1x128xf32>
        %add3A_139 = arith.addf %get3A_138, %add3A_105 : vector<1x128xf32>
        %swap3A_140 = arith.constant 0 : index
        %swap3A_141 = arith.constant 0 : index
        %swap3A_142 = vector.load %arg9[%swap3A_140, %swap3A_141] : memref<1x128xf32, #tpu.memory_space<vmem>>, vector<1x128xf32>
        tpu.vector_store %arg9[%swap3A_140, %swap3A_141], %add3A_139 {strides = array<i32>} : memref<1x128xf32, #tpu.memory_space<vmem>>, vector<1x128xf32>,
        %get3A_143 = arith.constant 0 : index
        %get3A_144 = arith.constant 0 : index
        %get3A_145 = vector.load %arg10[%get3A_143, %get3A_144] : memref<1x128xf32, #tpu.memory_space<vmem>>, vector<1x128xf32>
        %add3A_146 = arith.addf %get3A_145, %add3A_52 : vector<1x128xf32>
        %swap3A_147 = arith.constant 0 : index
        %swap3A_148 = arith.constant 0 : index
        %swap3A_149 = vector.load %arg10[%swap3A_147, %swap3A_148] : memref<1x128xf32, #tpu.memory_space<vmem>>, vector<1x128xf32>
        tpu.vector_store %arg10[%swap3A_147, %swap3A_148], %add3A_146 {strides = array<i32>} : memref<1x128xf32, #tpu.memory_space<vmem>>, vector<1x128xf32>,
        %get3A_150 = arith.constant 0 : index
        %get3A_151 = arith.constant 0 : index
        %get3A_152 = memref.load %arg13[%get3A_150, %get3A_151] : memref<1x1xf32, #tpu.memory_space<smem>>
        %add3A_153 = arith.addf %get3A_152, %reduce_sum3A_113 : f32
        %swap3A_154 = arith.constant 0 : index
        %swap3A_155 = arith.constant 0 : index
        %swap3A_156 = memref.load %arg13[%swap3A_154, %swap3A_155] : memref<1x1xf32, #tpu.memory_space<smem>>
        memref.store %add3A_153, %arg13[%swap3A_154, %swap3A_155] : memref<1x1xf32, #tpu.memory_space<smem>>
      } else {
      }
      %eq3A_124 = arith.constant 7 : i32
      %eq3A_125 = arith.cmpi eq, %arg0, %eq3A_124 : i32
      %convert_element_type3A_126 = arith.extui %eq3A_125 : i1 to i32
      %cond3A_127 = arith.constant 0 : i32
      %cond3A_128 = arith.cmpi ne, %convert_element_type3A_126, %cond3A_127 : i32
      scf.if %cond3A_128 {
        %get3A_129 = arith.constant 0 : index
        %get3A_130 = arith.constant 0 : index
        %get3A_131 = vector.load %arg8[%get3A_129, %get3A_130] : memref<1x128xf32, #tpu.memory_space<vmem>>, vector<1x128xf32>
        %abs3A = math.absf %get3A_131 : vector<1x128xf32>
        %reduce_sum3A_132 = vector.shape_cast %abs3A : vector<1x128xf32> to vector<1x1x128xf32>
        %reduce_sum3A_133 = arith.constant dense<0.000000e+00> : vector<1xf32>
        %reduce_sum3A_134 = vector.multi_reduction <add>, %reduce_sum3A_132, %reduce_sum3A_133 [1, 2] : vector<1x1x128xf32> to vector<1xf32>
        %reduce_sum3A_135 = vector.shape_cast %reduce_sum3A_134 : vector<1xf32> to vector<1x1x1xf32>
        %reduce_sum3A_136 = vector.extract %reduce_sum3A_135[0, 0, 0] : f32 from vector<1x1x1xf32>
        %div3A_137 = vector.broadcast %reduce_sum3A_136 : f32 to vector<1x128xf32>
        %div3A_138 = arith.divf %get3A_131, %div3A_137 : vector<1x128xf32>
        %get3A_139 = arith.constant 0 : index
        %get3A_140 = arith.constant 0 : index
        %get3A_141 = vector.load %arg9[%get3A_139, %get3A_140] : memref<1x128xf32, #tpu.memory_space<vmem>>, vector<1x128xf32>
        %abs3A_142 = math.absf %get3A_141 : vector<1x128xf32>
        %reduce_sum3A_143 = vector.shape_cast %abs3A_142 : vector<1x128xf32> to vector<1x1x128xf32>
        %reduce_sum3A_144 = arith.constant dense<0.000000e+00> : vector<1xf32>
        %reduce_sum3A_145 = vector.multi_reduction <add>, %reduce_sum3A_143, %reduce_sum3A_144 [1, 2] : vector<1x1x128xf32> to vector<1xf32>
        %reduce_sum3A_146 = vector.shape_cast %reduce_sum3A_145 : vector<1xf32> to vector<1x1x1xf32>
        %reduce_sum3A_147 = vector.extract %reduce_sum3A_146[0, 0, 0] : f32 from vector<1x1x1xf32>
        %div3A_148 = vector.broadcast %reduce_sum3A_147 : f32 to vector<1x128xf32>
        %div3A_149 = arith.divf %get3A_141, %div3A_148 : vector<1x128xf32>
        %mul3A_150 = arith.mulf %div3A_138, %div3A_149 : vector<1x128xf32>
        %reduce_sum3A_151 = vector.shape_cast %mul3A_150 : vector<1x128xf32> to vector<1x1x128xf32>
        %reduce_sum3A_152 = arith.constant dense<0.000000e+00> : vector<1xf32>
        %reduce_sum3A_153 = vector.multi_reduction <add>, %reduce_sum3A_151, %reduce_sum3A_152 [1, 2] : vector<1x1x128xf32> to vector<1xf32>
        %reduce_sum3A_154 = vector.shape_cast %reduce_sum3A_153 : vector<1xf32> to vector<1x1x1xf32>
        %reduce_sum3A_155 = vector.extract %reduce_sum3A_154[0, 0, 0] : f32 from vector<1x1x1xf32>
        %mul3A_156 = arith.constant 8.000000e+00 : f32
        %mul3A_157 = arith.mulf %reduce_sum3A_155, %mul3A_156 : f32
        %get3A_158 = arith.constant 0 : index
        %get3A_159 = arith.constant 0 : index
        %get3A_160 = memref.load %arg13[%get3A_158, %get3A_159] : memref<1x1xf32, #tpu.memory_space<smem>>
        %div3A_161 = arith.constant 4.096000e+03 : f32
        %div3A_162 = arith.divf %get3A_160, %div3A_161 : f32
        %mul3A_163 = arith.constant 0.00999999977 : f32
        %mul3A_164 = arith.mulf %mul3A_163, %mul3A_157 : f32
        %mul3A_165 = arith.constant 1.000000e-03 : f32
        %mul3A_166 = arith.mulf %mul3A_165, %div3A_162 : f32
        %add3A_167 = arith.addf %mul3A_164, %mul3A_166 : f32
        %broadcast_in_dim3A_168 = vector.broadcast %add3A_167 : f32 to vector<1x128xf32>
        %swap3A_169 = arith.constant 0 : index
        %swap3A_170 = arith.constant 0 : index
        %swap3A_171 = vector.load %arg7[%swap3A_169, %swap3A_170] : memref<1x128xf32, #tpu.memory_space<vmem>>, vector<1x128xf32>
        tpu.vector_store %arg7[%swap3A_169, %swap3A_170], %broadcast_in_dim3A_168 {strides = array<i32>} : memref<1x128xf32, #tpu.memory_space<vmem>>, vector<1x128xf32>,
        %get3A_172 = arith.constant 0 : index
        %get3A_173 = arith.constant 0 : index
        %get3A_174 = vector.load %arg10[%get3A_172, %get3A_173] : memref<1x128xf32, #tpu.memory_space<vmem>>, vector<1x128xf32>
        %convert_element_type3A_175 = arith.fptosi %get3A_174 : vector<1x128xf32> to vector<1x128xi32>
        %add3A_176 = arith.constant 255 : i32
        %add3A_177 = vector.broadcast %add3A_176 : i32 to vector<1x128xi32>
        %add3A_178 = arith.addi %convert_element_type3A_175, %add3A_177 : vector<1x128xi32>
        %and3A = arith.constant -256 : i32
        %and3A_179 = vector.broadcast %and3A : i32 to vector<1x128xi32>
        %and3A_180 = arith.andi %add3A_178, %and3A_179 : vector<1x128xi32>
        %convert_element_type3A_181 = arith.sitofp %and3A_180 : vector<1x128xi32> to vector<1x128xf32>
        %iota3A_182 = tpu.iota {dimensions = array<i32: 0>} : vector<128x128xi32>
        %iota3A_183 = tpu.iota {dimensions = array<i32: 1>} : vector<128x128xi32>
        %lt3A_184 = arith.cmpi slt, %iota3A_182, %iota3A_183 : vector<128x128xi32>
        %convert_element_type3A_185 = arith.extui %lt3A_184 : vector<128x128xi1> to vector<128x128xi32>
        %convert_element_type3A_186 = arith.sitofp %convert_element_type3A_185 : vector<128x128xi32> to vector<128x128xf32>
        %dot_general3A_187 = arith.constant dense<0.000000e+00> : vector<1x128xf32>
        %dot_general3A_188 = tpu.matmul %convert_element_type3A_181, %convert_element_type3A_186, %dot_general3A_187 {dimension_numbers = #tpu.dot_dimension_numbers<[1], [0], [0], [1], [0, 0, 1, 1], [], []>, transpose_lhs_hint = false} : vector<1x128xf32>, vector<128x128xf32>, vector<1x128xf32> -> vector<1x128xf32>
        %swap3A_189 = arith.constant 0 : index
        %swap3A_190 = arith.constant 0 : index
        %swap3A_191 = vector.load %arg11[%swap3A_189, %swap3A_190] : memref<1x128xf32, #tpu.memory_space<vmem>>, vector<1x128xf32>
        tpu.vector_store %arg11[%swap3A_189, %swap3A_190], %dot_general3A_188 {strides = array<i32>} : memref<1x128xf32, #tpu.memory_space<vmem>>, vector<1x128xf32>,
        %add3A_192 = arith.addf %dot_general3A_188, %convert_element_type3A_181 : vector<1x128xf32>
        %iota3A_193 = tpu.iota {dimensions = array<i32: 1>} : vector<1x128xi32>
        %mul3A_194 = arith.constant 256 : i32
        %mul3A_195 = vector.broadcast %mul3A_194 : i32 to vector<1x128xi32>
        %mul3A_196 = arith.muli %iota3A_193, %mul3A_195 : vector<1x128xi32>
        %convert_element_type3A_197 = arith.sitofp %mul3A_196 : vector<1x128xi32> to vector<1x128xf32>
        %broadcast_in_dim3A_198 = arith.constant 0.000000e+00 : f32
        %broadcast_in_dim3A_199 = vector.broadcast %broadcast_in_dim3A_198 : f32 to vector<1x128xf32>
        %eq3A_200 = arith.constant 0 : i32
        %eq3A_201 = vector.broadcast %eq3A_200 : i32 to vector<1x128xi32>
        %eq3A_202 = arith.cmpi eq, %iota3A_193, %eq3A_201 : vector<1x128xi32>
        %jit3A_203 = arith.constant 0.000000e+00 : f32
        %broadcast_in_dim3A_204 = vector.broadcast %jit3A_203 : f32 to vector<1x128xf32>
        %select_n3A_205 = arith.select %eq3A_202, %add3A_192, %broadcast_in_dim3A_204 : vector<1x128xi1>, vector<1x128xf32>
        %reduce_sum3A_206 = vector.shape_cast %select_n3A_205 : vector<1x128xf32> to vector<1x1x128xf32>
        %reduce_sum3A_207 = arith.constant dense<0.000000e+00> : vector<1xf32>
        %reduce_sum3A_208 = vector.multi_reduction <add>, %reduce_sum3A_206, %reduce_sum3A_207 [1, 2] : vector<1x1x128xf32> to vector<1xf32>
        %reduce_sum3A_209 = vector.shape_cast %reduce_sum3A_208 : vector<1xf32> to vector<1x1x1xf32>
        %reduce_sum3A_210 = vector.extract %reduce_sum3A_209[0, 0, 0] : f32 from vector<1x1x1xf32>
        %ge3A_211 = vector.broadcast %reduce_sum3A_210 : f32 to vector<1x128xf32>
        %ge3A_212 = arith.cmpf oge, %convert_element_type3A_197, %ge3A_211 : vector<1x128xf32>
        %convert_element_type3A_213 = arith.extui %ge3A_212 : vector<1x128xi1> to vector<1x128xi32>
        %convert_element_type3A_214 = arith.sitofp %convert_element_type3A_213 : vector<1x128xi32> to vector<1x128xf32>
        %add3A_215 = arith.addf %broadcast_in_dim3A_199, %convert_element_type3A_214 : vector<1x128xf32>
        %eq3A_216 = arith.constant 1 : i32
        %eq3A_217 = vector.broadcast %eq3A_216 : i32 to vector<1x128xi32>
        %eq3A_218 = arith.cmpi eq, %iota3A_193, %eq3A_217 : vector<1x128xi32>
        %jit3A_219 = arith.constant 0.000000e+00 : f32
        %broadcast_in_dim3A_220 = vector.broadcast %jit3A_219 : f32 to vector<1x128xf32>
        %select_n3A_221 = arith.select %eq3A_218, %add3A_192, %broadcast_in_dim3A_220 : vector<1x128xi1>, vector<1x128xf32>
        %reduce_sum3A_222 = vector.shape_cast %select_n3A_221 : vector<1x128xf32> to vector<1x1x128xf32>
        %reduce_sum3A_223 = arith.constant dense<0.000000e+00> : vector<1xf32>
        %reduce_sum3A_224 = vector.multi_reduction <add>, %reduce_sum3A_222, %reduce_sum3A_223 [1, 2] : vector<1x1x128xf32> to vector<1xf32>
        %reduce_sum3A_225 = vector.shape_cast %reduce_sum3A_224 : vector<1xf32> to vector<1x1x1xf32>
        %reduce_sum3A_226 = vector.extract %reduce_sum3A_225[0, 0, 0] : f32 from vector<1x1x1xf32>
        %ge3A_227 = vector.broadcast %reduce_sum3A_226 : f32 to vector<1x128xf32>
        %ge3A_228 = arith.cmpf oge, %convert_element_type3A_197, %ge3A_227 : vector<1x128xf32>
        %convert_element_type3A_229 = arith.extui %ge3A_228 : vector<1x128xi1> to vector<1x128xi32>
        %convert_element_type3A_230 = arith.sitofp %convert_element_type3A_229 : vector<1x128xi32> to vector<1x128xf32>
        %add3A_231 = arith.addf %add3A_215, %convert_element_type3A_230 : vector<1x128xf32>
        %eq3A_232 = arith.constant 2 : i32
        %eq3A_233 = vector.broadcast %eq3A_232 : i32 to vector<1x128xi32>
        %eq3A_234 = arith.cmpi eq, %iota3A_193, %eq3A_233 : vector<1x128xi32>
        %jit3A_235 = arith.constant 0.000000e+00 : f32
        %broadcast_in_dim3A_236 = vector.broadcast %jit3A_235 : f32 to vector<1x128xf32>
        %select_n3A_237 = arith.select %eq3A_234, %add3A_192, %broadcast_in_dim3A_236 : vector<1x128xi1>, vector<1x128xf32>
        %reduce_sum3A_238 = vector.shape_cast %select_n3A_237 : vector<1x128xf32> to vector<1x1x128xf32>
        %reduce_sum3A_239 = arith.constant dense<0.000000e+00> : vector<1xf32>
        %reduce_sum3A_240 = vector.multi_reduction <add>, %reduce_sum3A_238, %reduce_sum3A_239 [1, 2] : vector<1x1x128xf32> to vector<1xf32>
        %reduce_sum3A_241 = vector.shape_cast %reduce_sum3A_240 : vector<1xf32> to vector<1x1x1xf32>
        %reduce_sum3A_242 = vector.extract %reduce_sum3A_241[0, 0, 0] : f32 from vector<1x1x1xf32>
        %ge3A_243 = vector.broadcast %reduce_sum3A_242 : f32 to vector<1x128xf32>
        %ge3A_244 = arith.cmpf oge, %convert_element_type3A_197, %ge3A_243 : vector<1x128xf32>
        %convert_element_type3A_245 = arith.extui %ge3A_244 : vector<1x128xi1> to vector<1x128xi32>
        %convert_element_type3A_246 = arith.sitofp %convert_element_type3A_245 : vector<1x128xi32> to vector<1x128xf32>
        %add3A_247 = arith.addf %add3A_231, %convert_element_type3A_246 : vector<1x128xf32>
        %eq3A_248 = arith.constant 3 : i32
        %eq3A_249 = vector.broadcast %eq3A_248 : i32 to vector<1x128xi32>
        %eq3A_250 = arith.cmpi eq, %iota3A_193, %eq3A_249 : vector<1x128xi32>
        %jit3A_251 = arith.constant 0.000000e+00 : f32
        %broadcast_in_dim3A_252 = vector.broadcast %jit3A_251 : f32 to vector<1x128xf32>
        %select_n3A_253 = arith.select %eq3A_250, %add3A_192, %broadcast_in_dim3A_252 : vector<1x128xi1>, vector<1x128xf32>
        %reduce_sum3A_254 = vector.shape_cast %select_n3A_253 : vector<1x128xf32> to vector<1x1x128xf32>
        %reduce_sum3A_255 = arith.constant dense<0.000000e+00> : vector<1xf32>
        %reduce_sum3A_256 = vector.multi_reduction <add>, %reduce_sum3A_254, %reduce_sum3A_255 [1, 2] : vector<1x1x128xf32> to vector<1xf32>
        %reduce_sum3A_257 = vector.shape_cast %reduce_sum3A_256 : vector<1xf32> to vector<1x1x1xf32>
        %reduce_sum3A_258 = vector.extract %reduce_sum3A_257[0, 0, 0] : f32 from vector<1x1x1xf32>
        %ge3A_259 = vector.broadcast %reduce_sum3A_258 : f32 to vector<1x128xf32>
        %ge3A_260 = arith.cmpf oge, %convert_element_type3A_197, %ge3A_259 : vector<1x128xf32>
        %convert_element_type3A_261 = arith.extui %ge3A_260 : vector<1x128xi1> to vector<1x128xi32>
        %convert_element_type3A_262 = arith.sitofp %convert_element_type3A_261 : vector<1x128xi32> to vector<1x128xf32>
        %add3A_263 = arith.addf %add3A_247, %convert_element_type3A_262 : vector<1x128xf32>
        %eq3A_264 = arith.constant 4 : i32
        %eq3A_265 = vector.broadcast %eq3A_264 : i32 to vector<1x128xi32>
        %eq3A_266 = arith.cmpi eq, %iota3A_193, %eq3A_265 : vector<1x128xi32>
        %jit3A_267 = arith.constant 0.000000e+00 : f32
        %broadcast_in_dim3A_268 = vector.broadcast %jit3A_267 : f32 to vector<1x128xf32>
        %select_n3A_269 = arith.select %eq3A_266, %add3A_192, %broadcast_in_dim3A_268 : vector<1x128xi1>, vector<1x128xf32>
        %reduce_sum3A_270 = vector.shape_cast %select_n3A_269 : vector<1x128xf32> to vector<1x1x128xf32>
        %reduce_sum3A_271 = arith.constant dense<0.000000e+00> : vector<1xf32>
        %reduce_sum3A_272 = vector.multi_reduction <add>, %reduce_sum3A_270, %reduce_sum3A_271 [1, 2] : vector<1x1x128xf32> to vector<1xf32>
        %reduce_sum3A_273 = vector.shape_cast %reduce_sum3A_272 : vector<1xf32> to vector<1x1x1xf32>
        %reduce_sum3A_274 = vector.extract %reduce_sum3A_273[0, 0, 0] : f32 from vector<1x1x1xf32>
        %ge3A_275 = vector.broadcast %reduce_sum3A_274 : f32 to vector<1x128xf32>
        %ge3A_276 = arith.cmpf oge, %convert_element_type3A_197, %ge3A_275 : vector<1x128xf32>
        %convert_element_type3A_277 = arith.extui %ge3A_276 : vector<1x128xi1> to vector<1x128xi32>
        %convert_element_type3A_278 = arith.sitofp %convert_element_type3A_277 : vector<1x128xi32> to vector<1x128xf32>
        %add3A_279 = arith.addf %add3A_263, %convert_element_type3A_278 : vector<1x128xf32>
        %eq3A_280 = arith.constant 5 : i32
        %eq3A_281 = vector.broadcast %eq3A_280 : i32 to vector<1x128xi32>
        %eq3A_282 = arith.cmpi eq, %iota3A_193, %eq3A_281 : vector<1x128xi32>
        %jit3A_283 = arith.constant 0.000000e+00 : f32
        %broadcast_in_dim3A_284 = vector.broadcast %jit3A_283 : f32 to vector<1x128xf32>
        %select_n3A_285 = arith.select %eq3A_282, %add3A_192, %broadcast_in_dim3A_284 : vector<1x128xi1>, vector<1x128xf32>
        %reduce_sum3A_286 = vector.shape_cast %select_n3A_285 : vector<1x128xf32> to vector<1x1x128xf32>
        %reduce_sum3A_287 = arith.constant dense<0.000000e+00> : vector<1xf32>
        %reduce_sum3A_288 = vector.multi_reduction <add>, %reduce_sum3A_286, %reduce_sum3A_287 [1, 2] : vector<1x1x128xf32> to vector<1xf32>
        %reduce_sum3A_289 = vector.shape_cast %reduce_sum3A_288 : vector<1xf32> to vector<1x1x1xf32>
        %reduce_sum3A_290 = vector.extract %reduce_sum3A_289[0, 0, 0] : f32 from vector<1x1x1xf32>
        %ge3A_291 = vector.broadcast %reduce_sum3A_290 : f32 to vector<1x128xf32>
        %ge3A_292 = arith.cmpf oge, %convert_element_type3A_197, %ge3A_291 : vector<1x128xf32>
        %convert_element_type3A_293 = arith.extui %ge3A_292 : vector<1x128xi1> to vector<1x128xi32>
        %convert_element_type3A_294 = arith.sitofp %convert_element_type3A_293 : vector<1x128xi32> to vector<1x128xf32>
        %add3A_295 = arith.addf %add3A_279, %convert_element_type3A_294 : vector<1x128xf32>
        %eq3A_296 = arith.constant 6 : i32
        %eq3A_297 = vector.broadcast %eq3A_296 : i32 to vector<1x128xi32>
        %eq3A_298 = arith.cmpi eq, %iota3A_193, %eq3A_297 : vector<1x128xi32>
        %jit3A_299 = arith.constant 0.000000e+00 : f32
        %broadcast_in_dim3A_300 = vector.broadcast %jit3A_299 : f32 to vector<1x128xf32>
        %select_n3A_301 = arith.select %eq3A_298, %add3A_192, %broadcast_in_dim3A_300 : vector<1x128xi1>, vector<1x128xf32>
        %reduce_sum3A_302 = vector.shape_cast %select_n3A_301 : vector<1x128xf32> to vector<1x1x128xf32>
        %reduce_sum3A_303 = arith.constant dense<0.000000e+00> : vector<1xf32>
        %reduce_sum3A_304 = vector.multi_reduction <add>, %reduce_sum3A_302, %reduce_sum3A_303 [1, 2] : vector<1x1x128xf32> to vector<1xf32>
        %reduce_sum3A_305 = vector.shape_cast %reduce_sum3A_304 : vector<1xf32> to vector<1x1x1xf32>
        %reduce_sum3A_306 = vector.extract %reduce_sum3A_305[0, 0, 0] : f32 from vector<1x1x1xf32>
        %ge3A_307 = vector.broadcast %reduce_sum3A_306 : f32 to vector<1x128xf32>
        %ge3A_308 = arith.cmpf oge, %convert_element_type3A_197, %ge3A_307 : vector<1x128xf32>
        %convert_element_type3A_309 = arith.extui %ge3A_308 : vector<1x128xi1> to vector<1x128xi32>
        %convert_element_type3A_310 = arith.sitofp %convert_element_type3A_309 : vector<1x128xi32> to vector<1x128xf32>
        %add3A_311 = arith.addf %add3A_295, %convert_element_type3A_310 : vector<1x128xf32>
        %eq3A_312 = arith.constant 7 : i32
        %eq3A_313 = vector.broadcast %eq3A_312 : i32 to vector<1x128xi32>
        %eq3A_314 = arith.cmpi eq, %iota3A_193, %eq3A_313 : vector<1x128xi32>
        %jit3A_315 = arith.constant 0.000000e+00 : f32
        %broadcast_in_dim3A_316 = vector.broadcast %jit3A_315 : f32 to vector<1x128xf32>
        %select_n3A_317 = arith.select %eq3A_314, %add3A_192, %broadcast_in_dim3A_316 : vector<1x128xi1>, vector<1x128xf32>
        %reduce_sum3A_318 = vector.shape_cast %select_n3A_317 : vector<1x128xf32> to vector<1x1x128xf32>
        %reduce_sum3A_319 = arith.constant dense<0.000000e+00> : vector<1xf32>
        %reduce_sum3A_320 = vector.multi_reduction <add>, %reduce_sum3A_318, %reduce_sum3A_319 [1, 2] : vector<1x1x128xf32> to vector<1xf32>
        %reduce_sum3A_321 = vector.shape_cast %reduce_sum3A_320 : vector<1xf32> to vector<1x1x1xf32>
        %reduce_sum3A_322 = vector.extract %reduce_sum3A_321[0, 0, 0] : f32 from vector<1x1x1xf32>
        %ge3A_323 = vector.broadcast %reduce_sum3A_322 : f32 to vector<1x128xf32>
        %ge3A_324 = arith.cmpf oge, %convert_element_type3A_197, %ge3A_323 : vector<1x128xf32>
        %convert_element_type3A_325 = arith.extui %ge3A_324 : vector<1x128xi1> to vector<1x128xi32>
        %convert_element_type3A_326 = arith.sitofp %convert_element_type3A_325 : vector<1x128xi32> to vector<1x128xf32>
        %add3A_327 = arith.addf %add3A_311, %convert_element_type3A_326 : vector<1x128xf32>
        %min3A = arith.constant 7.000000e+00 : f32
        %min3A_328 = vector.broadcast %min3A : f32 to vector<1x128xf32>
        %min3A_329 = arith.minimumf %add3A_327, %min3A_328 : vector<1x128xf32>
        %convert_element_type3A_330 = arith.fptosi %min3A_329 : vector<1x128xf32> to vector<1x128xi32>
        %swap3A_331 = arith.constant 0 : index
        %swap3A_332 = arith.constant 0 : index
        %swap3A_333 = vector.load %arg6[%swap3A_331, %swap3A_332] : memref<1x128xi32, #tpu.memory_space<vmem>>, vector<1x128xi32>
        tpu.vector_store %arg6[%swap3A_331, %swap3A_332], %convert_element_type3A_330 {strides = array<i32>} : memref<1x128xi32, #tpu.memory_space<vmem>>, vector<1x128xi32>,
      } else {
      }
    } else {
    }
    %ge3A = arith.constant 8 : i32
    %ge3A_72 = arith.cmpi sge, %arg0, %ge3A : i32
    %convert_element_type3A_73 = arith.extui %ge3A_72 : i1 to i32
    %cond3A_74 = arith.constant 0 : i32
    %cond3A_75 = arith.cmpi ne, %convert_element_type3A_73, %cond3A_74 : i32
    scf.if %cond3A_75 {
      %concatenate3A = tpu.concatenate %convert_element_type3A_41, %convert_element_type3A_45 in 0 : vector<512x128xf32>, vector<512x128xf32> -> vector<1024x128xf32>
      %iota3A_76 = tpu.iota {dimensions = array<i32: 0>} : vector<1024x1024xi32>
      %iota3A_77 = tpu.iota {dimensions = array<i32: 1>} : vector<1024x1024xi32>
      %lt3A_78 = arith.cmpi slt, %iota3A_77, %iota3A_76 : vector<1024x1024xi32>
      %convert_element_type3A_79 = arith.extui %lt3A_78 : vector<1024x1024xi1> to vector<1024x1024xi32>
      %convert_element_type3A_80 = arith.sitofp %convert_element_type3A_79 : vector<1024x1024xi32> to vector<1024x1024xf32>
      %dot_general3A_81 = arith.constant dense<0.000000e+00> : vector<1024x128xf32>
      %dot_general3A_82 = tpu.matmul %convert_element_type3A_80, %concatenate3A, %dot_general3A_81 {dimension_numbers = #tpu.dot_dimension_numbers<[1], [0], [0], [1], [0, 0, 1, 1], [], []>, transpose_lhs_hint = false} : vector<1024x1024xf32>, vector<1024x128xf32>, vector<1024x128xf32> -> vector<1024x128xf32>
      %eq3A_83 = arith.constant 8 : i32
      %eq3A_84 = arith.cmpi eq, %arg0, %eq3A_83 : i32
      %convert_element_type3A_85 = arith.extui %eq3A_84 : i1 to i32
      %cond3A_86 = arith.constant 0 : i32
      %cond3A_87 = arith.cmpi ne, %convert_element_type3A_85, %cond3A_86 : i32
      scf.if %cond3A_87 {
        %broadcast_in_dim3A_114 = arith.constant 0.000000e+00 : f32
        %broadcast_in_dim3A_115 = vector.broadcast %broadcast_in_dim3A_114 : f32 to vector<1x128xf32>
        %swap3A_116 = arith.constant 0 : index
        %swap3A_117 = arith.constant 0 : index
        %swap3A_118 = vector.load %arg12[%swap3A_116, %swap3A_117] : memref<1x128xf32, #tpu.memory_space<vmem>>, vector<1x128xf32>
        tpu.vector_store %arg12[%swap3A_116, %swap3A_117], %broadcast_in_dim3A_115 {strides = array<i32>} : memref<1x128xf32, #tpu.memory_space<vmem>>, vector<1x128xf32>,
      } else {
      }
      %get3A_88 = arith.constant 0 : index
      %get3A_89 = arith.constant 0 : index
      %get3A_90 = vector.load %arg12[%get3A_88, %get3A_89] : memref<1x128xf32, #tpu.memory_space<vmem>>, vector<1x128xf32>
      %add3A_91 = vector.broadcast %get3A_90 : vector<1x128xf32> to vector<1024x128xf32>
      %add3A_92 = arith.addf %dot_general3A_82, %add3A_91 : vector<1024x128xf32>
      %get3A_93 = arith.constant 0 : index
      %get3A_94 = arith.constant 0 : index
      %get3A_95 = vector.load %arg11[%get3A_93, %get3A_94] : memref<1x128xf32, #tpu.memory_space<vmem>>, vector<1x128xf32>
      %add3A_96 = vector.broadcast %get3A_95 : vector<1x128xf32> to vector<1024x128xf32>
      %add3A_97 = arith.addf %add3A_92, %add3A_96 : vector<1024x128xf32>
      %mul3A = arith.mulf %add3A_97, %concatenate3A : vector<1024x128xf32>
      %reduce_sum3A_98 = arith.constant dense<0.000000e+00> : vector<1024xf32>
      %reduce_sum3A_99 = vector.multi_reduction <add>, %mul3A, %reduce_sum3A_98 [1] : vector<1024x128xf32> to vector<1024xf32>
      %broadcast_in_dim3A_100 = vector.shape_cast %reduce_sum3A_99 : vector<1024xf32> to vector<1024x1xf32>
      %convert_element_type3A_101 = arith.fptosi %broadcast_in_dim3A_100 : vector<1024x1xf32> to vector<1024x1xi32>
      %broadcast_in_dim3A_102 = vector.shape_cast %convert_element_type3A_101 : vector<1024x1xi32> to vector<1x1024x1xi32>
      %swap3A_103 = arith.constant 0 : index
      %swap3A_104 = arith.constant 0 : index
      %swap3A_105 = arith.constant 0 : index
      %swap3A_106 = vector.load %arg5[%swap3A_103, %swap3A_104, %swap3A_105] : memref<1x1024x1xi32, #tpu.memory_space<vmem>>, vector<1x1024x1xi32>
      tpu.vector_store %arg5[%swap3A_103, %swap3A_104, %swap3A_105], %broadcast_in_dim3A_102 {strides = array<i32>} : memref<1x1024x1xi32, #tpu.memory_space<vmem>>, vector<1x1024x1xi32>,
      %get3A_107 = arith.constant 0 : index
      %get3A_108 = arith.constant 0 : index
      %get3A_109 = vector.load %arg12[%get3A_107, %get3A_108] : memref<1x128xf32, #tpu.memory_space<vmem>>, vector<1x128xf32>
      %add3A_110 = arith.addf %get3A_109, %add3A_52 : vector<1x128xf32>
      %swap3A_111 = arith.constant 0 : index
      %swap3A_112 = arith.constant 0 : index
      %swap3A_113 = vector.load %arg12[%swap3A_111, %swap3A_112] : memref<1x128xf32, #tpu.memory_space<vmem>>, vector<1x128xf32>
      tpu.vector_store %arg12[%swap3A_111, %swap3A_112], %add3A_110 {strides = array<i32>} : memref<1x128xf32, #tpu.memory_space<vmem>>, vector<1x128xf32>,
    } else {
    }
    return
  }
  func.func @transform_0(%arg0: i32) -> (i32, i32) {
    %rem3A = arith.constant 8 : i32
    %rem3A_0 = arith.remsi %arg0, %rem3A : i32
    %c0_i32 = arith.constant 0 : i32
    %c0_i32_1 = arith.constant 0 : i32
    return %rem3A_0, %c0_i32 : i32, i32
  }
  func.func @transform_1(%arg0: i32) -> (i32, i32) {
    %c0_i32 = arith.constant 0 : i32
    %c0_i32_0 = arith.constant 0 : i32
    %c0_i32_1 = arith.constant 0 : i32
    return %c0_i32, %c0_i32_0 : i32, i32
  }
  func.func @transform_2(%arg0: i32) -> (i32, i32, i32) {
    %rem3A = arith.constant 8 : i32
    %rem3A_0 = arith.remsi %arg0, %rem3A : i32
    %c0_i32 = arith.constant 0 : i32
    %c0_i32_1 = arith.constant 0 : i32
    %c0_i32_2 = arith.constant 0 : i32
    return %rem3A_0, %c0_i32, %c0_i32_1 : i32, i32, i32
  }
  func.func @transform_3(%arg0: i32) -> (i32, i32, i32) {
    %rem3A = arith.constant 8 : i32
    %rem3A_0 = arith.remsi %arg0, %rem3A : i32
    %c0_i32 = arith.constant 0 : i32
    %c0_i32_1 = arith.constant 0 : i32
    %c0_i32_2 = arith.constant 0 : i32
    return %rem3A_0, %c0_i32, %c0_i32_1 : i32, i32, i32
  }
  func.func @transform_4(%arg0: i32) -> (i32, i32, i32) {
    %rem3A = arith.constant 8 : i32
    %rem3A_0 = arith.remsi %arg0, %rem3A : i32
    %c0_i32 = arith.constant 0 : i32
    %c0_i32_1 = arith.constant 0 : i32
    %c0_i32_2 = arith.constant 0 : i32
    return %rem3A_0, %c0_i32, %c0_i32_1 : i32, i32, i32
  }
  func.func @transform_5(%arg0: i32) -> (i32, i32) {
    %c0_i32 = arith.constant 0 : i32
    %c0_i32_0 = arith.constant 0 : i32
    %c0_i32_1 = arith.constant 0 : i32
    return %c0_i32, %c0_i32_0 : i32, i32
  }
  func.func @transform_6(%arg0: i32) -> (i32, i32) {
    %c0_i32 = arith.constant 0 : i32
    %c0_i32_0 = arith.constant 0 : i32
    %c0_i32_1 = arith.constant 0 : i32
    return %c0_i32, %c0_i32_0 : i32, i32
  }
}

module attributes {stable_mosaic.version = 14 : i64} {
  func.func @_grouped_body(%arg0: i32, %arg1: memref<128xi32, #tpu.memory_space<smem>>, %arg2: memref<256x1024xf32, #tpu.memory_space<vmem>>, %arg3: memref<1x1024x1024xf32, #tpu.memory_space<vmem>>, %arg4: memref<1x1x1024xf32, #tpu.memory_space<vmem>>, %arg5: memref<256x1024xf32, #tpu.memory_space<vmem>>) attributes {dimension_semantics = [#tpu.dimension_semantics<arbitrary>], iteration_bounds = array<i64: 40>, scalar_prefetch = 1 : i64, scratch_operands = 0 : i64, tpu.core_type = #tpu.core_type<tc>, window_params = [{transform_indices = @transform_0, window_bounds = array<i64: 256, 1024>}, {transform_indices = @transform_1, window_bounds = array<i64: 1, 1024, 1024>}, {transform_indices = @transform_2, window_bounds = array<i64: 1, 1, 1024>}, {transform_indices = @transform_3, window_bounds = array<i64: 256, 1024>}]} {
    %get3A = arith.constant 0 : index
    %get3A_0 = arith.constant 0 : index
    %get3A_1 = vector.load %arg2[%get3A, %get3A_0] : memref<256x1024xf32, #tpu.memory_space<vmem>>, vector<256x1024xf32>
    %get3A_2 = arith.constant 0 : index
    %get3A_3 = arith.constant 0 : index
    %get3A_4 = arith.constant 0 : index
    %get3A_5 = vector.load %arg3[%get3A_2, %get3A_3, %get3A_4] : memref<1x1024x1024xf32, #tpu.memory_space<vmem>>, vector<1x1024x1024xf32>
    %get3A_6 = vector.shape_cast %get3A_5 : vector<1x1024x1024xf32> to vector<1024x1024xf32>
    %dot_general3A = arith.constant dense<0.000000e+00> : vector<256x1024xf32>
    %dot_general3A_7 = tpu.matmul %get3A_1, %get3A_6, %dot_general3A {dimension_numbers = #tpu.dot_dimension_numbers<[1], [0], [0], [1], [0, 0, 1, 1], [], []>, transpose_lhs_hint = false} : vector<256x1024xf32>, vector<1024x1024xf32>, vector<256x1024xf32> -> vector<256x1024xf32>
    %get3A_8 = arith.constant 0 : index
    %get3A_9 = arith.constant 0 : index
    %get3A_10 = arith.constant 0 : index
    %get3A_11 = vector.load %arg4[%get3A_8, %get3A_9, %get3A_10] : memref<1x1x1024xf32, #tpu.memory_space<vmem>>, vector<1x1x1024xf32>
    %get3A_12 = vector.shape_cast %get3A_11 : vector<1x1x1024xf32> to vector<1x1024xf32>
    %add3A = vector.broadcast %get3A_12 : vector<1x1024xf32> to vector<256x1024xf32>
    %add3A_13 = arith.addf %dot_general3A_7, %add3A : vector<256x1024xf32>
    %swap3A = arith.constant 0 : index
    %swap3A_14 = arith.constant 0 : index
    %swap3A_15 = vector.load %arg5[%swap3A, %swap3A_14] : memref<256x1024xf32, #tpu.memory_space<vmem>>, vector<256x1024xf32>
    tpu.vector_store %arg5[%swap3A, %swap3A_14], %add3A_13 {strides = array<i32>} : memref<256x1024xf32, #tpu.memory_space<vmem>>, vector<256x1024xf32>,
    return
  }
  func.func @transform_0(%arg0: i32, %arg1: memref<128xi32, #tpu.memory_space<smem>>) -> (i32, i32) {
    %c0_i32 = arith.constant 0 : i32
    %c0_i32_0 = arith.constant 0 : i32
    return %arg0, %c0_i32 : i32, i32
  }
  func.func @transform_1(%arg0: i32, %arg1: memref<128xi32, #tpu.memory_space<smem>>) -> (i32, i32, i32) {
    %get3A = arith.index_cast %arg0 : i32 to index
    %get3A_0 = memref.load %arg1[%get3A] : memref<128xi32, #tpu.memory_space<smem>>
    %c0_i32 = arith.constant 0 : i32
    %c0_i32_1 = arith.constant 0 : i32
    %c0_i32_2 = arith.constant 0 : i32
    return %get3A_0, %c0_i32, %c0_i32_1 : i32, i32, i32
  }
  func.func @transform_2(%arg0: i32, %arg1: memref<128xi32, #tpu.memory_space<smem>>) -> (i32, i32, i32) {
    %get3A = arith.index_cast %arg0 : i32 to index
    %get3A_0 = memref.load %arg1[%get3A] : memref<128xi32, #tpu.memory_space<smem>>
    %c0_i32 = arith.constant 0 : i32
    %c0_i32_1 = arith.constant 0 : i32
    %c0_i32_2 = arith.constant 0 : i32
    return %get3A_0, %c0_i32, %c0_i32_1 : i32, i32, i32
  }
  func.func @transform_3(%arg0: i32, %arg1: memref<128xi32, #tpu.memory_space<smem>>) -> (i32, i32) {
    %c0_i32 = arith.constant 0 : i32
    %c0_i32_0 = arith.constant 0 : i32
    return %arg0, %c0_i32 : i32, i32
  }
}

module attributes {stable_mosaic.version = 14 : i64} {
  func.func @_combine_body(%arg0: i32, %arg1: memref<512x1024xf32, #tpu.memory_space<vmem>>, %arg2: memref<512x1024xf32, #tpu.memory_space<vmem>>, %arg3: memref<1x512x1xf32, #tpu.memory_space<vmem>>, %arg4: memref<1x512x1xf32, #tpu.memory_space<vmem>>, %arg5: memref<512x1024xf32, #tpu.memory_space<vmem>>) attributes {dimension_semantics = [#tpu.dimension_semantics<arbitrary>], iteration_bounds = array<i64: 8>, scalar_prefetch = 0 : i64, scratch_operands = 0 : i64, tpu.core_type = #tpu.core_type<tc>, window_params = [{transform_indices = @transform_0, window_bounds = array<i64: 512, 1024>}, {transform_indices = @transform_1, window_bounds = array<i64: 512, 1024>}, {transform_indices = @transform_2, window_bounds = array<i64: 1, 512, 1>}, {transform_indices = @transform_3, window_bounds = array<i64: 1, 512, 1>}, {transform_indices = @transform_4, window_bounds = array<i64: 512, 1024>}]} {
    %get3A = arith.constant 0 : index
    %get3A_0 = arith.constant 0 : index
    %get3A_1 = arith.constant 0 : index
    %get3A_2 = vector.load %arg3[%get3A, %get3A_0, %get3A_1] : memref<1x512x1xf32, #tpu.memory_space<vmem>>, vector<1x512x1xf32>
    %get3A_3 = vector.shape_cast %get3A_2 : vector<1x512x1xf32> to vector<512x1xf32>
    %get3A_4 = arith.constant 0 : index
    %get3A_5 = arith.constant 0 : index
    %get3A_6 = vector.load %arg1[%get3A_4, %get3A_5] : memref<512x1024xf32, #tpu.memory_space<vmem>>, vector<512x1024xf32>
    %mul3A = vector.broadcast %get3A_3 : vector<512x1xf32> to vector<512x1024xf32>
    %mul3A_7 = arith.mulf %mul3A, %get3A_6 : vector<512x1024xf32>
    %get3A_8 = arith.constant 0 : index
    %get3A_9 = arith.constant 0 : index
    %get3A_10 = arith.constant 0 : index
    %get3A_11 = vector.load %arg4[%get3A_8, %get3A_9, %get3A_10] : memref<1x512x1xf32, #tpu.memory_space<vmem>>, vector<1x512x1xf32>
    %get3A_12 = vector.shape_cast %get3A_11 : vector<1x512x1xf32> to vector<512x1xf32>
    %get3A_13 = arith.constant 0 : index
    %get3A_14 = arith.constant 0 : index
    %get3A_15 = vector.load %arg2[%get3A_13, %get3A_14] : memref<512x1024xf32, #tpu.memory_space<vmem>>, vector<512x1024xf32>
    %mul3A_16 = vector.broadcast %get3A_12 : vector<512x1xf32> to vector<512x1024xf32>
    %mul3A_17 = arith.mulf %mul3A_16, %get3A_15 : vector<512x1024xf32>
    %add3A = arith.addf %mul3A_7, %mul3A_17 : vector<512x1024xf32>
    %swap3A = arith.constant 0 : index
    %swap3A_18 = arith.constant 0 : index
    %swap3A_19 = vector.load %arg5[%swap3A, %swap3A_18] : memref<512x1024xf32, #tpu.memory_space<vmem>>, vector<512x1024xf32>
    tpu.vector_store %arg5[%swap3A, %swap3A_18], %add3A {strides = array<i32>} : memref<512x1024xf32, #tpu.memory_space<vmem>>, vector<512x1024xf32>,
    return
  }
  func.func @transform_0(%arg0: i32) -> (i32, i32) {
    %mul3A = arith.constant 2 : i32
    %mul3A_0 = arith.muli %mul3A, %arg0 : i32
    %c0_i32 = arith.constant 0 : i32
    %c0_i32_1 = arith.constant 0 : i32
    return %mul3A_0, %c0_i32 : i32, i32
  }
  func.func @transform_1(%arg0: i32) -> (i32, i32) {
    %mul3A = arith.constant 2 : i32
    %mul3A_0 = arith.muli %mul3A, %arg0 : i32
    %add3A = arith.constant 1 : i32
    %add3A_1 = arith.addi %mul3A_0, %add3A : i32
    %c0_i32 = arith.constant 0 : i32
    %c0_i32_2 = arith.constant 0 : i32
    return %add3A_1, %c0_i32 : i32, i32
  }
  func.func @transform_2(%arg0: i32) -> (i32, i32, i32) {
    %c0_i32 = arith.constant 0 : i32
    %c0_i32_0 = arith.constant 0 : i32
    %c0_i32_1 = arith.constant 0 : i32
    return %arg0, %c0_i32, %c0_i32_0 : i32, i32, i32
  }
  func.func @transform_3(%arg0: i32) -> (i32, i32, i32) {
    %c0_i32 = arith.constant 0 : i32
    %c0_i32_0 = arith.constant 0 : i32
    %c0_i32_1 = arith.constant 0 : i32
    return %arg0, %c0_i32, %c0_i32_0 : i32, i32, i32
  }
  func.func @transform_4(%arg0: i32) -> (i32, i32) {
    %c0_i32 = arith.constant 0 : i32
    %c0_i32_0 = arith.constant 0 : i32
    return %arg0, %c0_i32 : i32, i32
  }
}

</mosaic_0001>

<sc_bundles>
// kernel: kernel.10.cloned.1.call-start
scs
__scs_entry_jumppad:
0x0: {  	(pc) =	sbr.rel $0x88, $3  }
0x1: {  	(tag) =	ssettag $0x0;
	lr =	simm.s32 $0x1  }
0x2: {  	[smem:$0x3F9D] =	sst lr;
	_ =	strace $0xD0000000  }
0x3: {  	_ = 	snop  }
0x4: {  	_ = 	snop  }
0x5: {  	_ = 	snop  }
0x6: {  	_ = 	snop  }
0x7: {  	_ = 	snop  }
__scs_overlays_trampoline_lowered:
0x8: {  	[smem:$0x3FAC] =	sst s0  }
0x9: {  	[smem:$0x3FAD] =	sst s1  }
0xa: {  	[smem:$0x3FAE] =	sst s2  }
0xb: {  	[smem:$0x3FAF] =	sst s3  }
0xc: {  	[smem:$0x3FB0] =	sst s4  }
0xd: {  	[smem:$0x3FB1] =	sst s5  }
0xe: {  	[smem:$0x3FB2] =	sst s6  }
0xf: {  	[smem:$0x3FB3] =	sst s7  }
0x10: {  	[smem:$0x3FB4] =	sst s8  }
0x11: {  	[smem:$0x3FB5] =	sst s9;
	s0 =	simm.s32 @!p0 $0x0  }
0x12: {  	s1 =	sld [smem:$0x3F9B];
	s0 =	simm.s32 @p0 $0x1  }
0x13: {  	[smem:$0x3FB6] =	sst s0;
	s0 =	simm.s32 @!p1 $0x0  }
0x14: {  	s2 =	sld [smem:$0x3F9A];
	s0 =	simm.s32 @p1 $0x1  }
0x15: {  	[smem:$0x3FB7] =	sst s0;
	s0 =	simm.s32 @!p2 $0x0  }
0x16: {  	s3 =	sld [smem:$0x3FDB];
	s0 =	simm.s32 @p2 $0x1  }
0x17: {  	s4 =	simm.s32 $0x1BF5;
	[smem:$0x3FB9] =	sst s0  }
0x18: {  	s0 =	sld [smem:$0x3F9C];
	_ =	swait.ge [sflag:s4], $0x0  }
0x19: {  	s7 =	sld [smem:$0x3F9D]  }
0x1a: {  	s8 =	sadd.s32 $0xFFFFE003, lr  }
0x1b: {  	s9 =	sadd.s32 $0xFFFFFEF7, lr;
	s5 =	simm.s32 $0xFFFFFFFF;
	p2 =	slt.u32 s8, $0xFFFFF086  }
0x1c: {  	p1 =	slt.u32 s9, $0xF7A;
	s5 =	simm.s32 @!p2 $0x0  }
0x1d: {  	s5 =	simm.s32 @p1 $0x1;
	p0 =	seq.s32 s7, s2  }
0x1e: {  	s7 =	smul.u32 @!p0 $0xF7A, s2;
	p2 =	seq.s32 @!p0 s5, $0x0  }
0x1f: {  	s9 =	smul.u32 $0xF7A, s1;
	s8 =	simm.s32 @!p0 $0x1BF5;
	p2 =	por !p2, p0  }
0x20: {  	[sflag:s8] =	ssyncset.s32 @!p0 $0xFFFFF086;
	s6 =	sadd.s32 @!p0 s3, s7;
	s7 =	simm.s32 @!p0 $0x108  }
0x21: {  	s3 =	sadd.s32 s3, s9;
	s6 =	sadd.s32 @!p0 $0x88, s6;
	s7 =	simm.s32 @p2 $0x1082  }
0x22: {  	[simem:s7], [sflag:s8] =	dma.local @!p0 [hbm:s6], $0xF7A  }
0x23: {  	s9 =	sor.u32 $0xD0000000, s2;
	s6 =	simm.s32 $0x108;
	_ =	swait.ge @!p0 [sflag:s8], $0x0  }
0x24: {  	s3 =	sadd.s32 $0x88, s3;
	s6 =	simm.s32 @!p1 $0x1082;
	[sflag:s4] =	ssyncset.s32 $0xFFFFF086  }
0x25: {  	[simem:s6], [sflag:s4] =	dma.local [hbm:s3], $0xF7A  }
0x26: {  	[smem:$0x3F9D] =	sst s1;
	(tag) =	ssettag s2;
	_ =	strace s9  }
0x27: {  	s1 =	sld [smem:$0x3FAD]  }
0x28: {  	s2 =	sld [smem:$0x3FAE]  }
0x29: {  	s4 =	sld [smem:$0x3FB0]  }
0x2a: {  	p0 =	seq.s32 s5, $0x0;
	s5 =	sld [smem:$0x3FB1]  }
0x2b: {  	s6 =	sld [smem:$0x3FB2]  }
0x2c: {  	s7 =	sld [smem:$0x3FB3]  }
0x2d: {  	s3 =	simm.s32 $0x108;
	s8 =	sld [smem:$0x3FB4]  }
0x2e: {  	s3 =	simm.s32 @!p0 $0x1082;
	s9 =	sld [smem:$0x3FB5]  }
0x2f: {  	lr =	sadd.s32 s0, s3;
	s0 =	sld [smem:$0x3FAC]  }
0x30: {  	s3 =	sld [smem:$0x3FAF]  }
0x31: {  	[smem:$0x3FB8] =	sst s10  }
0x32: {  	s10 =	sld [smem:$0x3FB6];
	_ =	sdelay $0x3  }
0x33: {  	p0 =	seq.s32 s10, $0x1;
	s10 =	sld [smem:$0x3FB8];
	_ =	sdelay $0x3  }
0x34: {  	[smem:$0x3FB8] =	sst s10  }
0x35: {  	s10 =	sld [smem:$0x3FB7];
	_ =	sdelay $0x3  }
0x36: {  	p1 =	seq.s32 s10, $0x1;
	s10 =	sld [smem:$0x3FB8];
	_ =	sdelay $0x3  }
0x37: {  	[smem:$0x3FB8] =	sst s10  }
0x38: {  	s10 =	sld [smem:$0x3FB9]  }
0x39: {  	_ = 	snop;
	(pc) =	sbr.ind lr, $3  }
0x3a: {  	_ = 	snop  }
0x3b: {  	_ = 	snop  }
0x3c: {  	p2 =	seq.s32 s10, $0x1;
	s10 =	sld [smem:$0x3FB8]  }
0x3d: {  	_ =	shalt  }
0x3e: {  	_ =	shalt  }
0x3f: {  	_ =	shalt  }
0x40: {  	_ =	shalt  }
0x41: {  	_ =	shalt  }
0x42: {  	_ =	shalt  }
0x43: {  	_ =	shalt  }
0x44: {  	_ =	shalt  }
0x45: {  	_ =	shalt  }
0x46: {  	_ =	shalt  }
0x47: {  	_ =	shalt  }
0x48: {  	_ =	shalt  }
0x49: {  	_ =	shalt  }
0x4a: {  	_ =	shalt  }
0x4b: {  	_ =	shalt  }
0x4c: {  	_ =	shalt  }
0x4d: {  	_ =	shalt  }
0x4e: {  	_ =	shalt  }
0x4f: {  	_ =	shalt  }
0x50: {  	_ =	shalt  }
0x51: {  	_ =	shalt  }
0x52: {  	_ =	shalt  }
0x53: {  	_ =	shalt  }
0x54: {  	_ =	shalt  }
0x55: {  	_ =	shalt  }
0x56: {  	_ =	shalt  }
0x57: {  	_ =	shalt  }
0x58: {  	_ =	shalt  }
0x59: {  	_ =	shalt  }
0x5a: {  	_ =	shalt  }
0x5b: {  	_ =	shalt  }
0x5c: {  	_ =	shalt  }
0x5d: {  	_ =	shalt  }
0x5e: {  	_ =	shalt  }
0x5f: {  	_ =	shalt  }
0x60: {  	_ =	shalt  }
0x61: {  	_ =	shalt  }
0x62: {  	_ =	shalt  }
0x63: {  	_ =	shalt  }
0x64: {  	_ =	shalt  }
0x65: {  	_ =	shalt  }
0x66: {  	_ =	shalt  }
0x67: {  	_ =	shalt  }
0x68: {  	_ =	shalt  }
0x69: {  	_ =	shalt  }
0x6a: {  	_ =	shalt  }
0x6b: {  	_ =	shalt  }
0x6c: {  	_ =	shalt  }
0x6d: {  	_ =	shalt  }
0x6e: {  	_ =	shalt  }
0x6f: {  	_ =	shalt  }
0x70: {  	_ =	shalt  }
0x71: {  	_ =	shalt  }
0x72: {  	_ =	shalt  }
0x73: {  	_ =	shalt  }
0x74: {  	_ =	shalt  }
0x75: {  	_ =	shalt  }
0x76: {  	_ =	shalt  }
0x77: {  	_ =	shalt  }
0x78: {  	_ =	shalt  }
0x79: {  	_ =	shalt  }
0x7a: {  	_ =	shalt  }
0x7b: {  	_ =	shalt  }
0x7c: {  	_ =	shalt  }
0x7d: {  	_ =	shalt  }
0x7e: {  	_ =	shalt  }
0x7f: {  	_ =	shalt  }
0x80: {  	_ =	shalt  }
0x81: {  	_ =	shalt  }
0x82: {  	_ =	shalt  }
0x83: {  	_ =	shalt  }
0x84: {  	_ =	shalt  }
0x85: {  	_ =	shalt  }
0x86: {  	_ =	shalt  }
0x87: {  	_ =	shalt  }
.Lfunc_end0:
.L_simem_size_0:
called_computation.1_lowered:
.L_overlay_start_0:
0x88: {  	s2 =	sld [smem:$0x3FD9]  }
0x89: {  	s3 =	sld [smem:$0x3FFE];
	_ =	sdelay $0x1  }
0x8a: {  	s1 =	srdreg.scid  }
0x8b: {  	s0 =	sand.u32 $0x1, s1  }
0x8c: {  	s16 =	sshll.u32 s0, $0xA;
	s2 =	sadd.s32 s3, s2  }
0x8d: {  	s2 =	sadd.s32 s2, s16  }
0x8e: {  	[smem:$0x3FC4] =	sst s2  }
0x8f: {  	_ = 	snop  }
0x90: {  	(tm) =	ssettm $0x1  }
0x91: {  	s17 =	sld [smem:$0x3FFB];
	_ =	sdelay $0x3  }
0x92: {  	_ =	strace s17  }
0x93: {  	s2 =	sld [smem:$0x3FFC];
	_ =	sdelay $0x3  }
0x94: {  	_ =	strace s2  }
0x95: {  	s2 =	sld [smem:$0x3FFD];
	_ =	sdelay $0x3  }
0x96: {  	_ =	strace s2  }
0x97: {  	_ =	strace $0x8FFFFFFF  }
0x98: {  	s18 =	sld [smem:$0x3FDB];
	_ =	sdelay $0x1  }
0x99: {  	s19 =	simm.s32 $_scs_section_size  }
0x9a: {  	s4 =	simm.s32 $_size__tile_overlayer_lowered;
	s5 =	simm.s32 $_tile_overlayer_lowered  }
0x9b: {  	s22 =	simm.s32 $0x1BFF;
	s21 =	sshll.u32 s5, $0x1;
	s2 =	sadd.s32 s19, s18  }
0x9c: {  	s6 =	simm.s32 $0x0;
	s20 =	sshll.u32 s4, $0x1;
	s4 =	sadd.s32 s21, s2  }
0x9d: {  	[timem:s6], [sflag:s22] =	dma.local [hbm:s4], s20  }
0x9e: {  	_ =	swait.ge [sflag:s22], s20  }
0x9f: {  	s3 =	ssub.s32 $0x0, s20;
	[sflag:s22] =	ssyncset.done $0x0  }
0xa0: {  	[sflag:s22] =	ssyncadd.s32 s3;
	_ =	sdelay $0x1  }
0xa1: {  	s23 =	simm.s32 $0x1B8B  }
0xa2: {  	_ =	swait.ge [sflag:s23], $0x1  }
0xa3: {  	[sflag:s23] =	ssyncset.done $0x0  }
0xa4: {  	s25 =	simm.s32 $0x1B8E;
	s24 =	sld [smem:$0x3FFE];
	[sflag:s23] =	ssyncadd.s32 $0xFFFFFFFF  }
0xa5: {  	s26 =	simm.s32 $execute0_lowered;
	[smem:$0x3FD2] =	sst s25  }
0xa6: {  	s4 =	sshll.u32 s26, $0x1;
	_ =	strace $0x80000049;
	[dreg:$0x1] =	wrdreg $0xFFFFFFFF  }
0xa7: {  	s28 =	simm.s32 $_size_execute0_lowered;
	s2 =	sadd.s32 s2, s4;
	[dreg:$0x0] =	wrdreg $0x0  }
0xa8: {  	s4 =	sshll.u32 s28, $0x1;
	[dreg:$0x2] =	wrdreg s2  }
0xa9: {  	[dreg:$0x3] =	wrdreg s4  }
0xaa: {  	[dreg:$0x4] =	wrdreg $0xC0  }
0xab: {  	_ =	task [dreg:s6], $0x5FFFF  }
0xac: {  	[dreg:$0x1] =	wrdreg $0xFFFFFFFF  }
0xad: {  	[dreg:$0x0] =	wrdreg $0x60  }
0xae: {  	[dreg:$0x2] =	wrdreg s24  }
0xaf: {  	[dreg:$0x3] =	wrdreg $0x9  }
0xb0: {  	_ =	task.clear_ibuf [dreg:s6], $0x4FFFF;
	_ =	strace $0x90000049  }
0xb1: {  	s29 =	simm.s32 $0x9;
	_ =	strace $0x8000004B  }
0xb2: {  	_ =	swait.ge [sflag:s29], $0x1  }
0xb3: {  	[sflag:s29] =	ssyncadd.s32 $0xFFFFFFFF  }
0xb4: {  	_ =	strace $0x9000004B  }
0xb5: {  	_ =	sfence  }
0xb6: {  	s30 =	sld [smem:$0x0];
	_ =	sdelay $0x2  }
0xb7: {  	s31 =	sshll.u32 s1, $0xD;
	s1 =	sshrl.u32 s1, $0x2  }
0xb8: {  	s3 =	sand.u32 $0x4000, s31;
	s1 =	sadd.s32 s1, s30  }
0xb9: {  	s0 =	sor.u32 s3, s0;
	s1 =	sshll.u32 s1, $0x11  }
0xba: {  	s0 =	sor.u32 s1, s0  }
0xbb: {  	s0 =	sadd.s32 $0x8F2B, s0  }
0xbc: {  	[sflag:s0] =	ssyncadd.remote.s32 $0x1  }
0xbd: {  	_ =	sfence.sel $0xFFFF  }
0xbe: {  	[dreg:$0x0] =	wrdreg $0xFFFFFFFF;
	(pc) =	sbr.abs _section_cstart, $3  }
0xbf: {  	[dreg:$0x1] =	wrdreg $0xFFFFFFFF  }
0xc0: {  	_ =	task.clear_ibuf [dreg:s6], $0x2FFFF;
	_ =	strace $0x9FFFFFFF  }
0xc1: {  	(tm) =	ssettm $0x7FFFFFFF  }
tec
execute0_lowered:
.L_overlay_start_1:
0x0: {  	(tag) =	ssettag $0x1  }
0x1: {  	s0 =	rddreg [dreg:$0x0];
	s1 =	srdreg.scid  }
0x2: {  	s2 =	simm.s32 $0x0;
	s3 =	stileid.u32;
	s28 =	simm.s32 $0x2400  }
0x3: {  	s29 =	simm.s32 $0x2C00;
	s30 =	simm.s32 $0x3400;
	s31 =	simm.s32 $0x3C00  }
0x4: {  	s1 =	sand.u32 $0x1, s1;
	[smem:$0x7FF] =	sst s2;
	s3 =	sshll.u32 s3, $0x9  }
0x5: {  	s26 =	sadd.s32 $0x10E00, s0;
	s7 =	sadd.s32 $0x11200, s0;
	s4 =	sshll.u32 s1, $0x8  }
0x6: {  	_ =	strace $0x8000004A;
	s1 =	ssub.s32 $0x2, s1;
	s3 =	sor.u32 s4, s3  }
0x7: {  	s5 =	sshrl.u32 s3, $0x3;
	s6 =	sor.u32 $0x20, s3;
	s15 =	sor.u32 $0x40, s3  }
0x8: {  	s9 =	sor.u32 $0x60, s3;
	s11 =	sor.u32 $0x80, s3;
	s20 =	sor.u32 $0xA0, s3  }
0x9: {  	s12 =	sor.u32 $0xC0, s3;
	s5 =	sadd.s32 s26, s5;
	s8 =	sshrl.u32 s6, $0x3  }
0xa: {  	s16 =	sshrl.u32 s15, $0x3;
	s10 =	sshrl.u32 s9, $0x3;
	s18 =	sshrl.u32 s11, $0x3  }
0xb: {  	s21 =	sshrl.u32 s20, $0x3;
	s13 =	sshrl.u32 s12, $0x3;
	s24 =	sshll.u32 s6, $0x7  }
0xc: {  	s6 =	sshll.u32 s9, $0x7;
	s9 =	sshll.u32 s11, $0x7;
	[dreg:$0x2] =	wrdreg s5  }
0xd: {  	s14 =	sadd.s32 s26, s8;
	s5 =	sadd.s32 s26, s16;
	s17 =	sadd.s32 s26, s10  }
0xe: {  	s19 =	sadd.s32 s26, s18;
	s22 =	sadd.s32 s26, s13;
	[dreg:$0x3] =	wrdreg s14  }
0xf: {  	s25 =	sadd.s32 s7, s24;
	s8 =	sadd.s32 s7, s6;
	[dreg:$0x4] =	wrdreg s5  }
0x10: {  	s11 =	sadd.s32 s7, s9;
	s13 =	sshll.u32 s20, $0x7;
	[dreg:$0x5] =	wrdreg s17  }
0x11: {  	s16 =	sshll.u32 s12, $0x7;
	s20 =	simm.s32 $0x100;
	[dreg:$0x6] =	wrdreg s19  }
0x12: {  	s24 =	simm.s32 $0x280;
	s6 =	sadd.s32 $0x151500, s0;
	[dreg:$0x8] =	wrdreg s22  }
0x13: {  	s10 =	simm.s32 $0x5400;
	s12 =	simm.s32 $0x6400;
	[dreg:$0xb] =	wrdreg s25  }
0x14: {  	s5 =	sadd.s32 s26, s21;
	s14 =	sor.u32 $0xE0, s3;
	[dreg:$0xd] =	wrdreg s8  }
0x15: {  	s3 =	sshll.u32 s3, $0x7;
	[dreg:$0xe] =	wrdreg s11;
	s17 =	sadd.s32 s7, s16  }
0x16: {  	s19 =	simm.s32 $0x80;
	s21 =	sshrl.u32 s1, $0x1;
	[dreg:$0x13] =	wrdreg s20  }
0x17: {  	s22 =	simm.s32 $0x180;
	[dreg:$0x16] =	wrdreg s24;
	s25 =	simm.s32 $0x300  }
0x18: {  	s8 =	simm.s32 $0x5;
	s20 =	simm.s32 $0x2;
	[dreg:$0x7] =	wrdreg s5  }
0x19: {  	s24 =	simm.s32 $0x1400;
	s16 =	simm.s32 $0x4400;
	[dreg:$0x10] =	wrdreg s17  }
0x1a: {  	s11 =	simm.s32 $0x5C00;
	s23 =	sshrl.u32 s14, $0x3;
	[dreg:$0x12] =	wrdreg s19  }
0x1b: {  	s3 =	sadd.s32 s7, s3;
	s18 =	sshll.u32 s14, $0x7;
	[dreg:$0x14] =	wrdreg s22  }
0x1c: {  	s1 =	ssub.s32 s1, s21;
	[dreg:$0x17] =	wrdreg s25;
	s19 =	simm.s32 $0x3  }
0x1d: {  	s21 =	simm.s32 $0x4;
	s25 =	simm.s32 $0x400;
	s17 =	simm.s32 $0x4C00  }
0x1e: {  	s14 =	simm.s32 $0x7400;
	s4 =	sadd.s32 s26, s23;
	[dreg:$0xa] =	wrdreg s3  }
0x1f: {  	s26 =	sshll.u32 s15, $0x7;
	s15 =	sadd.s32 s7, s13;
	s3 =	sadd.s32 $0x151200, s0  }
0x20: {  	s23 =	simm.s32 $0x200;
	s13 =	simm.s32 $0x6C00;
	[dreg:$0x9] =	wrdreg s4  }
0x21: {  	s5 =	sadd.s32 s7, s26;
	[dreg:$0xf] =	wrdreg s15;
	s4 =	sadd.s32 s7, s18  }
0x22: {  	[dreg:$0x15] =	wrdreg s23;
	s26 =	simm.s32 $0x380;
	s7 =	smax.u32 s1, $0x1  }
0x23: {  	v2 =	vlaneseq.u32;
	s18 =	simm.s32 $0x1;
	s15 =	simm.s32 $0x7C00;
	[dreg:$0xc] =	wrdreg s5  }
0x24: {  	vm0 =	vmmov $0xffff;
	v1 =	vshrl.u32 v2, $0x3;
	[dreg:$0x11] =	wrdreg s4;
	s4 =	sadd.s32 $0x151300, s0;
	s5 =	sadd.s32 $0x151400, s0  }
0x25: {  	v0 =	vand.u32 $0x7, v2;
	v2 =	vor.u32 $0x8, v2;
	v1 =	vmul.u32 $0x8, v1;
	[dreg:$0x18] =	wrdreg s26;
	s26 =	simm.s32 $0x1C00;
	s0 =	simm.s32 $0x8400  }
.LBB2_1:
0x26: {  	s22 =	rddreg [dreg:$0x2]  }
0x27: {  	[tilespmem:s2], [sflag:$0x5] =	stream.linear.gather [hbm4b:s22+s2], $0x20, $0x38;
	[tilespmem:$0x10400] =	vst v63  }
0x28: {  	_ =	swait.ge [sflag:s8], $0x20  }
0x29: {  	s9 =	rddreg [dreg:$0x3];
	[sflag:s8] =	ssyncset.done $0x0  }
0x2a: {  	s23 =	rddreg [dreg:$0x12];
	[sflag:s8] =	ssyncadd.s32 $0xFFFFFFE0  }
0x2b: {  	[tilespmem:s23], [sflag:$0x5] =	stream.linear.gather [hbm4b:s9+s2], $0x20, $0x38;
	[tilespmem:$0x10400] =	vst v63  }
0x2c: {  	_ =	swait.ge [sflag:s8], $0x20  }
0x2d: {  	s1 =	rddreg [dreg:$0x4];
	[sflag:s8] =	ssyncset.done $0x0  }
0x2e: {  	s9 =	rddreg [dreg:$0x13];
	[sflag:s8] =	ssyncadd.s32 $0xFFFFFFE0  }
0x2f: {  	[tilespmem:s9], [sflag:$0x5] =	stream.linear.gather [hbm4b:s1+s2], $0x20, $0x38;
	[tilespmem:$0x10400] =	vst v63  }
0x30: {  	_ =	swait.ge [sflag:s8], $0x20  }
0x31: {  	s1 =	rddreg [dreg:$0x5];
	[sflag:s8] =	ssyncset.done $0x0  }
0x32: {  	s9 =	rddreg [dreg:$0x14];
	[sflag:s8] =	ssyncadd.s32 $0xFFFFFFE0  }
0x33: {  	[tilespmem:s9], [sflag:$0x5] =	stream.linear.gather [hbm4b:s1+s2], $0x20, $0x38;
	[tilespmem:$0x10400] =	vst v63  }
0x34: {  	_ =	swait.ge [sflag:s8], $0x20  }
0x35: {  	s1 =	rddreg [dreg:$0x6];
	[sflag:s8] =	ssyncset.done $0x0  }
0x36: {  	s9 =	rddreg [dreg:$0x15];
	[sflag:s8] =	ssyncadd.s32 $0xFFFFFFE0  }
0x37: {  	[tilespmem:s9], [sflag:$0x5] =	stream.linear.gather [hbm4b:s1+s2], $0x20, $0x38;
	[tilespmem:$0x10400] =	vst v63  }
0x38: {  	_ =	swait.ge [sflag:s8], $0x20  }
0x39: {  	s1 =	rddreg [dreg:$0x7];
	[sflag:s8] =	ssyncset.done $0x0  }
0x3a: {  	s9 =	rddreg [dreg:$0x16];
	[sflag:s8] =	ssyncadd.s32 $0xFFFFFFE0  }
0x3b: {  	[tilespmem:s9], [sflag:$0x5] =	stream.linear.gather [hbm4b:s1+s2], $0x20, $0x38;
	[tilespmem:$0x10400] =	vst v63  }
0x3c: {  	_ =	swait.ge [sflag:s8], $0x20  }
0x3d: {  	s1 =	rddreg [dreg:$0x8];
	[sflag:s8] =	ssyncset.done $0x0  }
0x3e: {  	s9 =	rddreg [dreg:$0x17];
	[sflag:s8] =	ssyncadd.s32 $0xFFFFFFE0  }
0x3f: {  	[tilespmem:s9], [sflag:$0x5] =	stream.linear.gather [hbm4b:s1+s2], $0x20, $0x38;
	[tilespmem:$0x10400] =	vst v63  }
0x40: {  	_ =	swait.ge [sflag:s8], $0x20  }
0x41: {  	s1 =	rddreg [dreg:$0x9];
	[sflag:s8] =	ssyncset.done $0x0  }
0x42: {  	s9 =	rddreg [dreg:$0x18];
	[sflag:s8] =	ssyncadd.s32 $0xFFFFFFE0  }
0x43: {  	[tilespmem:s9], [sflag:$0x5] =	stream.linear.gather [hbm4b:s1+s2], $0x20, $0x38;
	[tilespmem:$0x10400] =	vst v63  }
0x44: {  	_ =	swait.ge [sflag:s8], $0x20  }
0x45: {  	[sflag:s8] =	ssyncset.done $0x0  }
0x46: {  	[sflag:s8] =	ssyncadd.s32 $0xFFFFFFE0  }
0x47: {  	v3 =	vld [tilespmem:$0x0];
	_ =	sdelay $0x4  }
0x48: {  	v4 =	vshll.u32 v3, $0x3  }
0x49: {  	v3 =	vand.u32 $0x7, v3;
	v4 =	vand.u32 $0xFFFFFFC0, v4  }
0x4a: {  	v3 =	vor.u32 v3, v4  }
0x4b: {  	v4 =	vperm.xlane v3, v0;
	_ =	sdelay $0x1  }
0x4c: {  	v4 =	vadd.s32 v1, v4;
	_ =	sdelay $0x4  }
0x4d: {  	[tilespmem:s25], [sflag:$0x1] =	stream.indirect_vreg.gather [hbm4b:s3+s2], $0x80, v4, vm0, $0xb8;
	[tilespmem:$0x10400] =	vst v63  }
0x4e: {  	s23 =	simm.s32 $0xC00;
	v3 =	vperm.xlane v3, v2  }
0x4f: {  	[tilespmem:s23], [sflag:$0x1] =	stream.indirect_vreg.gather [hbm4b:s4+s2], $0x80, v4, vm0, $0xb8;
	[tilespmem:$0x10400] =	vst v63  }
0x50: {  	v3 =	vadd.s32 v1, v3  }
0x51: {  	[tilespmem:s24], [sflag:$0x1] =	stream.indirect_vreg.gather [hbm4b:s5+s2], $0x80, v4, vm0, $0xb8;
	[tilespmem:$0x10400] =	vst v63  }
0x52: {  	_ = 	snop  }
0x53: {  	[tilespmem:s26], [sflag:$0x1] =	stream.indirect_vreg.gather [hbm4b:s6+s2], $0x80, v4, vm0, $0xb8;
	[tilespmem:$0x10400] =	vst v63  }
0x54: {  	_ = 	snop  }
0x55: {  	[tilespmem:s28], [sflag:$0x1] =	stream.indirect_vreg.gather [hbm4b:s3+s2], $0x80, v3, vm0, $0xb8;
	[tilespmem:$0x10400] =	vst v63  }
0x56: {  	_ = 	snop  }
0x57: {  	[tilespmem:s29], [sflag:$0x1] =	stream.indirect_vreg.gather [hbm4b:s4+s2], $0x80, v3, vm0, $0xb8;
	[tilespmem:$0x10400] =	vst v63  }
0x58: {  	_ = 	snop  }
0x59: {  	[tilespmem:s30], [sflag:$0x1] =	stream.indirect_vreg.gather [hbm4b:s5+s2], $0x80, v3, vm0, $0xb8;
	[tilespmem:$0x10400] =	vst v63  }
0x5a: {  	_ = 	snop  }
0x5b: {  	[tilespmem:s31], [sflag:$0x1] =	stream.indirect_vreg.gather [hbm4b:s6+s2], $0x80, v3, vm0, $0xb8;
	[tilespmem:$0x10400] =	vst v63  }
0x5c: {  	v3 =	vld [tilespmem:$0x10];
	_ =	sdelay $0x4  }
0x5d: {  	v49 =	vshll.u32 v3, $0x3  }
0x5e: {  	v3 =	vand.u32 $0x7, v3;
	v4 =	vand.u32 $0xFFFFFFC0, v49  }
0x5f: {  	v3 =	vor.u32 v3, v4  }
0x60: {  	v4 =	vperm.xlane v3, v0;
	_ =	sdelay $0x1  }
0x61: {  	v4 =	vadd.s32 v1, v4;
	_ =	sdelay $0x4  }
0x62: {  	[tilespmem:s16], [sflag:$0x1] =	stream.indirect_vreg.gather [hbm4b:s3+s2], $0x80, v4, vm0, $0xb8;
	[tilespmem:$0x10400] =	vst v63  }
0x63: {  	v3 =	vperm.xlane v3, v2  }
0x64: {  	[tilespmem:s17], [sflag:$0x1] =	stream.indirect_vreg.gather [hbm4b:s4+s2], $0x80, v4, vm0, $0xb8;
	[tilespmem:$0x10400] =	vst v63  }
0x65: {  	v3 =	vadd.s32 v1, v3  }
0x66: {  	[tilespmem:s10], [sflag:$0x1] =	stream.indirect_vreg.gather [hbm4b:s5+s2], $0x80, v4, vm0, $0xb8;
	[tilespmem:$0x10400] =	vst v63  }
0x67: {  	_ = 	snop  }
0x68: {  	[tilespmem:s11], [sflag:$0x1] =	stream.indirect_vreg.gather [hbm4b:s6+s2], $0x80, v4, vm0, $0xb8;
	[tilespmem:$0x10400] =	vst v63  }
0x69: {  	_ = 	snop  }
0x6a: {  	[tilespmem:s12], [sflag:$0x1] =	stream.indirect_vreg.gather [hbm4b:s3+s2], $0x80, v3, vm0, $0xb8;
	[tilespmem:$0x10400] =	vst v63  }
0x6b: {  	_ = 	snop  }
0x6c: {  	[tilespmem:s13], [sflag:$0x1] =	stream.indirect_vreg.gather [hbm4b:s4+s2], $0x80, v3, vm0, $0xb8;
	[tilespmem:$0x10400] =	vst v63  }
0x6d: {  	_ = 	snop  }
0x6e: {  	[tilespmem:s14], [sflag:$0x1] =	stream.indirect_vreg.gather [hbm4b:s5+s2], $0x80, v3, vm0, $0xb8;
	[tilespmem:$0x10400] =	vst v63  }
0x6f: {  	_ = 	snop  }
0x70: {  	[tilespmem:s15], [sflag:$0x1] =	stream.indirect_vreg.gather [hbm4b:s6+s2], $0x80, v3, vm0, $0xb8;
	[tilespmem:$0x10400] =	vst v63  }
0x71: {  	v3 =	vld [tilespmem:$0x80];
	_ =	sdelay $0x4  }
0x72: {  	v50 =	vshll.u32 v3, $0x3  }
0x73: {  	v3 =	vand.u32 $0x7, v3;
	v4 =	vand.u32 $0xFFFFFFC0, v50  }
0x74: {  	v3 =	vor.u32 v3, v4  }
0x75: {  	v4 =	vperm.xlane v3, v0;
	_ =	sdelay $0x1  }
0x76: {  	v4 =	vadd.s32 v1, v4;
	_ =	sdelay $0x4  }
0x77: {  	[tilespmem:s0], [sflag:$0x2] =	stream.indirect_vreg.gather [hbm4b:s3+s2], $0x80, v4, vm0, $0xb8;
	[tilespmem:$0x10400] =	vst v63  }
0x78: {  	s9 =	simm.s32 $0x8C00;
	v3 =	vperm.xlane v3, v2  }
0x79: {  	[tilespmem:s9], [sflag:$0x2] =	stream.indirect_vreg.gather [hbm4b:s4+s2], $0x80, v4, vm0, $0xb8;
	[tilespmem:$0x10400] =	vst v63  }
0x7a: {  	s1 =	simm.s32 $0x9400;
	v3 =	vadd.s32 v1, v3  }
0x7b: {  	[tilespmem:s1], [sflag:$0x2] =	stream.indirect_vreg.gather [hbm4b:s5+s2], $0x80, v4, vm0, $0xb8;
	[tilespmem:$0x10400] =	vst v63  }
0x7c: {  	s9 =	simm.s32 $0x9C00  }
0x7d: {  	[tilespmem:s9], [sflag:$0x2] =	stream.indirect_vreg.gather [hbm4b:s6+s2], $0x80, v4, vm0, $0xb8;
	[tilespmem:$0x10400] =	vst v63  }
0x7e: {  	s1 =	simm.s32 $0xA400  }
0x7f: {  	[tilespmem:s1], [sflag:$0x2] =	stream.indirect_vreg.gather [hbm4b:s3+s2], $0x80, v3, vm0, $0xb8;
	[tilespmem:$0x10400] =	vst v63  }
0x80: {  	s9 =	simm.s32 $0xAC00  }
0x81: {  	[tilespmem:s9], [sflag:$0x2] =	stream.indirect_vreg.gather [hbm4b:s4+s2], $0x80, v3, vm0, $0xb8;
	[tilespmem:$0x10400] =	vst v63  }
0x82: {  	s1 =	simm.s32 $0xB400  }
0x83: {  	[tilespmem:s1], [sflag:$0x2] =	stream.indirect_vreg.gather [hbm4b:s5+s2], $0x80, v3, vm0, $0xb8;
	[tilespmem:$0x10400] =	vst v63  }
0x84: {  	s9 =	simm.s32 $0xBC00  }
0x85: {  	[tilespmem:s9], [sflag:$0x2] =	stream.indirect_vreg.gather [hbm4b:s6+s2], $0x80, v3, vm0, $0xb8;
	[tilespmem:$0x10400] =	vst v63  }
0x86: {  	v3 =	vld [tilespmem:$0x90];
	_ =	sdelay $0x4  }
0x87: {  	v51 =	vshll.u32 v3, $0x3  }
0x88: {  	v3 =	vand.u32 $0x7, v3;
	v4 =	vand.u32 $0xFFFFFFC0, v51  }
0x89: {  	v3 =	vor.u32 v3, v4  }
0x8a: {  	v4 =	vperm.xlane v3, v0;
	_ =	sdelay $0x1  }
0x8b: {  	v4 =	vadd.s32 v1, v4;
	_ =	sdelay $0x3  }
0x8c: {  	s1 =	simm.s32 $0xC400  }
0x8d: {  	[tilespmem:s1], [sflag:$0x2] =	stream.indirect_vreg.gather [hbm4b:s3+s2], $0x80, v4, vm0, $0xb8;
	[tilespmem:$0x10400] =	vst v63  }
0x8e: {  	v3 =	vperm.xlane v3, v2;
	s1 =	simm.s32 $0xCC00  }
0x8f: {  	[tilespmem:s1], [sflag:$0x2] =	stream.indirect_vreg.gather [hbm4b:s4+s2], $0x80, v4, vm0, $0xb8;
	[tilespmem:$0x10400] =	vst v63  }
0x90: {  	v3 =	vadd.s32 v1, v3;
	s1 =	simm.s32 $0xD400  }
0x91: {  	[tilespmem:s1], [sflag:$0x2] =	stream.indirect_vreg.gather [hbm4b:s5+s2], $0x80, v4, vm0, $0xb8;
	[tilespmem:$0x10400] =	vst v63  }
0x92: {  	s1 =	simm.s32 $0xDC00  }
0x93: {  	[tilespmem:s1], [sflag:$0x2] =	stream.indirect_vreg.gather [hbm4b:s6+s2], $0x80, v4, vm0, $0xb8;
	[tilespmem:$0x10400] =	vst v63  }
0x94: {  	s1 =	simm.s32 $0xE400  }
0x95: {  	[tilespmem:s1], [sflag:$0x2] =	stream.indirect_vreg.gather [hbm4b:s3+s2], $0x80, v3, vm0, $0xb8;
	[tilespmem:$0x10400] =	vst v63  }
0x96: {  	s1 =	simm.s32 $0xEC00  }
0x97: {  	[tilespmem:s1], [sflag:$0x2] =	stream.indirect_vreg.gather [hbm4b:s4+s2], $0x80, v3, vm0, $0xb8;
	[tilespmem:$0x10400] =	vst v63  }
0x98: {  	s1 =	simm.s32 $0xF400  }
0x99: {  	[tilespmem:s1], [sflag:$0x2] =	stream.indirect_vreg.gather [hbm4b:s5+s2], $0x80, v3, vm0, $0xb8;
	[tilespmem:$0x10400] =	vst v63  }
0x9a: {  	s1 =	simm.s32 $0xFC00  }
0x9b: {  	[tilespmem:s1], [sflag:$0x2] =	stream.indirect_vreg.gather [hbm4b:s6+s2], $0x80, v3, vm0, $0xb8;
	[tilespmem:$0x10400] =	vst v63  }
0x9c: {  	_ =	swait.ge [sflag:s18], $0x8000  }
0x9d: {  	[sflag:s18] =	ssyncset.done $0x0  }
0x9e: {  	s1 =	rddreg [dreg:$0xa];
	[sflag:s18] =	ssyncadd.s32 $0xFFFF8000  }
0x9f: {  	[hbm4b:s1+s2] =	stream.linear.scatter [tilespmem:s25], [sflag:$0x3], $0x8000, $0x38;
	[tilespmem:$0x10400] =	vst v63  }
0xa0: {  	_ =	swait.ge [sflag:s19], $0x8000  }
0xa1: {  	[sflag:s19] =	ssyncset.done $0x0  }
0xa2: {  	[sflag:s19] =	ssyncadd.s32 $0xFFFF8000  }
0xa3: {  	v3 =	vld [tilespmem:$0x100];
	_ =	sdelay $0x4  }
0xa4: {  	v52 =	vshll.u32 v3, $0x3  }
0xa5: {  	v3 =	vand.u32 $0x7, v3;
	v4 =	vand.u32 $0xFFFFFFC0, v52  }
0xa6: {  	v3 =	vor.u32 v3, v4  }
0xa7: {  	v4 =	vperm.xlane v3, v0;
	_ =	sdelay $0x1  }
0xa8: {  	v4 =	vadd.s32 v1, v4;
	_ =	sdelay $0x4  }
0xa9: {  	[tilespmem:s25], [sflag:$0x1] =	stream.indirect_vreg.gather [hbm4b:s3+s2], $0x80, v4, vm0, $0xb8;
	[tilespmem:$0x10400] =	vst v63  }
0xaa: {  	v3 =	vperm.xlane v3, v2  }
0xab: {  	[tilespmem:s23], [sflag:$0x1] =	stream.indirect_vreg.gather [hbm4b:s4+s2], $0x80, v4, vm0, $0xb8;
	[tilespmem:$0x10400] =	vst v63  }
0xac: {  	v3 =	vadd.s32 v1, v3  }
0xad: {  	[tilespmem:s24], [sflag:$0x1] =	stream.indirect_vreg.gather [hbm4b:s5+s2], $0x80, v4, vm0, $0xb8;
	[tilespmem:$0x10400] =	vst v63  }
0xae: {  	_ = 	snop  }
0xaf: {  	[tilespmem:s26], [sflag:$0x1] =	stream.indirect_vreg.gather [hbm4b:s6+s2], $0x80, v4, vm0, $0xb8;
	[tilespmem:$0x10400] =	vst v63  }
0xb0: {  	_ = 	snop  }
0xb1: {  	[tilespmem:s28], [sflag:$0x1] =	stream.indirect_vreg.gather [hbm4b:s3+s2], $0x80, v3, vm0, $0xb8;
	[tilespmem:$0x10400] =	vst v63  }
0xb2: {  	_ = 	snop  }
0xb3: {  	[tilespmem:s29], [sflag:$0x1] =	stream.indirect_vreg.gather [hbm4b:s4+s2], $0x80, v3, vm0, $0xb8;
	[tilespmem:$0x10400] =	vst v63  }
0xb4: {  	_ = 	snop  }
0xb5: {  	[tilespmem:s30], [sflag:$0x1] =	stream.indirect_vreg.gather [hbm4b:s5+s2], $0x80, v3, vm0, $0xb8;
	[tilespmem:$0x10400] =	vst v63  }
0xb6: {  	_ = 	snop  }
0xb7: {  	[tilespmem:s31], [sflag:$0x1] =	stream.indirect_vreg.gather [hbm4b:s6+s2], $0x80, v3, vm0, $0xb8;
	[tilespmem:$0x10400] =	vst v63  }
0xb8: {  	v3 =	vld [tilespmem:$0x110];
	_ =	sdelay $0x4  }
0xb9: {  	v53 =	vshll.u32 v3, $0x3  }
0xba: {  	v3 =	vand.u32 $0x7, v3;
	v4 =	vand.u32 $0xFFFFFFC0, v53  }
0xbb: {  	v3 =	vor.u32 v3, v4  }
0xbc: {  	v4 =	vperm.xlane v3, v0;
	_ =	sdelay $0x1  }
0xbd: {  	v4 =	vadd.s32 v1, v4;
	_ =	sdelay $0x4  }
0xbe: {  	[tilespmem:s16], [sflag:$0x1] =	stream.indirect_vreg.gather [hbm4b:s3+s2], $0x80, v4, vm0, $0xb8;
	[tilespmem:$0x10400] =	vst v63  }
0xbf: {  	v3 =	vperm.xlane v3, v2  }
0xc0: {  	[tilespmem:s17], [sflag:$0x1] =	stream.indirect_vreg.gather [hbm4b:s4+s2], $0x80, v4, vm0, $0xb8;
	[tilespmem:$0x10400] =	vst v63  }
0xc1: {  	v3 =	vadd.s32 v1, v3  }
0xc2: {  	[tilespmem:s10], [sflag:$0x1] =	stream.indirect_vreg.gather [hbm4b:s5+s2], $0x80, v4, vm0, $0xb8;
	[tilespmem:$0x10400] =	vst v63  }
0xc3: {  	_ = 	snop  }
0xc4: {  	[tilespmem:s11], [sflag:$0x1] =	stream.indirect_vreg.gather [hbm4b:s6+s2], $0x80, v4, vm0, $0xb8;
	[tilespmem:$0x10400] =	vst v63  }
0xc5: {  	_ = 	snop  }
0xc6: {  	[tilespmem:s12], [sflag:$0x1] =	stream.indirect_vreg.gather [hbm4b:s3+s2], $0x80, v3, vm0, $0xb8;
	[tilespmem:$0x10400] =	vst v63  }
0xc7: {  	_ = 	snop  }
0xc8: {  	[tilespmem:s13], [sflag:$0x1] =	stream.indirect_vreg.gather [hbm4b:s4+s2], $0x80, v3, vm0, $0xb8;
	[tilespmem:$0x10400] =	vst v63  }
0xc9: {  	_ = 	snop  }
0xca: {  	[tilespmem:s14], [sflag:$0x1] =	stream.indirect_vreg.gather [hbm4b:s5+s2], $0x80, v3, vm0, $0xb8;
	[tilespmem:$0x10400] =	vst v63  }
0xcb: {  	_ = 	snop  }
0xcc: {  	[tilespmem:s15], [sflag:$0x1] =	stream.indirect_vreg.gather [hbm4b:s6+s2], $0x80, v3, vm0, $0xb8;
	[tilespmem:$0x10400] =	vst v63  }
0xcd: {  	_ =	swait.ge [sflag:s20], $0x8000  }
0xce: {  	[sflag:s20] =	ssyncset.done $0x0  }
0xcf: {  	s1 =	rddreg [dreg:$0xb];
	[sflag:s20] =	ssyncadd.s32 $0xFFFF8000  }
0xd0: {  	[hbm4b:s1+s2] =	stream.linear.scatter [tilespmem:s0], [sflag:$0x4], $0x8000, $0x38;
	[tilespmem:$0x10400] =	vst v63  }
0xd1: {  	_ =	swait.ge [sflag:s21], $0x8000  }
0xd2: {  	[sflag:s21] =	ssyncset.done $0x0  }
0xd3: {  	[sflag:s21] =	ssyncadd.s32 $0xFFFF8000  }
0xd4: {  	v3 =	vld [tilespmem:$0x180];
	_ =	sdelay $0x4  }
0xd5: {  	v54 =	vshll.u32 v3, $0x3  }
0xd6: {  	v3 =	vand.u32 $0x7, v3;
	v4 =	vand.u32 $0xFFFFFFC0, v54  }
0xd7: {  	v3 =	vor.u32 v3, v4  }
0xd8: {  	v4 =	vperm.xlane v3, v0;
	_ =	sdelay $0x1  }
0xd9: {  	v4 =	vadd.s32 v1, v4;
	_ =	sdelay $0x4  }
0xda: {  	[tilespmem:s0], [sflag:$0x2] =	stream.indirect_vreg.gather [hbm4b:s3+s2], $0x80, v4, vm0, $0xb8;
	[tilespmem:$0x10400] =	vst v63  }
0xdb: {  	s1 =	simm.s32 $0x8C00;
	v3 =	vperm.xlane v3, v2  }
0xdc: {  	[tilespmem:s1], [sflag:$0x2] =	stream.indirect_vreg.gather [hbm4b:s4+s2], $0x80, v4, vm0, $0xb8;
	[tilespmem:$0x10400] =	vst v63  }
0xdd: {  	s22 =	simm.s32 $0x9400;
	v3 =	vadd.s32 v1, v3  }
0xde: {  	[tilespmem:s22], [sflag:$0x2] =	stream.indirect_vreg.gather [hbm4b:s5+s2], $0x80, v4, vm0, $0xb8;
	[tilespmem:$0x10400] =	vst v63  }
0xdf: {  	s22 =	simm.s32 $0x9C00  }
0xe0: {  	[tilespmem:s22], [sflag:$0x2] =	stream.indirect_vreg.gather [hbm4b:s6+s2], $0x80, v4, vm0, $0xb8;
	[tilespmem:$0x10400] =	vst v63  }
0xe1: {  	s22 =	simm.s32 $0xA400  }
0xe2: {  	[tilespmem:s22], [sflag:$0x2] =	stream.indirect_vreg.gather [hbm4b:s3+s2], $0x80, v3, vm0, $0xb8;
	[tilespmem:$0x10400] =	vst v63  }
0xe3: {  	s22 =	simm.s32 $0xAC00  }
0xe4: {  	[tilespmem:s22], [sflag:$0x2] =	stream.indirect_vreg.gather [hbm4b:s4+s2], $0x80, v3, vm0, $0xb8;
	[tilespmem:$0x10400] =	vst v63  }
0xe5: {  	s22 =	simm.s32 $0xB400  }
0xe6: {  	[tilespmem:s22], [sflag:$0x2] =	stream.indirect_vreg.gather [hbm4b:s5+s2], $0x80, v3, vm0, $0xb8;
	[tilespmem:$0x10400] =	vst v63  }
0xe7: {  	s9 =	simm.s32 $0xBC00  }
0xe8: {  	[tilespmem:s9], [sflag:$0x2] =	stream.indirect_vreg.gather [hbm4b:s6+s2], $0x80, v3, vm0, $0xb8;
	[tilespmem:$0x10400] =	vst v63  }
0xe9: {  	v3 =	vld [tilespmem:$0x190];
	_ =	sdelay $0x4  }
0xea: {  	v55 =	vshll.u32 v3, $0x3  }
0xeb: {  	v3 =	vand.u32 $0x7, v3;
	v4 =	vand.u32 $0xFFFFFFC0, v55  }
0xec: {  	v3 =	vor.u32 v3, v4  }
0xed: {  	v4 =	vperm.xlane v3, v0;
	_ =	sdelay $0x1  }
0xee: {  	v4 =	vadd.s32 v1, v4;
	_ =	sdelay $0x3  }
0xef: {  	s22 =	simm.s32 $0xC400  }
0xf0: {  	[tilespmem:s22], [sflag:$0x2] =	stream.indirect_vreg.gather [hbm4b:s3+s2], $0x80, v4, vm0, $0xb8;
	[tilespmem:$0x10400] =	vst v63  }
0xf1: {  	v3 =	vperm.xlane v3, v2;
	s22 =	simm.s32 $0xCC00  }
0xf2: {  	[tilespmem:s22], [sflag:$0x2] =	stream.indirect_vreg.gather [hbm4b:s4+s2], $0x80, v4, vm0, $0xb8;
	[tilespmem:$0x10400] =	vst v63  }
0xf3: {  	v3 =	vadd.s32 v1, v3;
	s22 =	simm.s32 $0xD400  }
0xf4: {  	[tilespmem:s22], [sflag:$0x2] =	stream.indirect_vreg.gather [hbm4b:s5+s2], $0x80, v4, vm0, $0xb8;
	[tilespmem:$0x10400] =	vst v63  }
0xf5: {  	s22 =	simm.s32 $0xDC00  }
0xf6: {  	[tilespmem:s22], [sflag:$0x2] =	stream.indirect_vreg.gather [hbm4b:s6+s2], $0x80, v4, vm0, $0xb8;
	[tilespmem:$0x10400] =	vst v63  }
0xf7: {  	s22 =	simm.s32 $0xE400  }
0xf8: {  	[tilespmem:s22], [sflag:$0x2] =	stream.indirect_vreg.gather [hbm4b:s3+s2], $0x80, v3, vm0, $0xb8;
	[tilespmem:$0x10400] =	vst v63  }
0xf9: {  	s22 =	simm.s32 $0xEC00  }
0xfa: {  	[tilespmem:s22], [sflag:$0x2] =	stream.indirect_vreg.gather [hbm4b:s4+s2], $0x80, v3, vm0, $0xb8;
	[tilespmem:$0x10400] =	vst v63  }
0xfb: {  	s22 =	simm.s32 $0xF400  }
0xfc: {  	[tilespmem:s22], [sflag:$0x2] =	stream.indirect_vreg.gather [hbm4b:s5+s2], $0x80, v3, vm0, $0xb8;
	[tilespmem:$0x10400] =	vst v63  }
0xfd: {  	s22 =	simm.s32 $0xFC00  }
0xfe: {  	[tilespmem:s22], [sflag:$0x2] =	stream.indirect_vreg.gather [hbm4b:s6+s2], $0x80, v3, vm0, $0xb8;
	[tilespmem:$0x10400] =	vst v63  }
0xff: {  	_ =	swait.ge [sflag:s18], $0x8000  }
0x100: {  	[sflag:s18] =	ssyncset.done $0x0  }
0x101: {  	s9 =	rddreg [dreg:$0xc];
	[sflag:s18] =	ssyncadd.s32 $0xFFFF8000  }
0x102: {  	[hbm4b:s9+s2] =	stream.linear.scatter [tilespmem:s25], [sflag:$0x3], $0x8000, $0x38;
	[tilespmem:$0x10400] =	vst v63  }
0x103: {  	_ =	swait.ge [sflag:s19], $0x8000  }
0x104: {  	[sflag:s19] =	ssyncset.done $0x0  }
0x105: {  	[sflag:s19] =	ssyncadd.s32 $0xFFFF8000  }
0x106: {  	v3 =	vld [tilespmem:$0x200];
	_ =	sdelay $0x4  }
0x107: {  	v56 =	vshll.u32 v3, $0x3  }
0x108: {  	v3 =	vand.u32 $0x7, v3;
	v4 =	vand.u32 $0xFFFFFFC0, v56  }
0x109: {  	v3 =	vor.u32 v3, v4  }
0x10a: {  	v4 =	vperm.xlane v3, v0;
	_ =	sdelay $0x1  }
0x10b: {  	v4 =	vadd.s32 v1, v4;
	_ =	sdelay $0x4  }
0x10c: {  	[tilespmem:s25], [sflag:$0x1] =	stream.indirect_vreg.gather [hbm4b:s3+s2], $0x80, v4, vm0, $0xb8;
	[tilespmem:$0x10400] =	vst v63  }
0x10d: {  	v3 =	vperm.xlane v3, v2  }
0x10e: {  	[tilespmem:s23], [sflag:$0x1] =	stream.indirect_vreg.gather [hbm4b:s4+s2], $0x80, v4, vm0, $0xb8;
	[tilespmem:$0x10400] =	vst v63  }
0x10f: {  	v3 =	vadd.s32 v1, v3  }
0x110: {  	[tilespmem:s24], [sflag:$0x1] =	stream.indirect_vreg.gather [hbm4b:s5+s2], $0x80, v4, vm0, $0xb8;
	[tilespmem:$0x10400] =	vst v63  }
0x111: {  	_ = 	snop  }
0x112: {  	[tilespmem:s26], [sflag:$0x1] =	stream.indirect_vreg.gather [hbm4b:s6+s2], $0x80, v4, vm0, $0xb8;
	[tilespmem:$0x10400] =	vst v63  }
0x113: {  	_ = 	snop  }
0x114: {  	[tilespmem:s28], [sflag:$0x1] =	stream.indirect_vreg.gather [hbm4b:s3+s2], $0x80, v3, vm0, $0xb8;
	[tilespmem:$0x10400] =	vst v63  }
0x115: {  	_ = 	snop  }
0x116: {  	[tilespmem:s29], [sflag:$0x1] =	stream.indirect_vreg.gather [hbm4b:s4+s2], $0x80, v3, vm0, $0xb8;
	[tilespmem:$0x10400] =	vst v63  }
0x117: {  	_ = 	snop  }
0x118: {  	[tilespmem:s30], [sflag:$0x1] =	stream.indirect_vreg.gather [hbm4b:s5+s2], $0x80, v3, vm0, $0xb8;
	[tilespmem:$0x10400] =	vst v63  }
0x119: {  	_ = 	snop  }
0x11a: {  	[tilespmem:s31], [sflag:$0x1] =	stream.indirect_vreg.gather [hbm4b:s6+s2], $0x80, v3, vm0, $0xb8;
	[tilespmem:$0x10400] =	vst v63  }
0x11b: {  	v3 =	vld [tilespmem:$0x210];
	_ =	sdelay $0x4  }
0x11c: {  	v57 =	vshll.u32 v3, $0x3  }
0x11d: {  	v3 =	vand.u32 $0x7, v3;
	v4 =	vand.u32 $0xFFFFFFC0, v57  }
0x11e: {  	v3 =	vor.u32 v3, v4  }
0x11f: {  	v4 =	vperm.xlane v3, v0;
	_ =	sdelay $0x1  }
0x120: {  	v4 =	vadd.s32 v1, v4;
	_ =	sdelay $0x4  }
0x121: {  	[tilespmem:s16], [sflag:$0x1] =	stream.indirect_vreg.gather [hbm4b:s3+s2], $0x80, v4, vm0, $0xb8;
	[tilespmem:$0x10400] =	vst v63  }
0x122: {  	v3 =	vperm.xlane v3, v2  }
0x123: {  	[tilespmem:s17], [sflag:$0x1] =	stream.indirect_vreg.gather [hbm4b:s4+s2], $0x80, v4, vm0, $0xb8;
	[tilespmem:$0x10400] =	vst v63  }
0x124: {  	v3 =	vadd.s32 v1, v3  }
0x125: {  	[tilespmem:s10], [sflag:$0x1] =	stream.indirect_vreg.gather [hbm4b:s5+s2], $0x80, v4, vm0, $0xb8;
	[tilespmem:$0x10400] =	vst v63  }
0x126: {  	_ = 	snop  }
0x127: {  	[tilespmem:s11], [sflag:$0x1] =	stream.indirect_vreg.gather [hbm4b:s6+s2], $0x80, v4, vm0, $0xb8;
	[tilespmem:$0x10400] =	vst v63  }
0x128: {  	_ = 	snop  }
0x129: {  	[tilespmem:s12], [sflag:$0x1] =	stream.indirect_vreg.gather [hbm4b:s3+s2], $0x80, v3, vm0, $0xb8;
	[tilespmem:$0x10400] =	vst v63  }
0x12a: {  	_ = 	snop  }
0x12b: {  	[tilespmem:s13], [sflag:$0x1] =	stream.indirect_vreg.gather [hbm4b:s4+s2], $0x80, v3, vm0, $0xb8;
	[tilespmem:$0x10400] =	vst v63  }
0x12c: {  	_ = 	snop  }
0x12d: {  	[tilespmem:s14], [sflag:$0x1] =	stream.indirect_vreg.gather [hbm4b:s5+s2], $0x80, v3, vm0, $0xb8;
	[tilespmem:$0x10400] =	vst v63  }
0x12e: {  	_ = 	snop  }
0x12f: {  	[tilespmem:s15], [sflag:$0x1] =	stream.indirect_vreg.gather [hbm4b:s6+s2], $0x80, v3, vm0, $0xb8;
	[tilespmem:$0x10400] =	vst v63  }
0x130: {  	_ =	swait.ge [sflag:s20], $0x8000  }
0x131: {  	[sflag:s20] =	ssyncset.done $0x0  }
0x132: {  	s9 =	rddreg [dreg:$0xd];
	[sflag:s20] =	ssyncadd.s32 $0xFFFF8000  }
0x133: {  	[hbm4b:s9+s2] =	stream.linear.scatter [tilespmem:s0], [sflag:$0x4], $0x8000, $0x38;
	[tilespmem:$0x10400] =	vst v63  }
0x134: {  	_ =	swait.ge [sflag:s21], $0x8000  }
0x135: {  	[sflag:s21] =	ssyncset.done $0x0  }
0x136: {  	[sflag:s21] =	ssyncadd.s32 $0xFFFF8000  }
0x137: {  	v3 =	vld [tilespmem:$0x280];
	_ =	sdelay $0x4  }
0x138: {  	v58 =	vshll.u32 v3, $0x3  }
0x139: {  	v3 =	vand.u32 $0x7, v3;
	v4 =	vand.u32 $0xFFFFFFC0, v58  }
0x13a: {  	v3 =	vor.u32 v3, v4  }
0x13b: {  	v4 =	vperm.xlane v3, v0;
	_ =	sdelay $0x1  }
0x13c: {  	v4 =	vadd.s32 v1, v4;
	_ =	sdelay $0x4  }
0x13d: {  	[tilespmem:s0], [sflag:$0x2] =	stream.indirect_vreg.gather [hbm4b:s3+s2], $0x80, v4, vm0, $0xb8;
	[tilespmem:$0x10400] =	vst v63  }
0x13e: {  	v3 =	vperm.xlane v3, v2  }
0x13f: {  	[tilespmem:s1], [sflag:$0x2] =	stream.indirect_vreg.gather [hbm4b:s4+s2], $0x80, v4, vm0, $0xb8;
	[tilespmem:$0x10400] =	vst v63  }
0x140: {  	s22 =	simm.s32 $0x9400;
	v3 =	vadd.s32 v1, v3  }
0x141: {  	[tilespmem:s22], [sflag:$0x2] =	stream.indirect_vreg.gather [hbm4b:s5+s2], $0x80, v4, vm0, $0xb8;
	[tilespmem:$0x10400] =	vst v63  }
0x142: {  	s22 =	simm.s32 $0x9C00  }
0x143: {  	[tilespmem:s22], [sflag:$0x2] =	stream.indirect_vreg.gather [hbm4b:s6+s2], $0x80, v4, vm0, $0xb8;
	[tilespmem:$0x10400] =	vst v63  }
0x144: {  	s22 =	simm.s32 $0xA400  }
0x145: {  	[tilespmem:s22], [sflag:$0x2] =	stream.indirect_vreg.gather [hbm4b:s3+s2], $0x80, v3, vm0, $0xb8;
	[tilespmem:$0x10400] =	vst v63  }
0x146: {  	s22 =	simm.s32 $0xAC00  }
0x147: {  	[tilespmem:s22], [sflag:$0x2] =	stream.indirect_vreg.gather [hbm4b:s4+s2], $0x80, v3, vm0, $0xb8;
	[tilespmem:$0x10400] =	vst v63  }
0x148: {  	s22 =	simm.s32 $0xB400  }
0x149: {  	[tilespmem:s22], [sflag:$0x2] =	stream.indirect_vreg.gather [hbm4b:s5+s2], $0x80, v3, vm0, $0xb8;
	[tilespmem:$0x10400] =	vst v63  }
0x14a: {  	s22 =	simm.s32 $0xBC00  }
0x14b: {  	[tilespmem:s22], [sflag:$0x2] =	stream.indirect_vreg.gather [hbm4b:s6+s2], $0x80, v3, vm0, $0xb8;
	[tilespmem:$0x10400] =	vst v63  }
0x14c: {  	v3 =	vld [tilespmem:$0x290];
	_ =	sdelay $0x4  }
0x14d: {  	v59 =	vshll.u32 v3, $0x3  }
0x14e: {  	v3 =	vand.u32 $0x7, v3;
	v4 =	vand.u32 $0xFFFFFFC0, v59  }
0x14f: {  	v3 =	vor.u32 v3, v4  }
0x150: {  	v4 =	vperm.xlane v3, v0;
	_ =	sdelay $0x1  }
0x151: {  	v4 =	vadd.s32 v1, v4;
	_ =	sdelay $0x3  }
0x152: {  	s22 =	simm.s32 $0xC400  }
0x153: {  	[tilespmem:s22], [sflag:$0x2] =	stream.indirect_vreg.gather [hbm4b:s3+s2], $0x80, v4, vm0, $0xb8;
	[tilespmem:$0x10400] =	vst v63  }
0x154: {  	v3 =	vperm.xlane v3, v2;
	s22 =	simm.s32 $0xCC00  }
0x155: {  	[tilespmem:s22], [sflag:$0x2] =	stream.indirect_vreg.gather [hbm4b:s4+s2], $0x80, v4, vm0, $0xb8;
	[tilespmem:$0x10400] =	vst v63  }
0x156: {  	v3 =	vadd.s32 v1, v3;
	s22 =	simm.s32 $0xD400  }
0x157: {  	[tilespmem:s22], [sflag:$0x2] =	stream.indirect_vreg.gather [hbm4b:s5+s2], $0x80, v4, vm0, $0xb8;
	[tilespmem:$0x10400] =	vst v63  }
0x158: {  	s22 =	simm.s32 $0xDC00  }
0x159: {  	[tilespmem:s22], [sflag:$0x2] =	stream.indirect_vreg.gather [hbm4b:s6+s2], $0x80, v4, vm0, $0xb8;
	[tilespmem:$0x10400] =	vst v63  }
0x15a: {  	s22 =	simm.s32 $0xE400  }
0x15b: {  	[tilespmem:s22], [sflag:$0x2] =	stream.indirect_vreg.gather [hbm4b:s3+s2], $0x80, v3, vm0, $0xb8;
	[tilespmem:$0x10400] =	vst v63  }
0x15c: {  	s22 =	simm.s32 $0xEC00  }
0x15d: {  	[tilespmem:s22], [sflag:$0x2] =	stream.indirect_vreg.gather [hbm4b:s4+s2], $0x80, v3, vm0, $0xb8;
	[tilespmem:$0x10400] =	vst v63  }
0x15e: {  	s22 =	simm.s32 $0xF400  }
0x15f: {  	[tilespmem:s22], [sflag:$0x2] =	stream.indirect_vreg.gather [hbm4b:s5+s2], $0x80, v3, vm0, $0xb8;
	[tilespmem:$0x10400] =	vst v63  }
0x160: {  	s22 =	simm.s32 $0xFC00  }
0x161: {  	[tilespmem:s22], [sflag:$0x2] =	stream.indirect_vreg.gather [hbm4b:s6+s2], $0x80, v3, vm0, $0xb8;
	[tilespmem:$0x10400] =	vst v63  }
0x162: {  	_ =	swait.ge [sflag:s18], $0x8000  }
0x163: {  	[sflag:s18] =	ssyncset.done $0x0  }
0x164: {  	s22 =	rddreg [dreg:$0xe];
	[sflag:s18] =	ssyncadd.s32 $0xFFFF8000  }
0x165: {  	[hbm4b:s22+s2] =	stream.linear.scatter [tilespmem:s25], [sflag:$0x3], $0x8000, $0x38;
	[tilespmem:$0x10400] =	vst v63  }
0x166: {  	_ =	swait.ge [sflag:s19], $0x8000  }
0x167: {  	[sflag:s19] =	ssyncset.done $0x0  }
0x168: {  	[sflag:s19] =	ssyncadd.s32 $0xFFFF8000  }
0x169: {  	v3 =	vld [tilespmem:$0x300];
	_ =	sdelay $0x4  }
0x16a: {  	v60 =	vshll.u32 v3, $0x3  }
0x16b: {  	v3 =	vand.u32 $0x7, v3;
	v4 =	vand.u32 $0xFFFFFFC0, v60  }
0x16c: {  	v3 =	vor.u32 v3, v4  }
0x16d: {  	v4 =	vperm.xlane v3, v0;
	_ =	sdelay $0x1  }
0x16e: {  	v4 =	vadd.s32 v1, v4;
	_ =	sdelay $0x4  }
0x16f: {  	[tilespmem:s25], [sflag:$0x1] =	stream.indirect_vreg.gather [hbm4b:s3+s2], $0x80, v4, vm0, $0xb8;
	[tilespmem:$0x10400] =	vst v63  }
0x170: {  	v3 =	vperm.xlane v3, v2  }
0x171: {  	[tilespmem:s23], [sflag:$0x1] =	stream.indirect_vreg.gather [hbm4b:s4+s2], $0x80, v4, vm0, $0xb8;
	[tilespmem:$0x10400] =	vst v63  }
0x172: {  	v3 =	vadd.s32 v1, v3  }
0x173: {  	[tilespmem:s24], [sflag:$0x1] =	stream.indirect_vreg.gather [hbm4b:s5+s2], $0x80, v4, vm0, $0xb8;
	[tilespmem:$0x10400] =	vst v63  }
0x174: {  	_ = 	snop  }
0x175: {  	[tilespmem:s26], [sflag:$0x1] =	stream.indirect_vreg.gather [hbm4b:s6+s2], $0x80, v4, vm0, $0xb8;
	[tilespmem:$0x10400] =	vst v63  }
0x176: {  	_ = 	snop  }
0x177: {  	[tilespmem:s28], [sflag:$0x1] =	stream.indirect_vreg.gather [hbm4b:s3+s2], $0x80, v3, vm0, $0xb8;
	[tilespmem:$0x10400] =	vst v63  }
0x178: {  	_ = 	snop  }
0x179: {  	[tilespmem:s29], [sflag:$0x1] =	stream.indirect_vreg.gather [hbm4b:s4+s2], $0x80, v3, vm0, $0xb8;
	[tilespmem:$0x10400] =	vst v63  }
0x17a: {  	_ = 	snop  }
0x17b: {  	[tilespmem:s30], [sflag:$0x1] =	stream.indirect_vreg.gather [hbm4b:s5+s2], $0x80, v3, vm0, $0xb8;
	[tilespmem:$0x10400] =	vst v63  }
0x17c: {  	_ = 	snop  }
0x17d: {  	[tilespmem:s31], [sflag:$0x1] =	stream.indirect_vreg.gather [hbm4b:s6+s2], $0x80, v3, vm0, $0xb8;
	[tilespmem:$0x10400] =	vst v63  }
0x17e: {  	v3 =	vld [tilespmem:$0x310];
	_ =	sdelay $0x4  }
0x17f: {  	v61 =	vshll.u32 v3, $0x3  }
0x180: {  	v3 =	vand.u32 $0x7, v3;
	v4 =	vand.u32 $0xFFFFFFC0, v61  }
0x181: {  	v3 =	vor.u32 v3, v4  }
0x182: {  	v4 =	vperm.xlane v3, v0;
	_ =	sdelay $0x1  }
0x183: {  	v4 =	vadd.s32 v1, v4;
	_ =	sdelay $0x4  }
0x184: {  	[tilespmem:s16], [sflag:$0x1] =	stream.indirect_vreg.gather [hbm4b:s3+s2], $0x80, v4, vm0, $0xb8;
	[tilespmem:$0x10400] =	vst v63  }
0x185: {  	v3 =	vperm.xlane v3, v2  }
0x186: {  	[tilespmem:s17], [sflag:$0x1] =	stream.indirect_vreg.gather [hbm4b:s4+s2], $0x80, v4, vm0, $0xb8;
	[tilespmem:$0x10400] =	vst v63  }
0x187: {  	v3 =	vadd.s32 v1, v3  }
0x188: {  	[tilespmem:s10], [sflag:$0x1] =	stream.indirect_vreg.gather [hbm4b:s5+s2], $0x80, v4, vm0, $0xb8;
	[tilespmem:$0x10400] =	vst v63  }
0x189: {  	_ = 	snop  }
0x18a: {  	[tilespmem:s11], [sflag:$0x1] =	stream.indirect_vreg.gather [hbm4b:s6+s2], $0x80, v4, vm0, $0xb8;
	[tilespmem:$0x10400] =	vst v63  }
0x18b: {  	_ = 	snop  }
0x18c: {  	[tilespmem:s12], [sflag:$0x1] =	stream.indirect_vreg.gather [hbm4b:s3+s2], $0x80, v3, vm0, $0xb8;
	[tilespmem:$0x10400] =	vst v63  }
0x18d: {  	_ = 	snop  }
0x18e: {  	[tilespmem:s13], [sflag:$0x1] =	stream.indirect_vreg.gather [hbm4b:s4+s2], $0x80, v3, vm0, $0xb8;
	[tilespmem:$0x10400] =	vst v63  }
0x18f: {  	_ = 	snop  }
0x190: {  	[tilespmem:s14], [sflag:$0x1] =	stream.indirect_vreg.gather [hbm4b:s5+s2], $0x80, v3, vm0, $0xb8;
	[tilespmem:$0x10400] =	vst v63  }
0x191: {  	_ = 	snop  }
0x192: {  	[tilespmem:s15], [sflag:$0x1] =	stream.indirect_vreg.gather [hbm4b:s6+s2], $0x80, v3, vm0, $0xb8;
	[tilespmem:$0x10400] =	vst v63  }
0x193: {  	_ =	swait.ge [sflag:s20], $0x8000  }
0x194: {  	[sflag:s20] =	ssyncset.done $0x0  }
0x195: {  	s23 =	rddreg [dreg:$0xf];
	[sflag:s20] =	ssyncadd.s32 $0xFFFF8000  }
0x196: {  	[hbm4b:s23+s2] =	stream.linear.scatter [tilespmem:s0], [sflag:$0x4], $0x8000, $0x38;
	[tilespmem:$0x10400] =	vst v63  }
0x197: {  	_ =	swait.ge [sflag:s21], $0x8000  }
0x198: {  	[sflag:s21] =	ssyncset.done $0x0  }
0x199: {  	[sflag:s21] =	ssyncadd.s32 $0xFFFF8000  }
0x19a: {  	v3 =	vld [tilespmem:$0x380];
	_ =	sdelay $0x4  }
0x19b: {  	v62 =	vshll.u32 v3, $0x3  }
0x19c: {  	v3 =	vand.u32 $0x7, v3;
	v4 =	vand.u32 $0xFFFFFFC0, v62  }
0x19d: {  	v3 =	vor.u32 v3, v4  }
0x19e: {  	v4 =	vperm.xlane v3, v0;
	_ =	sdelay $0x1  }
0x19f: {  	v4 =	vadd.s32 v1, v4;
	_ =	sdelay $0x4  }
0x1a0: {  	[tilespmem:s0], [sflag:$0x2] =	stream.indirect_vreg.gather [hbm4b:s3+s2], $0x80, v4, vm0, $0xb8;
	[tilespmem:$0x10400] =	vst v63  }
0x1a1: {  	s1 =	simm.s32 $0x8C00;
	v3 =	vperm.xlane v3, v2  }
0x1a2: {  	[tilespmem:s1], [sflag:$0x2] =	stream.indirect_vreg.gather [hbm4b:s4+s2], $0x80, v4, vm0, $0xb8;
	[tilespmem:$0x10400] =	vst v63  }
0x1a3: {  	s23 =	simm.s32 $0x9400;
	v3 =	vadd.s32 v1, v3  }
0x1a4: {  	[tilespmem:s23], [sflag:$0x2] =	stream.indirect_vreg.gather [hbm4b:s5+s2], $0x80, v4, vm0, $0xb8;
	[tilespmem:$0x10400] =	vst v63  }
0x1a5: {  	s9 =	simm.s32 $0x9C00  }
0x1a6: {  	[tilespmem:s9], [sflag:$0x2] =	stream.indirect_vreg.gather [hbm4b:s6+s2], $0x80, v4, vm0, $0xb8;
	[tilespmem:$0x10400] =	vst v63  }
0x1a7: {  	s9 =	simm.s32 $0xA400  }
0x1a8: {  	[tilespmem:s9], [sflag:$0x2] =	stream.indirect_vreg.gather [hbm4b:s3+s2], $0x80, v3, vm0, $0xb8;
	[tilespmem:$0x10400] =	vst v63  }
0x1a9: {  	s22 =	simm.s32 $0xAC00  }
0x1aa: {  	[tilespmem:s22], [sflag:$0x2] =	stream.indirect_vreg.gather [hbm4b:s4+s2], $0x80, v3, vm0, $0xb8;
	[tilespmem:$0x10400] =	vst v63  }
0x1ab: {  	s23 =	simm.s32 $0xB400  }
0x1ac: {  	[tilespmem:s23], [sflag:$0x2] =	stream.indirect_vreg.gather [hbm4b:s5+s2], $0x80, v3, vm0, $0xb8;
	[tilespmem:$0x10400] =	vst v63  }
0x1ad: {  	s9 =	simm.s32 $0xBC00  }
0x1ae: {  	[tilespmem:s9], [sflag:$0x2] =	stream.indirect_vreg.gather [hbm4b:s6+s2], $0x80, v3, vm0, $0xb8;
	[tilespmem:$0x10400] =	vst v63  }
0x1af: {  	v3 =	vld [tilespmem:$0x390];
	_ =	sdelay $0x4  }
0x1b0: {  	v63 =	vshll.u32 v3, $0x3  }
0x1b1: {  	v3 =	vand.u32 $0x7, v3;
	v4 =	vand.u32 $0xFFFFFFC0, v63  }
0x1b2: {  	v3 =	vor.u32 v3, v4  }
0x1b3: {  	v4 =	vperm.xlane v3, v0;
	_ =	sdelay $0x1  }
0x1b4: {  	v4 =	vadd.s32 v1, v4;
	_ =	sdelay $0x3  }
0x1b5: {  	s22 =	simm.s32 $0xC400  }
0x1b6: {  	[tilespmem:s22], [sflag:$0x2] =	stream.indirect_vreg.gather [hbm4b:s3+s2], $0x80, v4, vm0, $0xb8;
	[tilespmem:$0x10400] =	vst v63  }
0x1b7: {  	s23 =	simm.s32 $0xCC00;
	v3 =	vperm.xlane v3, v2  }
0x1b8: {  	[tilespmem:s23], [sflag:$0x2] =	stream.indirect_vreg.gather [hbm4b:s4+s2], $0x80, v4, vm0, $0xb8;
	[tilespmem:$0x10400] =	vst v63  }
0x1b9: {  	s9 =	simm.s32 $0xD400;
	v3 =	vadd.s32 v1, v3  }
0x1ba: {  	[tilespmem:s9], [sflag:$0x2] =	stream.indirect_vreg.gather [hbm4b:s5+s2], $0x80, v4, vm0, $0xb8;
	[tilespmem:$0x10400] =	vst v63  }
0x1bb: {  	s22 =	simm.s32 $0xDC00  }
0x1bc: {  	[tilespmem:s22], [sflag:$0x2] =	stream.indirect_vreg.gather [hbm4b:s6+s2], $0x80, v4, vm0, $0xb8;
	[tilespmem:$0x10400] =	vst v63  }
0x1bd: {  	s23 =	simm.s32 $0xE400  }
0x1be: {  	[tilespmem:s23], [sflag:$0x2] =	stream.indirect_vreg.gather [hbm4b:s3+s2], $0x80, v3, vm0, $0xb8;
	[tilespmem:$0x10400] =	vst v63  }
0x1bf: {  	s9 =	simm.s32 $0xEC00  }
0x1c0: {  	[tilespmem:s9], [sflag:$0x2] =	stream.indirect_vreg.gather [hbm4b:s4+s2], $0x80, v3, vm0, $0xb8;
	[tilespmem:$0x10400] =	vst v63  }
0x1c1: {  	s22 =	simm.s32 $0xF400  }
0x1c2: {  	[tilespmem:s22], [sflag:$0x2] =	stream.indirect_vreg.gather [hbm4b:s5+s2], $0x80, v3, vm0, $0xb8;
	[tilespmem:$0x10400] =	vst v63  }
0x1c3: {  	s23 =	simm.s32 $0xFC00  }
0x1c4: {  	[tilespmem:s23], [sflag:$0x2] =	stream.indirect_vreg.gather [hbm4b:s6+s2], $0x80, v3, vm0, $0xb8;
	[tilespmem:$0x10400] =	vst v63  }
0x1c5: {  	_ =	swait.ge [sflag:s18], $0x8000  }
0x1c6: {  	[sflag:s18] =	ssyncset.done $0x0  }
0x1c7: {  	s9 =	rddreg [dreg:$0x10];
	[sflag:s18] =	ssyncadd.s32 $0xFFFF8000  }
0x1c8: {  	[hbm4b:s9+s2] =	stream.linear.scatter [tilespmem:s25], [sflag:$0x3], $0x8000, $0x38;
	[tilespmem:$0x10400] =	vst v63  }
0x1c9: {  	_ =	swait.ge [sflag:s20], $0x8000  }
0x1ca: {  	[sflag:s20] =	ssyncset.done $0x0  }
0x1cb: {  	s23 =	rddreg [dreg:$0x11];
	[sflag:s20] =	ssyncadd.s32 $0xFFFF8000  }
0x1cc: {  	[hbm4b:s23+s2] =	stream.linear.scatter [tilespmem:s0], [sflag:$0x4], $0x8000, $0x38;
	[tilespmem:$0x10400] =	vst v63  }
0x1cd: {  	p0 =	sne.s32 s7, $0x1;
	_ =	swait.ge [sflag:s19], $0x8000  }
.Ltmp0:
0x1ce: {  	[sflag:s19] =	ssyncset.done $0x0;
	(pc) =	sbr.rel @p0 .LBB2_1-.Ltmp0, $4  }
0x1cf: {  	[sflag:s19] =	ssyncadd.s32 $0xFFFF8000  }
0x1d0: {  	_ =	swait.ge [sflag:s21], $0x8000  }
0x1d1: {  	[sflag:s21] =	ssyncset.done $0x0  }
0x1d2: {  	s7 =	sadd.s32 $0xFFFFFFFF, s7;
	[sflag:s21] =	ssyncadd.s32 $0xFFFF8000  }
0x1d3: {  	_ =	sfence.sel $0x180000  }
0x1d4: {  	[bflag:$0x0] =	sbarrier.arrive $0xFFFF  }
0x1d5: {  	_ =	strace $0x9000004A  }
0x1d6: {  	s0 =	stileid.u32;
	[bflag:$0x2] =	sbarrier.arrive $0xFFFF  }
0x1d7: {  	p0 =	sne.s32 s0, $0x0;
	s0 =	rddreg [dreg:$0x1]  }
0x1d8: {  	s0 =	sadd.s32 @!p0 $0x100000, s0  }
0x1d9: {  	[sflag:s0] =	ssyncadd.tile.s32 @!p0 $0x1;
	_ =	shalt  }
.Lfunc_end2:
_tile_overlayer_lowered:
.L_overlay_start_2:
0x1da: {  	(tag) =	ssettag $0x2  }
0x1db: {  	s0 =	rddreg [dreg:$0x0];
	s2 =	stileid.u32  }
0x1dc: {  	s1 =	rddreg [dreg:$0x1];
	p0 =	sne.s32 s2, $0x0  }
0x1dd: {  	s3 =	rddreg [dreg:$0x2];
	[bflag:$0x3] =	sbarrier.arrive $0xFFFF;
	s2 =	simm.s32 @!p0 $0x1C05  }
0x1de: {  	[timem:s3], [sflag:s2] =	dma.local @!p0 [hbm:s0], s1  }
0x1df: {  	s0 =	simm.s32 @!p0 $0x5  }
0x1e0: {  	_ =	swait.ge @!p0 [sflag:s0], s1  }
0x1e1: {  	s1 =	ssub.s32 @!p0 $0x0, s1;
	[sflag:s0] =	ssyncset.done @!p0 $0x0  }
0x1e2: {  	[sflag:s0] =	ssyncadd.s32 @!p0 s1  }
0x1e3: {  	[bflag:$0x3] =	sbarrier.arrive $0xFFFF  }
0x1e4: {  	_ =	shalt  }

// kernel: kernel.7.cloned.1.call-start
scs
__scs_entry_jumppad:
0x0: {  	(pc) =	sbr.rel $0x88, $3  }
0x1: {  	(tag) =	ssettag $0x0;
	lr =	simm.s32 $0x1  }
0x2: {  	[smem:$0x3F9D] =	sst lr;
	_ =	strace $0xD0000000  }
0x3: {  	_ = 	snop  }
0x4: {  	_ = 	snop  }
0x5: {  	_ = 	snop  }
0x6: {  	_ = 	snop  }
0x7: {  	_ = 	snop  }
__scs_overlays_trampoline_lowered:
0x8: {  	[smem:$0x3FAC] =	sst s0  }
0x9: {  	[smem:$0x3FAD] =	sst s1  }
0xa: {  	[smem:$0x3FAE] =	sst s2  }
0xb: {  	[smem:$0x3FAF] =	sst s3  }
0xc: {  	[smem:$0x3FB0] =	sst s4  }
0xd: {  	[smem:$0x3FB1] =	sst s5  }
0xe: {  	[smem:$0x3FB2] =	sst s6  }
0xf: {  	[smem:$0x3FB3] =	sst s7  }
0x10: {  	[smem:$0x3FB4] =	sst s8  }
0x11: {  	[smem:$0x3FB5] =	sst s9;
	s0 =	simm.s32 @!p0 $0x0  }
0x12: {  	s1 =	sld [smem:$0x3F9B];
	s0 =	simm.s32 @p0 $0x1  }
0x13: {  	[smem:$0x3FB6] =	sst s0;
	s0 =	simm.s32 @!p1 $0x0  }
0x14: {  	s2 =	sld [smem:$0x3F9A];
	s0 =	simm.s32 @p1 $0x1  }
0x15: {  	[smem:$0x3FB7] =	sst s0;
	s0 =	simm.s32 @!p2 $0x0  }
0x16: {  	s3 =	sld [smem:$0x3FDB];
	s0 =	simm.s32 @p2 $0x1  }
0x17: {  	s4 =	simm.s32 $0x1BF5;
	[smem:$0x3FB9] =	sst s0  }
0x18: {  	s0 =	sld [smem:$0x3F9C];
	_ =	swait.ge [sflag:s4], $0x0  }
0x19: {  	s7 =	sld [smem:$0x3F9D]  }
0x1a: {  	s8 =	sadd.s32 $0xFFFFE003, lr  }
0x1b: {  	s9 =	sadd.s32 $0xFFFFFEF7, lr;
	s5 =	simm.s32 $0xFFFFFFFF;
	p2 =	slt.u32 s8, $0xFFFFF086  }
0x1c: {  	p1 =	slt.u32 s9, $0xF7A;
	s5 =	simm.s32 @!p2 $0x0  }
0x1d: {  	s5 =	simm.s32 @p1 $0x1;
	p0 =	seq.s32 s7, s2  }
0x1e: {  	s7 =	smul.u32 @!p0 $0xF7A, s2;
	p2 =	seq.s32 @!p0 s5, $0x0  }
0x1f: {  	s9 =	smul.u32 $0xF7A, s1;
	s8 =	simm.s32 @!p0 $0x1BF5;
	p2 =	por !p2, p0  }
0x20: {  	[sflag:s8] =	ssyncset.s32 @!p0 $0xFFFFF086;
	s6 =	sadd.s32 @!p0 s3, s7;
	s7 =	simm.s32 @!p0 $0x108  }
0x21: {  	s3 =	sadd.s32 s3, s9;
	s6 =	sadd.s32 @!p0 $0x88, s6;
	s7 =	simm.s32 @p2 $0x1082  }
0x22: {  	[simem:s7], [sflag:s8] =	dma.local @!p0 [hbm:s6], $0xF7A  }
0x23: {  	s9 =	sor.u32 $0xD0000000, s2;
	s6 =	simm.s32 $0x108;
	_ =	swait.ge @!p0 [sflag:s8], $0x0  }
0x24: {  	s3 =	sadd.s32 $0x88, s3;
	s6 =	simm.s32 @!p1 $0x1082;
	[sflag:s4] =	ssyncset.s32 $0xFFFFF086  }
0x25: {  	[simem:s6], [sflag:s4] =	dma.local [hbm:s3], $0xF7A  }
0x26: {  	[smem:$0x3F9D] =	sst s1;
	(tag) =	ssettag s2;
	_ =	strace s9  }
0x27: {  	s1 =	sld [smem:$0x3FAD]  }
0x28: {  	s2 =	sld [smem:$0x3FAE]  }
0x29: {  	s4 =	sld [smem:$0x3FB0]  }
0x2a: {  	p0 =	seq.s32 s5, $0x0;
	s5 =	sld [smem:$0x3FB1]  }
0x2b: {  	s6 =	sld [smem:$0x3FB2]  }
0x2c: {  	s7 =	sld [smem:$0x3FB3]  }
0x2d: {  	s3 =	simm.s32 $0x108;
	s8 =	sld [smem:$0x3FB4]  }
0x2e: {  	s3 =	simm.s32 @!p0 $0x1082;
	s9 =	sld [smem:$0x3FB5]  }
0x2f: {  	lr =	sadd.s32 s0, s3;
	s0 =	sld [smem:$0x3FAC]  }
0x30: {  	s3 =	sld [smem:$0x3FAF]  }
0x31: {  	[smem:$0x3FB8] =	sst s10  }
0x32: {  	s10 =	sld [smem:$0x3FB6];
	_ =	sdelay $0x3  }
0x33: {  	p0 =	seq.s32 s10, $0x1;
	s10 =	sld [smem:$0x3FB8];
	_ =	sdelay $0x3  }
0x34: {  	[smem:$0x3FB8] =	sst s10  }
0x35: {  	s10 =	sld [smem:$0x3FB7];
	_ =	sdelay $0x3  }
0x36: {  	p1 =	seq.s32 s10, $0x1;
	s10 =	sld [smem:$0x3FB8];
	_ =	sdelay $0x3  }
0x37: {  	[smem:$0x3FB8] =	sst s10  }
0x38: {  	s10 =	sld [smem:$0x3FB9]  }
0x39: {  	_ = 	snop;
	(pc) =	sbr.ind lr, $3  }
0x3a: {  	_ = 	snop  }
0x3b: {  	_ = 	snop  }
0x3c: {  	p2 =	seq.s32 s10, $0x1;
	s10 =	sld [smem:$0x3FB8]  }
0x3d: {  	_ =	shalt  }
0x3e: {  	_ =	shalt  }
0x3f: {  	_ =	shalt  }
0x40: {  	_ =	shalt  }
0x41: {  	_ =	shalt  }
0x42: {  	_ =	shalt  }
0x43: {  	_ =	shalt  }
0x44: {  	_ =	shalt  }
0x45: {  	_ =	shalt  }
0x46: {  	_ =	shalt  }
0x47: {  	_ =	shalt  }
0x48: {  	_ =	shalt  }
0x49: {  	_ =	shalt  }
0x4a: {  	_ =	shalt  }
0x4b: {  	_ =	shalt  }
0x4c: {  	_ =	shalt  }
0x4d: {  	_ =	shalt  }
0x4e: {  	_ =	shalt  }
0x4f: {  	_ =	shalt  }
0x50: {  	_ =	shalt  }
0x51: {  	_ =	shalt  }
0x52: {  	_ =	shalt  }
0x53: {  	_ =	shalt  }
0x54: {  	_ =	shalt  }
0x55: {  	_ =	shalt  }
0x56: {  	_ =	shalt  }
0x57: {  	_ =	shalt  }
0x58: {  	_ =	shalt  }
0x59: {  	_ =	shalt  }
0x5a: {  	_ =	shalt  }
0x5b: {  	_ =	shalt  }
0x5c: {  	_ =	shalt  }
0x5d: {  	_ =	shalt  }
0x5e: {  	_ =	shalt  }
0x5f: {  	_ =	shalt  }
0x60: {  	_ =	shalt  }
0x61: {  	_ =	shalt  }
0x62: {  	_ =	shalt  }
0x63: {  	_ =	shalt  }
0x64: {  	_ =	shalt  }
0x65: {  	_ =	shalt  }
0x66: {  	_ =	shalt  }
0x67: {  	_ =	shalt  }
0x68: {  	_ =	shalt  }
0x69: {  	_ =	shalt  }
0x6a: {  	_ =	shalt  }
0x6b: {  	_ =	shalt  }
0x6c: {  	_ =	shalt  }
0x6d: {  	_ =	shalt  }
0x6e: {  	_ =	shalt  }
0x6f: {  	_ =	shalt  }
0x70: {  	_ =	shalt  }
0x71: {  	_ =	shalt  }
0x72: {  	_ =	shalt  }
0x73: {  	_ =	shalt  }
0x74: {  	_ =	shalt  }
0x75: {  	_ =	shalt  }
0x76: {  	_ =	shalt  }
0x77: {  	_ =	shalt  }
0x78: {  	_ =	shalt  }
0x79: {  	_ =	shalt  }
0x7a: {  	_ =	shalt  }
0x7b: {  	_ =	shalt  }
0x7c: {  	_ =	shalt  }
0x7d: {  	_ =	shalt  }
0x7e: {  	_ =	shalt  }
0x7f: {  	_ =	shalt  }
0x80: {  	_ =	shalt  }
0x81: {  	_ =	shalt  }
0x82: {  	_ =	shalt  }
0x83: {  	_ =	shalt  }
0x84: {  	_ =	shalt  }
0x85: {  	_ =	shalt  }
0x86: {  	_ =	shalt  }
0x87: {  	_ =	shalt  }
.Lfunc_end0:
.L_simem_size_0:
called_computation_lowered:
.L_overlay_start_0:
0x88: {  	s2 =	sld [smem:$0x3FD9]  }
0x89: {  	s3 =	sld [smem:$0x3FFE];
	_ =	sdelay $0x1  }
0x8a: {  	s1 =	srdreg.scid  }
0x8b: {  	s0 =	sand.u32 $0x1, s1  }
0x8c: {  	s17 =	sshll.u32 s0, $0xA;
	s2 =	sadd.s32 s3, s2  }
0x8d: {  	s2 =	sadd.s32 s2, s17  }
0x8e: {  	[smem:$0x3FC4] =	sst s2  }
0x8f: {  	_ = 	snop  }
0x90: {  	s2 =	sld [smem:$0x3FC9];
	(tm) =	ssettm $0x1  }
0x91: {  	s18 =	sld [smem:$0x3FFB];
	_ =	sdelay $0x3  }
0x92: {  	_ =	strace s18  }
0x93: {  	s3 =	sld [smem:$0x3FFC];
	_ =	sdelay $0x3  }
0x94: {  	_ =	strace s3  }
0x95: {  	s3 =	sld [smem:$0x3FFD];
	_ =	sdelay $0x3  }
0x96: {  	_ =	strace s3  }
0x97: {  	_ =	strace $0x8FFFFFFF  }
0x98: {  	s19 =	sld [smem:$0x3FDB];
	_ =	sdelay $0x1  }
0x99: {  	s4 =	simm.s32 $_scs_section_size  }
0x9a: {  	s5 =	simm.s32 $_size__tile_overlayer_lowered;
	s6 =	simm.s32 $_tile_overlayer_lowered  }
0x9b: {  	s22 =	simm.s32 $0x1BFF;
	s21 =	sshll.u32 s6, $0x1;
	s3 =	sadd.s32 s4, s19  }
0x9c: {  	s7 =	simm.s32 $0x0;
	s20 =	sshll.u32 s5, $0x1;
	s5 =	sadd.s32 s21, s3  }
0x9d: {  	[timem:s7], [sflag:s22] =	dma.local [hbm:s5], s20  }
0x9e: {  	_ =	swait.ge [sflag:s22], s20  }
0x9f: {  	s4 =	ssub.s32 $0x0, s20;
	[sflag:s22] =	ssyncset.done $0x0  }
0xa0: {  	[sflag:s22] =	ssyncadd.s32 s4;
	_ =	sdelay $0x1  }
0xa1: {  	s23 =	simm.s32 $0x1B8B  }
0xa2: {  	_ =	swait.ge [sflag:s23], $0x1  }
0xa3: {  	[sflag:s23] =	ssyncset.done $0x0  }
0xa4: {  	s25 =	simm.s32 $0x1B8E;
	s24 =	sld [smem:$0x3FFE];
	[sflag:s23] =	ssyncadd.s32 $0xFFFFFFFF  }
0xa5: {  	s26 =	simm.s32 $execute0_lowered;
	[smem:$0x3FD2] =	sst s25  }
0xa6: {  	s5 =	sshll.u32 s26, $0x1;
	_ =	strace $0x80000046;
	[dreg:$0x1] =	wrdreg $0xFFFFFFFF  }
0xa7: {  	s28 =	simm.s32 $_size_execute0_lowered;
	s3 =	sadd.s32 s3, s5;
	[dreg:$0x0] =	wrdreg $0x0  }
0xa8: {  	s5 =	sshll.u32 s28, $0x1;
	[dreg:$0x2] =	wrdreg s3  }
0xa9: {  	[dreg:$0x3] =	wrdreg s5  }
0xaa: {  	[dreg:$0x4] =	wrdreg $0xC0  }
0xab: {  	_ =	task [dreg:s7], $0x5FFFF  }
0xac: {  	[dreg:$0x1] =	wrdreg $0xFFFFFFFF  }
0xad: {  	[dreg:$0x0] =	wrdreg $0x60  }
0xae: {  	[dreg:$0x2] =	wrdreg s2  }
0xaf: {  	[dreg:$0x3] =	wrdreg s24  }
0xb0: {  	[dreg:$0x4] =	wrdreg $0x9  }
0xb1: {  	_ =	task.clear_ibuf [dreg:s7], $0x5FFFF;
	_ =	strace $0x90000046  }
0xb2: {  	s29 =	simm.s32 $0x9;
	_ =	strace $0x80000048  }
0xb3: {  	_ =	swait.ge [sflag:s29], $0x1  }
0xb4: {  	[sflag:s29] =	ssyncadd.s32 $0xFFFFFFFF  }
0xb5: {  	_ =	strace $0x90000048  }
0xb6: {  	_ =	sfence  }
0xb7: {  	s30 =	sld [smem:$0x0];
	_ =	sdelay $0x2  }
0xb8: {  	s31 =	sshll.u32 s1, $0xD;
	s1 =	sshrl.u32 s1, $0x2  }
0xb9: {  	s3 =	sand.u32 $0x4000, s31;
	s1 =	sadd.s32 s1, s30  }
0xba: {  	s0 =	sor.u32 s3, s0;
	s1 =	sshll.u32 s1, $0x11  }
0xbb: {  	s0 =	sor.u32 s1, s0  }
0xbc: {  	s0 =	sadd.s32 $0x8F2B, s0  }
0xbd: {  	[sflag:s0] =	ssyncadd.remote.s32 $0x1  }
0xbe: {  	_ =	sfence.sel $0xFFFF  }
0xbf: {  	[dreg:$0x0] =	wrdreg $0xFFFFFFFF;
	(pc) =	sbr.abs _section_cstart, $3  }
0xc0: {  	[dreg:$0x1] =	wrdreg $0xFFFFFFFF  }
0xc1: {  	_ =	task.clear_ibuf [dreg:s7], $0x2FFFF;
	_ =	strace $0x9FFFFFFF  }
0xc2: {  	(tm) =	ssettm $0x7FFFFFFF  }
0xc3: {  	_ =	shalt  }
tec
execute0_lowered:
.L_overlay_start_1:
0x0: {  	(tag) =	ssettag $0x1  }
0x1: {  	s28 =	rddreg [dreg:$0x0]  }
0x2: {  	s0 =	rddreg [dreg:$0x1];
	s1 =	srdreg.scid  }
0x3: {  	s4 =	stileid.u32;
	s3 =	simm.s32 $0x0;
	s16 =	simm.s32 $0x400  }
0x4: {  	s17 =	simm.s32 $0x80;
	s1 =	sand.u32 $0x1, s1;
	s4 =	sshll.u32 s4, $0x6  }
0x5: {  	[smem:$0x7FF] =	sst s3;
	s6 =	sadd.s32 $0xA00, s0;
	s5 =	sshll.u32 s1, $0x5  }
0x6: {  	_ =	strace $0x80000047;
	[dreg:$0x13] =	wrdreg s16;
	s4 =	sor.u32 s5, s4  }
0x7: {  	s18 =	sadd.s32 $0x10E00, s0;
	[dreg:$0x14] =	wrdreg s17;
	s7 =	sadd.s32 s6, s4  }
0x8: {  	s19 =	sadd.s32 s18, s4;
	s8 =	sor.u32 $0x4, s4;
	[dreg:$0x3] =	wrdreg s7  }
0x9: {  	[dreg:$0x4] =	wrdreg s19;
	s20 =	sadd.s32 s6, s8  }
0xa: {  	s22 =	sor.u32 $0x8, s4;
	s21 =	sadd.s32 s18, s8;
	[dreg:$0x5] =	wrdreg s20  }
0xb: {  	s23 =	sadd.s32 s6, s22;
	[dreg:$0x6] =	wrdreg s21  }
0xc: {  	s25 =	sor.u32 $0xC, s4;
	s24 =	sadd.s32 s18, s22;
	[dreg:$0x7] =	wrdreg s23  }
0xd: {  	s26 =	sadd.s32 s6, s25;
	[dreg:$0x8] =	wrdreg s24  }
0xe: {  	s31 =	sor.u32 $0x10, s4;
	s30 =	sadd.s32 s18, s25;
	[dreg:$0x9] =	wrdreg s26  }
0xf: {  	s2 =	sadd.s32 s6, s31;
	[dreg:$0xa] =	wrdreg s30  }
0x10: {  	s10 =	sor.u32 $0x14, s4;
	s9 =	sadd.s32 s18, s31;
	[dreg:$0xb] =	wrdreg s2  }
0x11: {  	s11 =	sadd.s32 s6, s10;
	[dreg:$0xc] =	wrdreg s9  }
0x12: {  	s13 =	sor.u32 $0x18, s4;
	s12 =	sadd.s32 s18, s10;
	[dreg:$0xd] =	wrdreg s11  }
0x13: {  	s14 =	sadd.s32 s6, s13;
	[dreg:$0xe] =	wrdreg s12  }
0x14: {  	s4 =	sor.u32 $0x1C, s4;
	s15 =	sadd.s32 s18, s13;
	[dreg:$0xf] =	wrdreg s14  }
0x15: {  	s6 =	sadd.s32 s6, s4;
	[dreg:$0x10] =	wrdreg s15  }
0x16: {  	s4 =	sadd.s32 s18, s4;
	[dreg:$0x11] =	wrdreg s6  }
0x17: {  	s18 =	simm.s32 $0x480;
	[dreg:$0x12] =	wrdreg s4  }
0x18: {  	s19 =	simm.s32 $0x100;
	[dreg:$0x15] =	wrdreg s18  }
0x19: {  	s29 =	simm.s32 $0x2;
	s22 =	simm.s32 $0x580;
	[dreg:$0x16] =	wrdreg s19  }
0x1a: {  	s1 =	ssub.s32 $0x2, s1;
	s25 =	simm.s32 $0x600;
	[dreg:$0x19] =	wrdreg s22  }
0x1b: {  	s5 =	sadd.s32 $0x100, s28;
	s10 =	simm.s32 $0x700;
	[dreg:$0x1b] =	wrdreg s25  }
0x1c: {  	s7 =	sadd.s32 $0x300, s28;
	s31 =	simm.s32 $0x780;
	[dreg:$0x1f] =	wrdreg s10  }
0x1d: {  	s8 =	sadd.s32 $0x11300, s0;
	s20 =	simm.s32 $0x500;
	[smem:$0x7FD] =	sst s31  }
0x1e: {  	s4 =	sadd.s32 $0x11200, s0;
	s21 =	simm.s32 $0x180;
	[dreg:$0x17] =	wrdreg s20  }
0x1f: {  	s23 =	sshrl.u32 s1, $0x1;
	s24 =	simm.s32 $0x200;
	[dreg:$0x18] =	wrdreg s21  }
0x20: {  	s26 =	simm.s32 $0x280;
	s6 =	sadd.s32 $0x200, s28;
	[dreg:$0x1a] =	wrdreg s24  }
0x21: {  	s30 =	simm.s32 $0x680;
	s9 =	simm.s32 $0x300;
	[dreg:$0x1c] =	wrdreg s26  }
0x22: {  	v2 =	vlaneseq.u32;
	s11 =	simm.s32 $0x380;
	s10 =	sadd.s32 $0x11500, s0;
	[dreg:$0x1d] =	wrdreg s30  }
0x23: {  	vm0 =	vmmov $0xffff;
	v1 =	vshrl.u32 v2, $0x3;
	s12 =	simm.s32 $0x5;
	s1 =	ssub.s32 s1, s23;
	[dreg:$0x1e] =	wrdreg s9  }
0x24: {  	v0 =	vand.u32 $0x7, v2;
	v2 =	vor.u32 $0x8, v2;
	v1 =	vmul.u32 $0x8, v1;
	s9 =	sadd.s32 $0x11400, s0;
	[smem:$0x7FC] =	sst s11;
	s1 =	smax.u32 s1, $0x1  }
.LBB2_1:
0x25: {  	[smem:$0x7FB] =	sst s1  }
0x26: {  	s30 =	rddreg [dreg:$0x3]  }
0x27: {  	[tilespmem:s3], [sflag:$0x5] =	stream.linear.gather [hbm4b:s30+s3], $0x20, $0x38;
	[tilespmem:$0x10800] =	vst v63  }
0x28: {  	_ =	swait.ge [sflag:s12], $0x20  }
0x29: {  	s21 =	rddreg [dreg:$0x4];
	[sflag:s12] =	ssyncset.done $0x0  }
0x2a: {  	s31 =	rddreg [dreg:$0x13];
	[sflag:s12] =	ssyncadd.s32 $0xFFFFFFE0  }
0x2b: {  	[tilespmem:s31], [sflag:$0x5] =	stream.linear.gather [hbm4b:s21+s3], $0x20, $0x38;
	[tilespmem:$0x10800] =	vst v63  }
0x2c: {  	_ =	swait.ge [sflag:s12], $0x20  }
0x2d: {  	s22 =	rddreg [dreg:$0x5];
	[sflag:s12] =	ssyncset.done $0x0  }
0x2e: {  	s23 =	rddreg [dreg:$0x14];
	[sflag:s12] =	ssyncadd.s32 $0xFFFFFFE0  }
0x2f: {  	[tilespmem:s23], [sflag:$0x5] =	stream.linear.gather [hbm4b:s22+s3], $0x20, $0x38;
	[tilespmem:$0x10800] =	vst v63  }
0x30: {  	_ =	swait.ge [sflag:s12], $0x20  }
0x31: {  	s24 =	rddreg [dreg:$0x6];
	[sflag:s12] =	ssyncset.done $0x0  }
0x32: {  	s25 =	rddreg [dreg:$0x15];
	[sflag:s12] =	ssyncadd.s32 $0xFFFFFFE0  }
0x33: {  	[tilespmem:s25], [sflag:$0x5] =	stream.linear.gather [hbm4b:s24+s3], $0x20, $0x38;
	[tilespmem:$0x10800] =	vst v63  }
0x34: {  	_ =	swait.ge [sflag:s12], $0x20  }
0x35: {  	s26 =	rddreg [dreg:$0x7];
	[sflag:s12] =	ssyncset.done $0x0  }
0x36: {  	s0 =	rddreg [dreg:$0x16];
	[sflag:s12] =	ssyncadd.s32 $0xFFFFFFE0  }
0x37: {  	[tilespmem:s0], [sflag:$0x5] =	stream.linear.gather [hbm4b:s26+s3], $0x20, $0x38;
	[tilespmem:$0x10800] =	vst v63  }
0x38: {  	_ =	swait.ge [sflag:s12], $0x20  }
0x39: {  	s1 =	rddreg [dreg:$0x8];
	[sflag:s12] =	ssyncset.done $0x0  }
0x3a: {  	s2 =	rddreg [dreg:$0x17];
	[sflag:s12] =	ssyncadd.s32 $0xFFFFFFE0  }
0x3b: {  	[tilespmem:s2], [sflag:$0x5] =	stream.linear.gather [hbm4b:s1+s3], $0x20, $0x38;
	[tilespmem:$0x10800] =	vst v63  }
0x3c: {  	_ =	swait.ge [sflag:s12], $0x20  }
0x3d: {  	s11 =	rddreg [dreg:$0x9];
	[sflag:s12] =	ssyncset.done $0x0  }
0x3e: {  	s13 =	rddreg [dreg:$0x18];
	[sflag:s12] =	ssyncadd.s32 $0xFFFFFFE0  }
0x3f: {  	[tilespmem:s13], [sflag:$0x5] =	stream.linear.gather [hbm4b:s11+s3], $0x20, $0x38;
	[tilespmem:$0x10800] =	vst v63  }
0x40: {  	_ =	swait.ge [sflag:s12], $0x20  }
0x41: {  	s14 =	rddreg [dreg:$0xa];
	[sflag:s12] =	ssyncset.done $0x0  }
0x42: {  	s15 =	rddreg [dreg:$0x19];
	[sflag:s12] =	ssyncadd.s32 $0xFFFFFFE0  }
0x43: {  	[tilespmem:s15], [sflag:$0x5] =	stream.linear.gather [hbm4b:s14+s3], $0x20, $0x38;
	[tilespmem:$0x10800] =	vst v63  }
0x44: {  	_ =	swait.ge [sflag:s12], $0x20  }
0x45: {  	s16 =	rddreg [dreg:$0xb];
	[sflag:s12] =	ssyncset.done $0x0  }
0x46: {  	s17 =	rddreg [dreg:$0x1a];
	[sflag:s12] =	ssyncadd.s32 $0xFFFFFFE0  }
0x47: {  	[tilespmem:s17], [sflag:$0x5] =	stream.linear.gather [hbm4b:s16+s3], $0x20, $0x38;
	[tilespmem:$0x10800] =	vst v63  }
0x48: {  	_ =	swait.ge [sflag:s12], $0x20  }
0x49: {  	s18 =	rddreg [dreg:$0xc];
	[sflag:s12] =	ssyncset.done $0x0  }
0x4a: {  	s19 =	rddreg [dreg:$0x1b];
	[sflag:s12] =	ssyncadd.s32 $0xFFFFFFE0  }
0x4b: {  	[tilespmem:s19], [sflag:$0x5] =	stream.linear.gather [hbm4b:s18+s3], $0x20, $0x38;
	[tilespmem:$0x10800] =	vst v63  }
0x4c: {  	_ =	swait.ge [sflag:s12], $0x20  }
0x4d: {  	s20 =	rddreg [dreg:$0xd];
	[sflag:s12] =	ssyncset.done $0x0  }
0x4e: {  	s21 =	rddreg [dreg:$0x1c];
	[sflag:s12] =	ssyncadd.s32 $0xFFFFFFE0  }
0x4f: {  	[tilespmem:s21], [sflag:$0x5] =	stream.linear.gather [hbm4b:s20+s3], $0x20, $0x38;
	[tilespmem:$0x10800] =	vst v63  }
0x50: {  	_ =	swait.ge [sflag:s12], $0x20  }
0x51: {  	s22 =	rddreg [dreg:$0xe];
	[sflag:s12] =	ssyncset.done $0x0  }
0x52: {  	s23 =	rddreg [dreg:$0x1d];
	[sflag:s12] =	ssyncadd.s32 $0xFFFFFFE0  }
0x53: {  	[tilespmem:s23], [sflag:$0x5] =	stream.linear.gather [hbm4b:s22+s3], $0x20, $0x38;
	[tilespmem:$0x10800] =	vst v63  }
0x54: {  	_ =	swait.ge [sflag:s12], $0x20  }
0x55: {  	s24 =	rddreg [dreg:$0xf];
	[sflag:s12] =	ssyncset.done $0x0  }
0x56: {  	s25 =	rddreg [dreg:$0x1e];
	[sflag:s12] =	ssyncadd.s32 $0xFFFFFFE0  }
0x57: {  	[tilespmem:s25], [sflag:$0x5] =	stream.linear.gather [hbm4b:s24+s3], $0x20, $0x38;
	[tilespmem:$0x10800] =	vst v63  }
0x58: {  	_ =	swait.ge [sflag:s12], $0x20  }
0x59: {  	s26 =	rddreg [dreg:$0x10];
	[sflag:s12] =	ssyncset.done $0x0  }
0x5a: {  	s0 =	rddreg [dreg:$0x1f];
	[sflag:s12] =	ssyncadd.s32 $0xFFFFFFE0  }
0x5b: {  	[tilespmem:s0], [sflag:$0x5] =	stream.linear.gather [hbm4b:s26+s3], $0x20, $0x38;
	[tilespmem:$0x10800] =	vst v63  }
0x5c: {  	_ =	swait.ge [sflag:s12], $0x20  }
0x5d: {  	s2 =	sld [smem:$0x7FC]  }
0x5e: {  	[sflag:s12] =	ssyncset.done $0x0  }
0x5f: {  	s1 =	rddreg [dreg:$0x11];
	[sflag:s12] =	ssyncadd.s32 $0xFFFFFFE0  }
0x60: {  	[tilespmem:s2], [sflag:$0x5] =	stream.linear.gather [hbm4b:s1+s3], $0x20, $0x38;
	[tilespmem:$0x10800] =	vst v63  }
0x61: {  	_ =	swait.ge [sflag:s12], $0x20  }
0x62: {  	s13 =	sld [smem:$0x7FD]  }
0x63: {  	[sflag:s12] =	ssyncset.done $0x0  }
0x64: {  	s11 =	rddreg [dreg:$0x12];
	[sflag:s12] =	ssyncadd.s32 $0xFFFFFFE0  }
0x65: {  	[tilespmem:s13], [sflag:$0x5] =	stream.linear.gather [hbm4b:s11+s3], $0x20, $0x38;
	[tilespmem:$0x10800] =	vst v63  }
0x66: {  	_ =	swait.ge [sflag:s12], $0x20  }
0x67: {  	[sflag:s12] =	ssyncset.done $0x0  }
0x68: {  	[sflag:s12] =	ssyncadd.s32 $0xFFFFFFE0  }
0x69: {  	v3 =	vld [tilespmem:$0x0];
	_ =	sdelay $0x4  }
0x6a: {  	v4 =	vshll.u32 v3, $0x3  }
0x6b: {  	v3 =	vand.u32 $0x7, v3;
	v4 =	vand.u32 $0xFFFFFFC0, v4  }
0x6c: {  	v3 =	vor.u32 v3, v4  }
0x6d: {  	v4 =	vperm.xlane v3, v0;
	_ =	sdelay $0x1  }
0x6e: {  	v4 =	vadd.s32 v1, v4;
	_ =	sdelay $0x3  }
0x6f: {  	s0 =	simm.s32 $0x800  }
0x70: {  	[tilespmem:s0], [sflag:$0x1] =	stream.indirect_vreg.gather [hbm4b:s28+s3], $0x80, v4, vm0, $0xb8;
	[tilespmem:$0x10800] =	vst v63  }
0x71: {  	s14 =	simm.s32 $0x1000;
	v3 =	vperm.xlane v3, v2  }
0x72: {  	[tilespmem:s14], [sflag:$0x1] =	stream.indirect_vreg.gather [hbm4b:s5+s3], $0x80, v4, vm0, $0xb8;
	[tilespmem:$0x10800] =	vst v63  }
0x73: {  	s15 =	simm.s32 $0x1800;
	v3 =	vadd.s32 v1, v3  }
0x74: {  	[tilespmem:s15], [sflag:$0x1] =	stream.indirect_vreg.gather [hbm4b:s6+s3], $0x80, v4, vm0, $0xb8;
	[tilespmem:$0x10800] =	vst v63  }
0x75: {  	s16 =	simm.s32 $0x2000  }
0x76: {  	[tilespmem:s16], [sflag:$0x1] =	stream.indirect_vreg.gather [hbm4b:s7+s3], $0x80, v4, vm0, $0xb8;
	[tilespmem:$0x10800] =	vst v63  }
0x77: {  	s17 =	simm.s32 $0x2800  }
0x78: {  	[tilespmem:s17], [sflag:$0x1] =	stream.indirect_vreg.gather [hbm4b:s28+s3], $0x80, v3, vm0, $0xb8;
	[tilespmem:$0x10800] =	vst v63  }
0x79: {  	s18 =	simm.s32 $0x3000  }
0x7a: {  	[tilespmem:s18], [sflag:$0x1] =	stream.indirect_vreg.gather [hbm4b:s5+s3], $0x80, v3, vm0, $0xb8;
	[tilespmem:$0x10800] =	vst v63  }
0x7b: {  	s19 =	simm.s32 $0x3800  }
0x7c: {  	[tilespmem:s19], [sflag:$0x1] =	stream.indirect_vreg.gather [hbm4b:s6+s3], $0x80, v3, vm0, $0xb8;
	[tilespmem:$0x10800] =	vst v63  }
0x7d: {  	s20 =	simm.s32 $0x4000  }
0x7e: {  	[tilespmem:s20], [sflag:$0x1] =	stream.indirect_vreg.gather [hbm4b:s7+s3], $0x80, v3, vm0, $0xb8;
	[tilespmem:$0x10800] =	vst v63  }
0x7f: {  	v3 =	vld [tilespmem:$0x10];
	_ =	sdelay $0x4  }
0x80: {  	v33 =	vshll.u32 v3, $0x3  }
0x81: {  	v3 =	vand.u32 $0x7, v3;
	v4 =	vand.u32 $0xFFFFFFC0, v33  }
0x82: {  	v3 =	vor.u32 v3, v4  }
0x83: {  	v4 =	vperm.xlane v3, v0;
	_ =	sdelay $0x1  }
0x84: {  	v4 =	vadd.s32 v1, v4;
	_ =	sdelay $0x3  }
0x85: {  	s21 =	simm.s32 $0x4800  }
0x86: {  	[tilespmem:s21], [sflag:$0x1] =	stream.indirect_vreg.gather [hbm4b:s28+s3], $0x80, v4, vm0, $0xb8;
	[tilespmem:$0x10800] =	vst v63  }
0x87: {  	s22 =	simm.s32 $0x5000;
	v3 =	vperm.xlane v3, v2  }
0x88: {  	[tilespmem:s22], [sflag:$0x1] =	stream.indirect_vreg.gather [hbm4b:s5+s3], $0x80, v4, vm0, $0xb8;
	[tilespmem:$0x10800] =	vst v63  }
0x89: {  	s23 =	simm.s32 $0x5800;
	v3 =	vadd.s32 v1, v3  }
0x8a: {  	[tilespmem:s23], [sflag:$0x1] =	stream.indirect_vreg.gather [hbm4b:s6+s3], $0x80, v4, vm0, $0xb8;
	[tilespmem:$0x10800] =	vst v63  }
0x8b: {  	s24 =	simm.s32 $0x6000  }
0x8c: {  	[tilespmem:s24], [sflag:$0x1] =	stream.indirect_vreg.gather [hbm4b:s7+s3], $0x80, v4, vm0, $0xb8;
	[tilespmem:$0x10800] =	vst v63  }
0x8d: {  	s25 =	simm.s32 $0x6800  }
0x8e: {  	[tilespmem:s25], [sflag:$0x1] =	stream.indirect_vreg.gather [hbm4b:s28+s3], $0x80, v3, vm0, $0xb8;
	[tilespmem:$0x10800] =	vst v63  }
0x8f: {  	s26 =	simm.s32 $0x7000  }
0x90: {  	[tilespmem:s26], [sflag:$0x1] =	stream.indirect_vreg.gather [hbm4b:s5+s3], $0x80, v3, vm0, $0xb8;
	[tilespmem:$0x10800] =	vst v63  }
0x91: {  	s30 =	simm.s32 $0x7800  }
0x92: {  	[tilespmem:s30], [sflag:$0x1] =	stream.indirect_vreg.gather [hbm4b:s6+s3], $0x80, v3, vm0, $0xb8;
	[tilespmem:$0x10800] =	vst v63  }
0x93: {  	s31 =	simm.s32 $0x8000  }
0x94: {  	[tilespmem:s31], [sflag:$0x1] =	stream.indirect_vreg.gather [hbm4b:s7+s3], $0x80, v3, vm0, $0xb8;
	[tilespmem:$0x10800] =	vst v63  }
0x95: {  	v3 =	vld [tilespmem:$0x80];
	_ =	sdelay $0x4  }
0x96: {  	v34 =	vshll.u32 v3, $0x3  }
0x97: {  	v3 =	vand.u32 $0x7, v3;
	v4 =	vand.u32 $0xFFFFFFC0, v34  }
0x98: {  	v3 =	vor.u32 v3, v4  }
0x99: {  	v4 =	vperm.xlane v3, v0;
	_ =	sdelay $0x1  }
0x9a: {  	v4 =	vadd.s32 v1, v4;
	_ =	sdelay $0x3  }
0x9b: {  	s25 =	simm.s32 $0x8800  }
0x9c: {  	[tilespmem:s25], [sflag:$0x2] =	stream.indirect_vreg.gather [hbm4b:s28+s3], $0x80, v4, vm0, $0xb8;
	[tilespmem:$0x10800] =	vst v63  }
0x9d: {  	s1 =	simm.s32 $0x9000;
	v3 =	vperm.xlane v3, v2  }
0x9e: {  	[tilespmem:s1], [sflag:$0x2] =	stream.indirect_vreg.gather [hbm4b:s5+s3], $0x80, v4, vm0, $0xb8;
	[tilespmem:$0x10800] =	vst v63  }
0x9f: {  	s2 =	simm.s32 $0x9800;
	v3 =	vadd.s32 v1, v3  }
0xa0: {  	[tilespmem:s2], [sflag:$0x2] =	stream.indirect_vreg.gather [hbm4b:s6+s3], $0x80, v4, vm0, $0xb8;
	[tilespmem:$0x10800] =	vst v63  }
0xa1: {  	s11 =	simm.s32 $0xA000  }
0xa2: {  	[tilespmem:s11], [sflag:$0x2] =	stream.indirect_vreg.gather [hbm4b:s7+s3], $0x80, v4, vm0, $0xb8;
	[tilespmem:$0x10800] =	vst v63  }
0xa3: {  	s13 =	simm.s32 $0xA800  }
0xa4: {  	[tilespmem:s13], [sflag:$0x2] =	stream.indirect_vreg.gather [hbm4b:s28+s3], $0x80, v3, vm0, $0xb8;
	[tilespmem:$0x10800] =	vst v63  }
0xa5: {  	s14 =	simm.s32 $0xB000  }
0xa6: {  	[tilespmem:s14], [sflag:$0x2] =	stream.indirect_vreg.gather [hbm4b:s5+s3], $0x80, v3, vm0, $0xb8;
	[tilespmem:$0x10800] =	vst v63  }
0xa7: {  	s15 =	simm.s32 $0xB800  }
0xa8: {  	[tilespmem:s15], [sflag:$0x2] =	stream.indirect_vreg.gather [hbm4b:s6+s3], $0x80, v3, vm0, $0xb8;
	[tilespmem:$0x10800] =	vst v63  }
0xa9: {  	s16 =	simm.s32 $0xC000  }
0xaa: {  	[tilespmem:s16], [sflag:$0x2] =	stream.indirect_vreg.gather [hbm4b:s7+s3], $0x80, v3, vm0, $0xb8;
	[tilespmem:$0x10800] =	vst v63  }
0xab: {  	v3 =	vld [tilespmem:$0x90];
	_ =	sdelay $0x4  }
0xac: {  	v35 =	vshll.u32 v3, $0x3  }
0xad: {  	v3 =	vand.u32 $0x7, v3;
	v4 =	vand.u32 $0xFFFFFFC0, v35  }
0xae: {  	v3 =	vor.u32 v3, v4  }
0xaf: {  	v4 =	vperm.xlane v3, v0;
	_ =	sdelay $0x1  }
0xb0: {  	v4 =	vadd.s32 v1, v4;
	_ =	sdelay $0x3  }
0xb1: {  	s17 =	simm.s32 $0xC800  }
0xb2: {  	[tilespmem:s17], [sflag:$0x2] =	stream.indirect_vreg.gather [hbm4b:s28+s3], $0x80, v4, vm0, $0xb8;
	[tilespmem:$0x10800] =	vst v63  }
0xb3: {  	s18 =	simm.s32 $0xD000;
	v3 =	vperm.xlane v3, v2  }
0xb4: {  	[tilespmem:s18], [sflag:$0x2] =	stream.indirect_vreg.gather [hbm4b:s5+s3], $0x80, v4, vm0, $0xb8;
	[tilespmem:$0x10800] =	vst v63  }
0xb5: {  	s19 =	simm.s32 $0xD800;
	v3 =	vadd.s32 v1, v3  }
0xb6: {  	[tilespmem:s19], [sflag:$0x2] =	stream.indirect_vreg.gather [hbm4b:s6+s3], $0x80, v4, vm0, $0xb8;
	[tilespmem:$0x10800] =	vst v63  }
0xb7: {  	s20 =	simm.s32 $0xE000  }
0xb8: {  	[tilespmem:s20], [sflag:$0x2] =	stream.indirect_vreg.gather [hbm4b:s7+s3], $0x80, v4, vm0, $0xb8;
	[tilespmem:$0x10800] =	vst v63  }
0xb9: {  	s21 =	simm.s32 $0xE800  }
0xba: {  	[tilespmem:s21], [sflag:$0x2] =	stream.indirect_vreg.gather [hbm4b:s28+s3], $0x80, v3, vm0, $0xb8;
	[tilespmem:$0x10800] =	vst v63  }
0xbb: {  	s22 =	simm.s32 $0xF000  }
0xbc: {  	[tilespmem:s22], [sflag:$0x2] =	stream.indirect_vreg.gather [hbm4b:s5+s3], $0x80, v3, vm0, $0xb8;
	[tilespmem:$0x10800] =	vst v63  }
0xbd: {  	s23 =	simm.s32 $0xF800  }
0xbe: {  	[tilespmem:s23], [sflag:$0x2] =	stream.indirect_vreg.gather [hbm4b:s6+s3], $0x80, v3, vm0, $0xb8;
	[tilespmem:$0x10800] =	vst v63  }
0xbf: {  	s24 =	simm.s32 $0x10000;
	s30 =	simm.s32 $0x1  }
0xc0: {  	[tilespmem:s24], [sflag:$0x2] =	stream.indirect_vreg.gather [hbm4b:s7+s3], $0x80, v3, vm0, $0xb8;
	[tilespmem:$0x10800] =	vst v63  }
0xc1: {  	_ =	swait.ge [sflag:s30], $0x8000  }
0xc2: {  	[sflag:s30] =	ssyncset.done $0x0  }
0xc3: {  	[sflag:s30] =	ssyncadd.s32 $0xFFFF8000  }
0xc4: {  	v3 =	vld [tilespmem:$0x400];
	_ =	sdelay $0x4  }
0xc5: {  	v36 =	vshll.u32 v3, $0x3  }
0xc6: {  	v3 =	vand.u32 $0x7, v3;
	v4 =	vand.u32 $0xFFFFFFC0, v36  }
0xc7: {  	v3 =	vor.u32 v3, v4  }
0xc8: {  	v4 =	vperm.xlane v3, v0;
	_ =	sdelay $0x1  }
0xc9: {  	v4 =	vadd.s32 v1, v4;
	_ =	sdelay $0x3  }
0xca: {  	s19 =	simm.s32 $0x800  }
0xcb: {  	[hbm4b:s4+s3] =	stream.indirect_vreg.scatter [tilespmem:s19], [sflag:$0x3], $0x80, v4, vm0, $0xb8;
	[tilespmem:$0x10800] =	vst v63  }
0xcc: {  	s24 =	simm.s32 $0x1000;
	v3 =	vperm.xlane v3, v2  }
0xcd: {  	[hbm4b:s8+s3] =	stream.indirect_vreg.scatter [tilespmem:s24], [sflag:$0x3], $0x80, v4, vm0, $0xb8;
	[tilespmem:$0x10800] =	vst v63  }
0xce: {  	s25 =	simm.s32 $0x1800;
	v3 =	vadd.s32 v1, v3  }
0xcf: {  	[hbm4b:s9+s3] =	stream.indirect_vreg.scatter [tilespmem:s25], [sflag:$0x3], $0x80, v4, vm0, $0xb8;
	[tilespmem:$0x10800] =	vst v63  }
0xd0: {  	s26 =	simm.s32 $0x2000  }
0xd1: {  	[hbm4b:s10+s3] =	stream.indirect_vreg.scatter [tilespmem:s26], [sflag:$0x3], $0x80, v4, vm0, $0xb8;
	[tilespmem:$0x10800] =	vst v63  }
0xd2: {  	s2 =	simm.s32 $0x2800  }
0xd3: {  	[hbm4b:s4+s3] =	stream.indirect_vreg.scatter [tilespmem:s2], [sflag:$0x3], $0x80, v3, vm0, $0xb8;
	[tilespmem:$0x10800] =	vst v63  }
0xd4: {  	s11 =	simm.s32 $0x3000  }
0xd5: {  	[hbm4b:s8+s3] =	stream.indirect_vreg.scatter [tilespmem:s11], [sflag:$0x3], $0x80, v3, vm0, $0xb8;
	[tilespmem:$0x10800] =	vst v63  }
0xd6: {  	s13 =	simm.s32 $0x3800  }
0xd7: {  	[hbm4b:s9+s3] =	stream.indirect_vreg.scatter [tilespmem:s13], [sflag:$0x3], $0x80, v3, vm0, $0xb8;
	[tilespmem:$0x10800] =	vst v63  }
0xd8: {  	s20 =	simm.s32 $0x4000  }
0xd9: {  	[hbm4b:s10+s3] =	stream.indirect_vreg.scatter [tilespmem:s20], [sflag:$0x3], $0x80, v3, vm0, $0xb8;
	[tilespmem:$0x10800] =	vst v63  }
0xda: {  	v3 =	vld [tilespmem:$0x410];
	_ =	sdelay $0x4  }
0xdb: {  	v37 =	vshll.u32 v3, $0x3  }
0xdc: {  	v3 =	vand.u32 $0x7, v3;
	v4 =	vand.u32 $0xFFFFFFC0, v37  }
0xdd: {  	v3 =	vor.u32 v3, v4  }
0xde: {  	v4 =	vperm.xlane v3, v0;
	_ =	sdelay $0x1  }
0xdf: {  	v4 =	vadd.s32 v1, v4;
	_ =	sdelay $0x3  }
0xe0: {  	s21 =	simm.s32 $0x4800  }
0xe1: {  	[hbm4b:s4+s3] =	stream.indirect_vreg.scatter [tilespmem:s21], [sflag:$0x3], $0x80, v4, vm0, $0xb8;
	[tilespmem:$0x10800] =	vst v63  }
0xe2: {  	s22 =	simm.s32 $0x5000;
	v3 =	vperm.xlane v3, v2  }
0xe3: {  	[hbm4b:s8+s3] =	stream.indirect_vreg.scatter [tilespmem:s22], [sflag:$0x3], $0x80, v4, vm0, $0xb8;
	[tilespmem:$0x10800] =	vst v63  }
0xe4: {  	s14 =	simm.s32 $0x5800;
	v3 =	vadd.s32 v1, v3  }
0xe5: {  	[hbm4b:s9+s3] =	stream.indirect_vreg.scatter [tilespmem:s14], [sflag:$0x3], $0x80, v4, vm0, $0xb8;
	[tilespmem:$0x10800] =	vst v63  }
0xe6: {  	s15 =	simm.s32 $0x6000  }
0xe7: {  	[hbm4b:s10+s3] =	stream.indirect_vreg.scatter [tilespmem:s15], [sflag:$0x3], $0x80, v4, vm0, $0xb8;
	[tilespmem:$0x10800] =	vst v63  }
0xe8: {  	s16 =	simm.s32 $0x6800  }
0xe9: {  	[hbm4b:s4+s3] =	stream.indirect_vreg.scatter [tilespmem:s16], [sflag:$0x3], $0x80, v3, vm0, $0xb8;
	[tilespmem:$0x10800] =	vst v63  }
0xea: {  	s17 =	simm.s32 $0x7000  }
0xeb: {  	[hbm4b:s8+s3] =	stream.indirect_vreg.scatter [tilespmem:s17], [sflag:$0x3], $0x80, v3, vm0, $0xb8;
	[tilespmem:$0x10800] =	vst v63  }
0xec: {  	s18 =	simm.s32 $0x7800  }
0xed: {  	[hbm4b:s9+s3] =	stream.indirect_vreg.scatter [tilespmem:s18], [sflag:$0x3], $0x80, v3, vm0, $0xb8;
	[tilespmem:$0x10800] =	vst v63  }
0xee: {  	s31 =	simm.s32 $0x3;
	s23 =	simm.s32 $0x8000  }
0xef: {  	[hbm4b:s10+s3] =	stream.indirect_vreg.scatter [tilespmem:s23], [sflag:$0x3], $0x80, v3, vm0, $0xb8;
	[tilespmem:$0x10800] =	vst v63  }
0xf0: {  	_ =	swait.ge [sflag:s31], $0x8000  }
0xf1: {  	[sflag:s31] =	ssyncset.done $0x0  }
0xf2: {  	[sflag:s31] =	ssyncadd.s32 $0xFFFF8000  }
0xf3: {  	v3 =	vld [tilespmem:$0x100];
	_ =	sdelay $0x4  }
0xf4: {  	v38 =	vshll.u32 v3, $0x3  }
0xf5: {  	v3 =	vand.u32 $0x7, v3;
	v4 =	vand.u32 $0xFFFFFFC0, v38  }
0xf6: {  	v3 =	vor.u32 v3, v4  }
0xf7: {  	v4 =	vperm.xlane v3, v0;
	_ =	sdelay $0x1  }
0xf8: {  	v4 =	vadd.s32 v1, v4;
	_ =	sdelay $0x4  }
0xf9: {  	[tilespmem:s19], [sflag:$0x1] =	stream.indirect_vreg.gather [hbm4b:s28+s3], $0x80, v4, vm0, $0xb8;
	[tilespmem:$0x10800] =	vst v63  }
0xfa: {  	v3 =	vperm.xlane v3, v2  }
0xfb: {  	[tilespmem:s24], [sflag:$0x1] =	stream.indirect_vreg.gather [hbm4b:s5+s3], $0x80, v4, vm0, $0xb8;
	[tilespmem:$0x10800] =	vst v63  }
0xfc: {  	v3 =	vadd.s32 v1, v3  }
0xfd: {  	[tilespmem:s25], [sflag:$0x1] =	stream.indirect_vreg.gather [hbm4b:s6+s3], $0x80, v4, vm0, $0xb8;
	[tilespmem:$0x10800] =	vst v63  }
0xfe: {  	_ = 	snop  }
0xff: {  	[tilespmem:s26], [sflag:$0x1] =	stream.indirect_vreg.gather [hbm4b:s7+s3], $0x80, v4, vm0, $0xb8;
	[tilespmem:$0x10800] =	vst v63  }
0x100: {  	_ = 	snop  }
0x101: {  	[tilespmem:s2], [sflag:$0x1] =	stream.indirect_vreg.gather [hbm4b:s28+s3], $0x80, v3, vm0, $0xb8;
	[tilespmem:$0x10800] =	vst v63  }
0x102: {  	_ = 	snop  }
0x103: {  	[tilespmem:s11], [sflag:$0x1] =	stream.indirect_vreg.gather [hbm4b:s5+s3], $0x80, v3, vm0, $0xb8;
	[tilespmem:$0x10800] =	vst v63  }
0x104: {  	_ = 	snop  }
0x105: {  	[tilespmem:s13], [sflag:$0x1] =	stream.indirect_vreg.gather [hbm4b:s6+s3], $0x80, v3, vm0, $0xb8;
	[tilespmem:$0x10800] =	vst v63  }
0x106: {  	_ = 	snop  }
0x107: {  	[tilespmem:s20], [sflag:$0x1] =	stream.indirect_vreg.gather [hbm4b:s7+s3], $0x80, v3, vm0, $0xb8;
	[tilespmem:$0x10800] =	vst v63  }
0x108: {  	v3 =	vld [tilespmem:$0x110];
	_ =	sdelay $0x4  }
0x109: {  	v39 =	vshll.u32 v3, $0x3  }
0x10a: {  	v3 =	vand.u32 $0x7, v3;
	v4 =	vand.u32 $0xFFFFFFC0, v39  }
0x10b: {  	v3 =	vor.u32 v3, v4  }
0x10c: {  	v4 =	vperm.xlane v3, v0;
	_ =	sdelay $0x1  }
0x10d: {  	v4 =	vadd.s32 v1, v4;
	_ =	sdelay $0x4  }
0x10e: {  	[tilespmem:s21], [sflag:$0x1] =	stream.indirect_vreg.gather [hbm4b:s28+s3], $0x80, v4, vm0, $0xb8;
	[tilespmem:$0x10800] =	vst v63  }
0x10f: {  	v3 =	vperm.xlane v3, v2  }
0x110: {  	[tilespmem:s22], [sflag:$0x1] =	stream.indirect_vreg.gather [hbm4b:s5+s3], $0x80, v4, vm0, $0xb8;
	[tilespmem:$0x10800] =	vst v63  }
0x111: {  	v3 =	vadd.s32 v1, v3  }
0x112: {  	[tilespmem:s14], [sflag:$0x1] =	stream.indirect_vreg.gather [hbm4b:s6+s3], $0x80, v4, vm0, $0xb8;
	[tilespmem:$0x10800] =	vst v63  }
0x113: {  	_ = 	snop  }
0x114: {  	[tilespmem:s15], [sflag:$0x1] =	stream.indirect_vreg.gather [hbm4b:s7+s3], $0x80, v4, vm0, $0xb8;
	[tilespmem:$0x10800] =	vst v63  }
0x115: {  	_ = 	snop  }
0x116: {  	[tilespmem:s16], [sflag:$0x1] =	stream.indirect_vreg.gather [hbm4b:s28+s3], $0x80, v3, vm0, $0xb8;
	[tilespmem:$0x10800] =	vst v63  }
0x117: {  	_ = 	snop  }
0x118: {  	[tilespmem:s17], [sflag:$0x1] =	stream.indirect_vreg.gather [hbm4b:s5+s3], $0x80, v3, vm0, $0xb8;
	[tilespmem:$0x10800] =	vst v63  }
0x119: {  	_ = 	snop  }
0x11a: {  	[tilespmem:s18], [sflag:$0x1] =	stream.indirect_vreg.gather [hbm4b:s6+s3], $0x80, v3, vm0, $0xb8;
	[tilespmem:$0x10800] =	vst v63  }
0x11b: {  	_ = 	snop  }
0x11c: {  	[tilespmem:s23], [sflag:$0x1] =	stream.indirect_vreg.gather [hbm4b:s7+s3], $0x80, v3, vm0, $0xb8;
	[tilespmem:$0x10800] =	vst v63  }
0x11d: {  	_ =	swait.ge [sflag:s29], $0x8000  }
0x11e: {  	[sflag:s29] =	ssyncset.done $0x0  }
0x11f: {  	[sflag:s29] =	ssyncadd.s32 $0xFFFF8000  }
0x120: {  	v3 =	vld [tilespmem:$0x480];
	_ =	sdelay $0x4  }
0x121: {  	v40 =	vshll.u32 v3, $0x3  }
0x122: {  	v3 =	vand.u32 $0x7, v3;
	v4 =	vand.u32 $0xFFFFFFC0, v40  }
0x123: {  	v3 =	vor.u32 v3, v4  }
0x124: {  	v4 =	vperm.xlane v3, v0;
	_ =	sdelay $0x1  }
0x125: {  	v4 =	vadd.s32 v1, v4;
	_ =	sdelay $0x3  }
0x126: {  	s22 =	simm.s32 $0x8800  }
0x127: {  	[hbm4b:s4+s3] =	stream.indirect_vreg.scatter [tilespmem:s22], [sflag:$0x4], $0x80, v4, vm0, $0xb8;
	[tilespmem:$0x10800] =	vst v63  }
0x128: {  	s0 =	simm.s32 $0x9000;
	v3 =	vperm.xlane v3, v2  }
0x129: {  	[hbm4b:s8+s3] =	stream.indirect_vreg.scatter [tilespmem:s0], [sflag:$0x4], $0x80, v4, vm0, $0xb8;
	[tilespmem:$0x10800] =	vst v63  }
0x12a: {  	s1 =	simm.s32 $0x9800;
	v3 =	vadd.s32 v1, v3  }
0x12b: {  	[hbm4b:s9+s3] =	stream.indirect_vreg.scatter [tilespmem:s1], [sflag:$0x4], $0x80, v4, vm0, $0xb8;
	[tilespmem:$0x10800] =	vst v63  }
0x12c: {  	s13 =	simm.s32 $0xA000  }
0x12d: {  	[hbm4b:s10+s3] =	stream.indirect_vreg.scatter [tilespmem:s13], [sflag:$0x4], $0x80, v4, vm0, $0xb8;
	[tilespmem:$0x10800] =	vst v63  }
0x12e: {  	s26 =	simm.s32 $0xA800  }
0x12f: {  	[hbm4b:s4+s3] =	stream.indirect_vreg.scatter [tilespmem:s26], [sflag:$0x4], $0x80, v3, vm0, $0xb8;
	[tilespmem:$0x10800] =	vst v63  }
0x130: {  	s14 =	simm.s32 $0xB000  }
0x131: {  	[hbm4b:s8+s3] =	stream.indirect_vreg.scatter [tilespmem:s14], [sflag:$0x4], $0x80, v3, vm0, $0xb8;
	[tilespmem:$0x10800] =	vst v63  }
0x132: {  	s23 =	simm.s32 $0xB800  }
0x133: {  	[hbm4b:s9+s3] =	stream.indirect_vreg.scatter [tilespmem:s23], [sflag:$0x4], $0x80, v3, vm0, $0xb8;
	[tilespmem:$0x10800] =	vst v63  }
0x134: {  	s24 =	simm.s32 $0xC000  }
0x135: {  	[hbm4b:s10+s3] =	stream.indirect_vreg.scatter [tilespmem:s24], [sflag:$0x4], $0x80, v3, vm0, $0xb8;
	[tilespmem:$0x10800] =	vst v63  }
0x136: {  	v3 =	vld [tilespmem:$0x490];
	_ =	sdelay $0x4  }
0x137: {  	v41 =	vshll.u32 v3, $0x3  }
0x138: {  	v3 =	vand.u32 $0x7, v3;
	v4 =	vand.u32 $0xFFFFFFC0, v41  }
0x139: {  	v3 =	vor.u32 v3, v4  }
0x13a: {  	v4 =	vperm.xlane v3, v0;
	_ =	sdelay $0x1  }
0x13b: {  	v4 =	vadd.s32 v1, v4;
	_ =	sdelay $0x3  }
0x13c: {  	s2 =	simm.s32 $0xC800  }
0x13d: {  	[hbm4b:s4+s3] =	stream.indirect_vreg.scatter [tilespmem:s2], [sflag:$0x4], $0x80, v4, vm0, $0xb8;
	[tilespmem:$0x10800] =	vst v63  }
0x13e: {  	s15 =	simm.s32 $0xD000;
	v3 =	vperm.xlane v3, v2  }
0x13f: {  	[hbm4b:s8+s3] =	stream.indirect_vreg.scatter [tilespmem:s15], [sflag:$0x4], $0x80, v4, vm0, $0xb8;
	[tilespmem:$0x10800] =	vst v63  }
0x140: {  	s16 =	simm.s32 $0xD800;
	v3 =	vadd.s32 v1, v3  }
0x141: {  	[hbm4b:s9+s3] =	stream.indirect_vreg.scatter [tilespmem:s16], [sflag:$0x4], $0x80, v4, vm0, $0xb8;
	[tilespmem:$0x10800] =	vst v63  }
0x142: {  	s17 =	simm.s32 $0xE000  }
0x143: {  	[hbm4b:s10+s3] =	stream.indirect_vreg.scatter [tilespmem:s17], [sflag:$0x4], $0x80, v4, vm0, $0xb8;
	[tilespmem:$0x10800] =	vst v63  }
0x144: {  	s18 =	simm.s32 $0xE800  }
0x145: {  	[hbm4b:s4+s3] =	stream.indirect_vreg.scatter [tilespmem:s18], [sflag:$0x4], $0x80, v3, vm0, $0xb8;
	[tilespmem:$0x10800] =	vst v63  }
0x146: {  	s19 =	simm.s32 $0xF000  }
0x147: {  	[hbm4b:s8+s3] =	stream.indirect_vreg.scatter [tilespmem:s19], [sflag:$0x4], $0x80, v3, vm0, $0xb8;
	[tilespmem:$0x10800] =	vst v63  }
0x148: {  	s20 =	simm.s32 $0xF800  }
0x149: {  	[hbm4b:s9+s3] =	stream.indirect_vreg.scatter [tilespmem:s20], [sflag:$0x4], $0x80, v3, vm0, $0xb8;
	[tilespmem:$0x10800] =	vst v63  }
0x14a: {  	s25 =	simm.s32 $0x4;
	s11 =	simm.s32 $0x10000  }
0x14b: {  	[hbm4b:s10+s3] =	stream.indirect_vreg.scatter [tilespmem:s11], [sflag:$0x4], $0x80, v3, vm0, $0xb8;
	[tilespmem:$0x10800] =	vst v63  }
0x14c: {  	_ =	swait.ge [sflag:s25], $0x8000  }
0x14d: {  	[sflag:s25] =	ssyncset.done $0x0  }
0x14e: {  	[sflag:s25] =	ssyncadd.s32 $0xFFFF8000  }
0x14f: {  	v3 =	vld [tilespmem:$0x180];
	_ =	sdelay $0x4  }
0x150: {  	v42 =	vshll.u32 v3, $0x3  }
0x151: {  	v3 =	vand.u32 $0x7, v3;
	v4 =	vand.u32 $0xFFFFFFC0, v42  }
0x152: {  	v3 =	vor.u32 v3, v4  }
0x153: {  	v4 =	vperm.xlane v3, v0;
	_ =	sdelay $0x1  }
0x154: {  	v4 =	vadd.s32 v1, v4;
	_ =	sdelay $0x4  }
0x155: {  	[tilespmem:s22], [sflag:$0x2] =	stream.indirect_vreg.gather [hbm4b:s28+s3], $0x80, v4, vm0, $0xb8;
	[tilespmem:$0x10800] =	vst v63  }
0x156: {  	v3 =	vperm.xlane v3, v2  }
0x157: {  	[tilespmem:s0], [sflag:$0x2] =	stream.indirect_vreg.gather [hbm4b:s5+s3], $0x80, v4, vm0, $0xb8;
	[tilespmem:$0x10800] =	vst v63  }
0x158: {  	v3 =	vadd.s32 v1, v3  }
0x159: {  	[tilespmem:s1], [sflag:$0x2] =	stream.indirect_vreg.gather [hbm4b:s6+s3], $0x80, v4, vm0, $0xb8;
	[tilespmem:$0x10800] =	vst v63  }
0x15a: {  	_ = 	snop  }
0x15b: {  	[tilespmem:s13], [sflag:$0x2] =	stream.indirect_vreg.gather [hbm4b:s7+s3], $0x80, v4, vm0, $0xb8;
	[tilespmem:$0x10800] =	vst v63  }
0x15c: {  	_ = 	snop  }
0x15d: {  	[tilespmem:s26], [sflag:$0x2] =	stream.indirect_vreg.gather [hbm4b:s28+s3], $0x80, v3, vm0, $0xb8;
	[tilespmem:$0x10800] =	vst v63  }
0x15e: {  	_ = 	snop  }
0x15f: {  	[tilespmem:s14], [sflag:$0x2] =	stream.indirect_vreg.gather [hbm4b:s5+s3], $0x80, v3, vm0, $0xb8;
	[tilespmem:$0x10800] =	vst v63  }
0x160: {  	_ = 	snop  }
0x161: {  	[tilespmem:s23], [sflag:$0x2] =	stream.indirect_vreg.gather [hbm4b:s6+s3], $0x80, v3, vm0, $0xb8;
	[tilespmem:$0x10800] =	vst v63  }
0x162: {  	_ = 	snop  }
0x163: {  	[tilespmem:s24], [sflag:$0x2] =	stream.indirect_vreg.gather [hbm4b:s7+s3], $0x80, v3, vm0, $0xb8;
	[tilespmem:$0x10800] =	vst v63  }
0x164: {  	v3 =	vld [tilespmem:$0x190];
	_ =	sdelay $0x4  }
0x165: {  	v43 =	vshll.u32 v3, $0x3  }
0x166: {  	v3 =	vand.u32 $0x7, v3;
	v4 =	vand.u32 $0xFFFFFFC0, v43  }
0x167: {  	v3 =	vor.u32 v3, v4  }
0x168: {  	v4 =	vperm.xlane v3, v0;
	_ =	sdelay $0x1  }
0x169: {  	v4 =	vadd.s32 v1, v4;
	_ =	sdelay $0x4  }
0x16a: {  	[tilespmem:s2], [sflag:$0x2] =	stream.indirect_vreg.gather [hbm4b:s28+s3], $0x80, v4, vm0, $0xb8;
	[tilespmem:$0x10800] =	vst v63  }
0x16b: {  	v3 =	vperm.xlane v3, v2  }
0x16c: {  	[tilespmem:s15], [sflag:$0x2] =	stream.indirect_vreg.gather [hbm4b:s5+s3], $0x80, v4, vm0, $0xb8;
	[tilespmem:$0x10800] =	vst v63  }
0x16d: {  	v3 =	vadd.s32 v1, v3  }
0x16e: {  	[tilespmem:s16], [sflag:$0x2] =	stream.indirect_vreg.gather [hbm4b:s6+s3], $0x80, v4, vm0, $0xb8;
	[tilespmem:$0x10800] =	vst v63  }
0x16f: {  	_ = 	snop  }
0x170: {  	[tilespmem:s17], [sflag:$0x2] =	stream.indirect_vreg.gather [hbm4b:s7+s3], $0x80, v4, vm0, $0xb8;
	[tilespmem:$0x10800] =	vst v63  }
0x171: {  	_ = 	snop  }
0x172: {  	[tilespmem:s18], [sflag:$0x2] =	stream.indirect_vreg.gather [hbm4b:s28+s3], $0x80, v3, vm0, $0xb8;
	[tilespmem:$0x10800] =	vst v63  }
0x173: {  	_ = 	snop  }
0x174: {  	[tilespmem:s19], [sflag:$0x2] =	stream.indirect_vreg.gather [hbm4b:s5+s3], $0x80, v3, vm0, $0xb8;
	[tilespmem:$0x10800] =	vst v63  }
0x175: {  	_ = 	snop  }
0x176: {  	[tilespmem:s20], [sflag:$0x2] =	stream.indirect_vreg.gather [hbm4b:s6+s3], $0x80, v3, vm0, $0xb8;
	[tilespmem:$0x10800] =	vst v63  }
0x177: {  	_ = 	snop  }
0x178: {  	[tilespmem:s11], [sflag:$0x2] =	stream.indirect_vreg.gather [hbm4b:s7+s3], $0x80, v3, vm0, $0xb8;
	[tilespmem:$0x10800] =	vst v63  }
0x179: {  	_ =	swait.ge [sflag:s30], $0x8000  }
0x17a: {  	[sflag:s30] =	ssyncset.done $0x0  }
0x17b: {  	[sflag:s30] =	ssyncadd.s32 $0xFFFF8000  }
0x17c: {  	v3 =	vld [tilespmem:$0x500];
	_ =	sdelay $0x4  }
0x17d: {  	v44 =	vshll.u32 v3, $0x3  }
0x17e: {  	v3 =	vand.u32 $0x7, v3;
	v4 =	vand.u32 $0xFFFFFFC0, v44  }
0x17f: {  	v3 =	vor.u32 v3, v4  }
0x180: {  	v4 =	vperm.xlane v3, v0;
	_ =	sdelay $0x1  }
0x181: {  	v4 =	vadd.s32 v1, v4;
	_ =	sdelay $0x3  }
0x182: {  	s24 =	simm.s32 $0x800  }
0x183: {  	[hbm4b:s4+s3] =	stream.indirect_vreg.scatter [tilespmem:s24], [sflag:$0x3], $0x80, v4, vm0, $0xb8;
	[tilespmem:$0x10800] =	vst v63  }
0x184: {  	s20 =	simm.s32 $0x1000;
	v3 =	vperm.xlane v3, v2  }
0x185: {  	[hbm4b:s8+s3] =	stream.indirect_vreg.scatter [tilespmem:s20], [sflag:$0x3], $0x80, v4, vm0, $0xb8;
	[tilespmem:$0x10800] =	vst v63  }
0x186: {  	s0 =	simm.s32 $0x1800;
	v3 =	vadd.s32 v1, v3  }
0x187: {  	[hbm4b:s9+s3] =	stream.indirect_vreg.scatter [tilespmem:s0], [sflag:$0x3], $0x80, v4, vm0, $0xb8;
	[tilespmem:$0x10800] =	vst v63  }
0x188: {  	s1 =	simm.s32 $0x2000  }
0x189: {  	[hbm4b:s10+s3] =	stream.indirect_vreg.scatter [tilespmem:s1], [sflag:$0x3], $0x80, v4, vm0, $0xb8;
	[tilespmem:$0x10800] =	vst v63  }
0x18a: {  	s11 =	simm.s32 $0x2800  }
0x18b: {  	[hbm4b:s4+s3] =	stream.indirect_vreg.scatter [tilespmem:s11], [sflag:$0x3], $0x80, v3, vm0, $0xb8;
	[tilespmem:$0x10800] =	vst v63  }
0x18c: {  	s13 =	simm.s32 $0x3000  }
0x18d: {  	[hbm4b:s8+s3] =	stream.indirect_vreg.scatter [tilespmem:s13], [sflag:$0x3], $0x80, v3, vm0, $0xb8;
	[tilespmem:$0x10800] =	vst v63  }
0x18e: {  	s21 =	simm.s32 $0x3800  }
0x18f: {  	[hbm4b:s9+s3] =	stream.indirect_vreg.scatter [tilespmem:s21], [sflag:$0x3], $0x80, v3, vm0, $0xb8;
	[tilespmem:$0x10800] =	vst v63  }
0x190: {  	s22 =	simm.s32 $0x4000  }
0x191: {  	[hbm4b:s10+s3] =	stream.indirect_vreg.scatter [tilespmem:s22], [sflag:$0x3], $0x80, v3, vm0, $0xb8;
	[tilespmem:$0x10800] =	vst v63  }
0x192: {  	v3 =	vld [tilespmem:$0x510];
	_ =	sdelay $0x4  }
0x193: {  	v45 =	vshll.u32 v3, $0x3  }
0x194: {  	v3 =	vand.u32 $0x7, v3;
	v4 =	vand.u32 $0xFFFFFFC0, v45  }
0x195: {  	v3 =	vor.u32 v3, v4  }
0x196: {  	v4 =	vperm.xlane v3, v0;
	_ =	sdelay $0x1  }
0x197: {  	v4 =	vadd.s32 v1, v4;
	_ =	sdelay $0x3  }
0x198: {  	s23 =	simm.s32 $0x4800  }
0x199: {  	[hbm4b:s4+s3] =	stream.indirect_vreg.scatter [tilespmem:s23], [sflag:$0x3], $0x80, v4, vm0, $0xb8;
	[tilespmem:$0x10800] =	vst v63  }
0x19a: {  	s14 =	simm.s32 $0x5000;
	v3 =	vperm.xlane v3, v2  }
0x19b: {  	[hbm4b:s8+s3] =	stream.indirect_vreg.scatter [tilespmem:s14], [sflag:$0x3], $0x80, v4, vm0, $0xb8;
	[tilespmem:$0x10800] =	vst v63  }
0x19c: {  	s15 =	simm.s32 $0x5800;
	v3 =	vadd.s32 v1, v3  }
0x19d: {  	[hbm4b:s9+s3] =	stream.indirect_vreg.scatter [tilespmem:s15], [sflag:$0x3], $0x80, v4, vm0, $0xb8;
	[tilespmem:$0x10800] =	vst v63  }
0x19e: {  	s16 =	simm.s32 $0x6000  }
0x19f: {  	[hbm4b:s10+s3] =	stream.indirect_vreg.scatter [tilespmem:s16], [sflag:$0x3], $0x80, v4, vm0, $0xb8;
	[tilespmem:$0x10800] =	vst v63  }
0x1a0: {  	s17 =	simm.s32 $0x6800  }
0x1a1: {  	[hbm4b:s4+s3] =	stream.indirect_vreg.scatter [tilespmem:s17], [sflag:$0x3], $0x80, v3, vm0, $0xb8;
	[tilespmem:$0x10800] =	vst v63  }
0x1a2: {  	s18 =	simm.s32 $0x7000  }
0x1a3: {  	[hbm4b:s8+s3] =	stream.indirect_vreg.scatter [tilespmem:s18], [sflag:$0x3], $0x80, v3, vm0, $0xb8;
	[tilespmem:$0x10800] =	vst v63  }
0x1a4: {  	s2 =	simm.s32 $0x7800  }
0x1a5: {  	[hbm4b:s9+s3] =	stream.indirect_vreg.scatter [tilespmem:s2], [sflag:$0x3], $0x80, v3, vm0, $0xb8;
	[tilespmem:$0x10800] =	vst v63  }
0x1a6: {  	s26 =	simm.s32 $0x8000  }
0x1a7: {  	[hbm4b:s10+s3] =	stream.indirect_vreg.scatter [tilespmem:s26], [sflag:$0x3], $0x80, v3, vm0, $0xb8;
	[tilespmem:$0x10800] =	vst v63  }
0x1a8: {  	_ =	swait.ge [sflag:s31], $0x8000  }
0x1a9: {  	[sflag:s31] =	ssyncset.done $0x0  }
0x1aa: {  	[sflag:s31] =	ssyncadd.s32 $0xFFFF8000  }
0x1ab: {  	v3 =	vld [tilespmem:$0x200];
	_ =	sdelay $0x4  }
0x1ac: {  	v46 =	vshll.u32 v3, $0x3  }
0x1ad: {  	v3 =	vand.u32 $0x7, v3;
	v4 =	vand.u32 $0xFFFFFFC0, v46  }
0x1ae: {  	v3 =	vor.u32 v3, v4  }
0x1af: {  	v4 =	vperm.xlane v3, v0;
	_ =	sdelay $0x1  }
0x1b0: {  	v4 =	vadd.s32 v1, v4;
	_ =	sdelay $0x4  }
0x1b1: {  	[tilespmem:s24], [sflag:$0x1] =	stream.indirect_vreg.gather [hbm4b:s28+s3], $0x80, v4, vm0, $0xb8;
	[tilespmem:$0x10800] =	vst v63  }
0x1b2: {  	v3 =	vperm.xlane v3, v2  }
0x1b3: {  	[tilespmem:s20], [sflag:$0x1] =	stream.indirect_vreg.gather [hbm4b:s5+s3], $0x80, v4, vm0, $0xb8;
	[tilespmem:$0x10800] =	vst v63  }
0x1b4: {  	v3 =	vadd.s32 v1, v3  }
0x1b5: {  	[tilespmem:s0], [sflag:$0x1] =	stream.indirect_vreg.gather [hbm4b:s6+s3], $0x80, v4, vm0, $0xb8;
	[tilespmem:$0x10800] =	vst v63  }
0x1b6: {  	_ = 	snop  }
0x1b7: {  	[tilespmem:s1], [sflag:$0x1] =	stream.indirect_vreg.gather [hbm4b:s7+s3], $0x80, v4, vm0, $0xb8;
	[tilespmem:$0x10800] =	vst v63  }
0x1b8: {  	_ = 	snop  }
0x1b9: {  	[tilespmem:s11], [sflag:$0x1] =	stream.indirect_vreg.gather [hbm4b:s28+s3], $0x80, v3, vm0, $0xb8;
	[tilespmem:$0x10800] =	vst v63  }
0x1ba: {  	_ = 	snop  }
0x1bb: {  	[tilespmem:s13], [sflag:$0x1] =	stream.indirect_vreg.gather [hbm4b:s5+s3], $0x80, v3, vm0, $0xb8;
	[tilespmem:$0x10800] =	vst v63  }
0x1bc: {  	_ = 	snop  }
0x1bd: {  	[tilespmem:s21], [sflag:$0x1] =	stream.indirect_vreg.gather [hbm4b:s6+s3], $0x80, v3, vm0, $0xb8;
	[tilespmem:$0x10800] =	vst v63  }
0x1be: {  	_ = 	snop  }
0x1bf: {  	[tilespmem:s22], [sflag:$0x1] =	stream.indirect_vreg.gather [hbm4b:s7+s3], $0x80, v3, vm0, $0xb8;
	[tilespmem:$0x10800] =	vst v63  }
0x1c0: {  	v3 =	vld [tilespmem:$0x210];
	_ =	sdelay $0x4  }
0x1c1: {  	v47 =	vshll.u32 v3, $0x3  }
0x1c2: {  	v3 =	vand.u32 $0x7, v3;
	v4 =	vand.u32 $0xFFFFFFC0, v47  }
0x1c3: {  	v3 =	vor.u32 v3, v4  }
0x1c4: {  	v4 =	vperm.xlane v3, v0;
	_ =	sdelay $0x1  }
0x1c5: {  	v4 =	vadd.s32 v1, v4;
	_ =	sdelay $0x4  }
0x1c6: {  	[tilespmem:s23], [sflag:$0x1] =	stream.indirect_vreg.gather [hbm4b:s28+s3], $0x80, v4, vm0, $0xb8;
	[tilespmem:$0x10800] =	vst v63  }
0x1c7: {  	v3 =	vperm.xlane v3, v2  }
0x1c8: {  	[tilespmem:s14], [sflag:$0x1] =	stream.indirect_vreg.gather [hbm4b:s5+s3], $0x80, v4, vm0, $0xb8;
	[tilespmem:$0x10800] =	vst v63  }
0x1c9: {  	v3 =	vadd.s32 v1, v3  }
0x1ca: {  	[tilespmem:s15], [sflag:$0x1] =	stream.indirect_vreg.gather [hbm4b:s6+s3], $0x80, v4, vm0, $0xb8;
	[tilespmem:$0x10800] =	vst v63  }
0x1cb: {  	_ = 	snop  }
0x1cc: {  	[tilespmem:s16], [sflag:$0x1] =	stream.indirect_vreg.gather [hbm4b:s7+s3], $0x80, v4, vm0, $0xb8;
	[tilespmem:$0x10800] =	vst v63  }
0x1cd: {  	_ = 	snop  }
0x1ce: {  	[tilespmem:s17], [sflag:$0x1] =	stream.indirect_vreg.gather [hbm4b:s28+s3], $0x80, v3, vm0, $0xb8;
	[tilespmem:$0x10800] =	vst v63  }
0x1cf: {  	_ = 	snop  }
0x1d0: {  	[tilespmem:s18], [sflag:$0x1] =	stream.indirect_vreg.gather [hbm4b:s5+s3], $0x80, v3, vm0, $0xb8;
	[tilespmem:$0x10800] =	vst v63  }
0x1d1: {  	_ = 	snop  }
0x1d2: {  	[tilespmem:s2], [sflag:$0x1] =	stream.indirect_vreg.gather [hbm4b:s6+s3], $0x80, v3, vm0, $0xb8;
	[tilespmem:$0x10800] =	vst v63  }
0x1d3: {  	_ = 	snop  }
0x1d4: {  	[tilespmem:s26], [sflag:$0x1] =	stream.indirect_vreg.gather [hbm4b:s7+s3], $0x80, v3, vm0, $0xb8;
	[tilespmem:$0x10800] =	vst v63  }
0x1d5: {  	_ =	swait.ge [sflag:s29], $0x8000  }
0x1d6: {  	[sflag:s29] =	ssyncset.done $0x0  }
0x1d7: {  	[sflag:s29] =	ssyncadd.s32 $0xFFFF8000  }
0x1d8: {  	v3 =	vld [tilespmem:$0x580];
	_ =	sdelay $0x4  }
0x1d9: {  	v48 =	vshll.u32 v3, $0x3  }
0x1da: {  	v3 =	vand.u32 $0x7, v3;
	v4 =	vand.u32 $0xFFFFFFC0, v48  }
0x1db: {  	v3 =	vor.u32 v3, v4  }
0x1dc: {  	v4 =	vperm.xlane v3, v0;
	_ =	sdelay $0x1  }
0x1dd: {  	v4 =	vadd.s32 v1, v4;
	_ =	sdelay $0x3  }
0x1de: {  	s17 =	simm.s32 $0x8800  }
0x1df: {  	[hbm4b:s4+s3] =	stream.indirect_vreg.scatter [tilespmem:s17], [sflag:$0x4], $0x80, v4, vm0, $0xb8;
	[tilespmem:$0x10800] =	vst v63  }
0x1e0: {  	s18 =	simm.s32 $0x9000;
	v3 =	vperm.xlane v3, v2  }
0x1e1: {  	[hbm4b:s8+s3] =	stream.indirect_vreg.scatter [tilespmem:s18], [sflag:$0x4], $0x80, v4, vm0, $0xb8;
	[tilespmem:$0x10800] =	vst v63  }
0x1e2: {  	s23 =	simm.s32 $0x9800;
	v3 =	vadd.s32 v1, v3  }
0x1e3: {  	[hbm4b:s9+s3] =	stream.indirect_vreg.scatter [tilespmem:s23], [sflag:$0x4], $0x80, v4, vm0, $0xb8;
	[tilespmem:$0x10800] =	vst v63  }
0x1e4: {  	s24 =	simm.s32 $0xA000  }
0x1e5: {  	[hbm4b:s10+s3] =	stream.indirect_vreg.scatter [tilespmem:s24], [sflag:$0x4], $0x80, v4, vm0, $0xb8;
	[tilespmem:$0x10800] =	vst v63  }
0x1e6: {  	s22 =	simm.s32 $0xA800  }
0x1e7: {  	[hbm4b:s4+s3] =	stream.indirect_vreg.scatter [tilespmem:s22], [sflag:$0x4], $0x80, v3, vm0, $0xb8;
	[tilespmem:$0x10800] =	vst v63  }
0x1e8: {  	s0 =	simm.s32 $0xB000  }
0x1e9: {  	[hbm4b:s8+s3] =	stream.indirect_vreg.scatter [tilespmem:s0], [sflag:$0x4], $0x80, v3, vm0, $0xb8;
	[tilespmem:$0x10800] =	vst v63  }
0x1ea: {  	s26 =	simm.s32 $0xB800  }
0x1eb: {  	[hbm4b:s9+s3] =	stream.indirect_vreg.scatter [tilespmem:s26], [sflag:$0x4], $0x80, v3, vm0, $0xb8;
	[tilespmem:$0x10800] =	vst v63  }
0x1ec: {  	s19 =	simm.s32 $0xC000  }
0x1ed: {  	[hbm4b:s10+s3] =	stream.indirect_vreg.scatter [tilespmem:s19], [sflag:$0x4], $0x80, v3, vm0, $0xb8;
	[tilespmem:$0x10800] =	vst v63  }
0x1ee: {  	v3 =	vld [tilespmem:$0x590];
	_ =	sdelay $0x4  }
0x1ef: {  	v49 =	vshll.u32 v3, $0x3  }
0x1f0: {  	v3 =	vand.u32 $0x7, v3;
	v4 =	vand.u32 $0xFFFFFFC0, v49  }
0x1f1: {  	v3 =	vor.u32 v3, v4  }
0x1f2: {  	v4 =	vperm.xlane v3, v0;
	_ =	sdelay $0x1  }
0x1f3: {  	v4 =	vadd.s32 v1, v4;
	_ =	sdelay $0x3  }
0x1f4: {  	s20 =	simm.s32 $0xC800  }
0x1f5: {  	[hbm4b:s4+s3] =	stream.indirect_vreg.scatter [tilespmem:s20], [sflag:$0x4], $0x80, v4, vm0, $0xb8;
	[tilespmem:$0x10800] =	vst v63  }
0x1f6: {  	s21 =	simm.s32 $0xD000;
	v3 =	vperm.xlane v3, v2  }
0x1f7: {  	[hbm4b:s8+s3] =	stream.indirect_vreg.scatter [tilespmem:s21], [sflag:$0x4], $0x80, v4, vm0, $0xb8;
	[tilespmem:$0x10800] =	vst v63  }
0x1f8: {  	s2 =	simm.s32 $0xD800;
	v3 =	vadd.s32 v1, v3  }
0x1f9: {  	[hbm4b:s9+s3] =	stream.indirect_vreg.scatter [tilespmem:s2], [sflag:$0x4], $0x80, v4, vm0, $0xb8;
	[tilespmem:$0x10800] =	vst v63  }
0x1fa: {  	s11 =	simm.s32 $0xE000  }
0x1fb: {  	[hbm4b:s10+s3] =	stream.indirect_vreg.scatter [tilespmem:s11], [sflag:$0x4], $0x80, v4, vm0, $0xb8;
	[tilespmem:$0x10800] =	vst v63  }
0x1fc: {  	s13 =	simm.s32 $0xE800  }
0x1fd: {  	[hbm4b:s4+s3] =	stream.indirect_vreg.scatter [tilespmem:s13], [sflag:$0x4], $0x80, v3, vm0, $0xb8;
	[tilespmem:$0x10800] =	vst v63  }
0x1fe: {  	s14 =	simm.s32 $0xF000  }
0x1ff: {  	[hbm4b:s8+s3] =	stream.indirect_vreg.scatter [tilespmem:s14], [sflag:$0x4], $0x80, v3, vm0, $0xb8;
	[tilespmem:$0x10800] =	vst v63  }
0x200: {  	s15 =	simm.s32 $0xF800  }
0x201: {  	[hbm4b:s9+s3] =	stream.indirect_vreg.scatter [tilespmem:s15], [sflag:$0x4], $0x80, v3, vm0, $0xb8;
	[tilespmem:$0x10800] =	vst v63  }
0x202: {  	s16 =	simm.s32 $0x10000  }
0x203: {  	[hbm4b:s10+s3] =	stream.indirect_vreg.scatter [tilespmem:s16], [sflag:$0x4], $0x80, v3, vm0, $0xb8;
	[tilespmem:$0x10800] =	vst v63  }
0x204: {  	_ =	swait.ge [sflag:s25], $0x8000  }
0x205: {  	[sflag:s25] =	ssyncset.done $0x0  }
0x206: {  	[sflag:s25] =	ssyncadd.s32 $0xFFFF8000  }
0x207: {  	v3 =	vld [tilespmem:$0x280];
	_ =	sdelay $0x4  }
0x208: {  	v50 =	vshll.u32 v3, $0x3  }
0x209: {  	v3 =	vand.u32 $0x7, v3;
	v4 =	vand.u32 $0xFFFFFFC0, v50  }
0x20a: {  	v3 =	vor.u32 v3, v4  }
0x20b: {  	v4 =	vperm.xlane v3, v0;
	_ =	sdelay $0x1  }
0x20c: {  	v4 =	vadd.s32 v1, v4;
	_ =	sdelay $0x4  }
0x20d: {  	[tilespmem:s17], [sflag:$0x2] =	stream.indirect_vreg.gather [hbm4b:s28+s3], $0x80, v4, vm0, $0xb8;
	[tilespmem:$0x10800] =	vst v63  }
0x20e: {  	v3 =	vperm.xlane v3, v2  }
0x20f: {  	[tilespmem:s18], [sflag:$0x2] =	stream.indirect_vreg.gather [hbm4b:s5+s3], $0x80, v4, vm0, $0xb8;
	[tilespmem:$0x10800] =	vst v63  }
0x210: {  	v3 =	vadd.s32 v1, v3  }
0x211: {  	[tilespmem:s23], [sflag:$0x2] =	stream.indirect_vreg.gather [hbm4b:s6+s3], $0x80, v4, vm0, $0xb8;
	[tilespmem:$0x10800] =	vst v63  }
0x212: {  	_ = 	snop  }
0x213: {  	[tilespmem:s24], [sflag:$0x2] =	stream.indirect_vreg.gather [hbm4b:s7+s3], $0x80, v4, vm0, $0xb8;
	[tilespmem:$0x10800] =	vst v63  }
0x214: {  	_ = 	snop  }
0x215: {  	[tilespmem:s22], [sflag:$0x2] =	stream.indirect_vreg.gather [hbm4b:s28+s3], $0x80, v3, vm0, $0xb8;
	[tilespmem:$0x10800] =	vst v63  }
0x216: {  	_ = 	snop  }
0x217: {  	[tilespmem:s0], [sflag:$0x2] =	stream.indirect_vreg.gather [hbm4b:s5+s3], $0x80, v3, vm0, $0xb8;
	[tilespmem:$0x10800] =	vst v63  }
0x218: {  	_ = 	snop  }
0x219: {  	[tilespmem:s26], [sflag:$0x2] =	stream.indirect_vreg.gather [hbm4b:s6+s3], $0x80, v3, vm0, $0xb8;
	[tilespmem:$0x10800] =	vst v63  }
0x21a: {  	_ = 	snop  }
0x21b: {  	[tilespmem:s19], [sflag:$0x2] =	stream.indirect_vreg.gather [hbm4b:s7+s3], $0x80, v3, vm0, $0xb8;
	[tilespmem:$0x10800] =	vst v63  }
0x21c: {  	v3 =	vld [tilespmem:$0x290];
	_ =	sdelay $0x4  }
0x21d: {  	v51 =	vshll.u32 v3, $0x3  }
0x21e: {  	v3 =	vand.u32 $0x7, v3;
	v4 =	vand.u32 $0xFFFFFFC0, v51  }
0x21f: {  	v3 =	vor.u32 v3, v4  }
0x220: {  	v4 =	vperm.xlane v3, v0;
	_ =	sdelay $0x1  }
0x221: {  	v4 =	vadd.s32 v1, v4;
	_ =	sdelay $0x4  }
0x222: {  	[tilespmem:s20], [sflag:$0x2] =	stream.indirect_vreg.gather [hbm4b:s28+s3], $0x80, v4, vm0, $0xb8;
	[tilespmem:$0x10800] =	vst v63  }
0x223: {  	v3 =	vperm.xlane v3, v2  }
0x224: {  	[tilespmem:s21], [sflag:$0x2] =	stream.indirect_vreg.gather [hbm4b:s5+s3], $0x80, v4, vm0, $0xb8;
	[tilespmem:$0x10800] =	vst v63  }
0x225: {  	v3 =	vadd.s32 v1, v3  }
0x226: {  	[tilespmem:s2], [sflag:$0x2] =	stream.indirect_vreg.gather [hbm4b:s6+s3], $0x80, v4, vm0, $0xb8;
	[tilespmem:$0x10800] =	vst v63  }
0x227: {  	_ = 	snop  }
0x228: {  	[tilespmem:s11], [sflag:$0x2] =	stream.indirect_vreg.gather [hbm4b:s7+s3], $0x80, v4, vm0, $0xb8;
	[tilespmem:$0x10800] =	vst v63  }
0x229: {  	_ = 	snop  }
0x22a: {  	[tilespmem:s13], [sflag:$0x2] =	stream.indirect_vreg.gather [hbm4b:s28+s3], $0x80, v3, vm0, $0xb8;
	[tilespmem:$0x10800] =	vst v63  }
0x22b: {  	_ = 	snop  }
0x22c: {  	[tilespmem:s14], [sflag:$0x2] =	stream.indirect_vreg.gather [hbm4b:s5+s3], $0x80, v3, vm0, $0xb8;
	[tilespmem:$0x10800] =	vst v63  }
0x22d: {  	_ = 	snop  }
0x22e: {  	[tilespmem:s15], [sflag:$0x2] =	stream.indirect_vreg.gather [hbm4b:s6+s3], $0x80, v3, vm0, $0xb8;
	[tilespmem:$0x10800] =	vst v63  }
0x22f: {  	_ = 	snop  }
0x230: {  	[tilespmem:s16], [sflag:$0x2] =	stream.indirect_vreg.gather [hbm4b:s7+s3], $0x80, v3, vm0, $0xb8;
	[tilespmem:$0x10800] =	vst v63  }
0x231: {  	_ =	swait.ge [sflag:s30], $0x8000  }
0x232: {  	[sflag:s30] =	ssyncset.done $0x0  }
0x233: {  	[sflag:s30] =	ssyncadd.s32 $0xFFFF8000  }
0x234: {  	v3 =	vld [tilespmem:$0x600];
	_ =	sdelay $0x4  }
0x235: {  	v52 =	vshll.u32 v3, $0x3  }
0x236: {  	v3 =	vand.u32 $0x7, v3;
	v4 =	vand.u32 $0xFFFFFFC0, v52  }
0x237: {  	v3 =	vor.u32 v3, v4  }
0x238: {  	v4 =	vperm.xlane v3, v0;
	_ =	sdelay $0x1  }
0x239: {  	v4 =	vadd.s32 v1, v4;
	_ =	sdelay $0x3  }
0x23a: {  	s19 =	simm.s32 $0x800  }
0x23b: {  	[hbm4b:s4+s3] =	stream.indirect_vreg.scatter [tilespmem:s19], [sflag:$0x3], $0x80, v4, vm0, $0xb8;
	[tilespmem:$0x10800] =	vst v63  }
0x23c: {  	s24 =	simm.s32 $0x1000;
	v3 =	vperm.xlane v3, v2  }
0x23d: {  	[hbm4b:s8+s3] =	stream.indirect_vreg.scatter [tilespmem:s24], [sflag:$0x3], $0x80, v4, vm0, $0xb8;
	[tilespmem:$0x10800] =	vst v63  }
0x23e: {  	s0 =	simm.s32 $0x1800;
	v3 =	vadd.s32 v1, v3  }
0x23f: {  	[hbm4b:s9+s3] =	stream.indirect_vreg.scatter [tilespmem:s0], [sflag:$0x3], $0x80, v4, vm0, $0xb8;
	[tilespmem:$0x10800] =	vst v63  }
0x240: {  	s1 =	simm.s32 $0x2000  }
0x241: {  	[hbm4b:s10+s3] =	stream.indirect_vreg.scatter [tilespmem:s1], [sflag:$0x3], $0x80, v4, vm0, $0xb8;
	[tilespmem:$0x10800] =	vst v63  }
0x242: {  	s2 =	simm.s32 $0x2800  }
0x243: {  	[hbm4b:s4+s3] =	stream.indirect_vreg.scatter [tilespmem:s2], [sflag:$0x3], $0x80, v3, vm0, $0xb8;
	[tilespmem:$0x10800] =	vst v63  }
0x244: {  	s11 =	simm.s32 $0x3000  }
0x245: {  	[hbm4b:s8+s3] =	stream.indirect_vreg.scatter [tilespmem:s11], [sflag:$0x3], $0x80, v3, vm0, $0xb8;
	[tilespmem:$0x10800] =	vst v63  }
0x246: {  	s13 =	simm.s32 $0x3800  }
0x247: {  	[hbm4b:s9+s3] =	stream.indirect_vreg.scatter [tilespmem:s13], [sflag:$0x3], $0x80, v3, vm0, $0xb8;
	[tilespmem:$0x10800] =	vst v63  }
0x248: {  	s20 =	simm.s32 $0x4000  }
0x249: {  	[hbm4b:s10+s3] =	stream.indirect_vreg.scatter [tilespmem:s20], [sflag:$0x3], $0x80, v3, vm0, $0xb8;
	[tilespmem:$0x10800] =	vst v63  }
0x24a: {  	v3 =	vld [tilespmem:$0x610];
	_ =	sdelay $0x4  }
0x24b: {  	v53 =	vshll.u32 v3, $0x3  }
0x24c: {  	v3 =	vand.u32 $0x7, v3;
	v4 =	vand.u32 $0xFFFFFFC0, v53  }
0x24d: {  	v3 =	vor.u32 v3, v4  }
0x24e: {  	v4 =	vperm.xlane v3, v0;
	_ =	sdelay $0x1  }
0x24f: {  	v4 =	vadd.s32 v1, v4;
	_ =	sdelay $0x3  }
0x250: {  	s21 =	simm.s32 $0x4800  }
0x251: {  	[hbm4b:s4+s3] =	stream.indirect_vreg.scatter [tilespmem:s21], [sflag:$0x3], $0x80, v4, vm0, $0xb8;
	[tilespmem:$0x10800] =	vst v63  }
0x252: {  	s23 =	simm.s32 $0x5000;
	v3 =	vperm.xlane v3, v2  }
0x253: {  	[hbm4b:s8+s3] =	stream.indirect_vreg.scatter [tilespmem:s23], [sflag:$0x3], $0x80, v4, vm0, $0xb8;
	[tilespmem:$0x10800] =	vst v63  }
0x254: {  	s14 =	simm.s32 $0x5800;
	v3 =	vadd.s32 v1, v3  }
0x255: {  	[hbm4b:s9+s3] =	stream.indirect_vreg.scatter [tilespmem:s14], [sflag:$0x3], $0x80, v4, vm0, $0xb8;
	[tilespmem:$0x10800] =	vst v63  }
0x256: {  	s15 =	simm.s32 $0x6000  }
0x257: {  	[hbm4b:s10+s3] =	stream.indirect_vreg.scatter [tilespmem:s15], [sflag:$0x3], $0x80, v4, vm0, $0xb8;
	[tilespmem:$0x10800] =	vst v63  }
0x258: {  	s16 =	simm.s32 $0x6800  }
0x259: {  	[hbm4b:s4+s3] =	stream.indirect_vreg.scatter [tilespmem:s16], [sflag:$0x3], $0x80, v3, vm0, $0xb8;
	[tilespmem:$0x10800] =	vst v63  }
0x25a: {  	s17 =	simm.s32 $0x7000  }
0x25b: {  	[hbm4b:s8+s3] =	stream.indirect_vreg.scatter [tilespmem:s17], [sflag:$0x3], $0x80, v3, vm0, $0xb8;
	[tilespmem:$0x10800] =	vst v63  }
0x25c: {  	s18 =	simm.s32 $0x7800  }
0x25d: {  	[hbm4b:s9+s3] =	stream.indirect_vreg.scatter [tilespmem:s18], [sflag:$0x3], $0x80, v3, vm0, $0xb8;
	[tilespmem:$0x10800] =	vst v63  }
0x25e: {  	s22 =	simm.s32 $0x8000  }
0x25f: {  	[hbm4b:s10+s3] =	stream.indirect_vreg.scatter [tilespmem:s22], [sflag:$0x3], $0x80, v3, vm0, $0xb8;
	[tilespmem:$0x10800] =	vst v63  }
0x260: {  	_ =	swait.ge [sflag:s31], $0x8000  }
0x261: {  	[sflag:s31] =	ssyncset.done $0x0  }
0x262: {  	[sflag:s31] =	ssyncadd.s32 $0xFFFF8000  }
0x263: {  	v3 =	vld [tilespmem:$0x300];
	_ =	sdelay $0x4  }
0x264: {  	v54 =	vshll.u32 v3, $0x3  }
0x265: {  	v3 =	vand.u32 $0x7, v3;
	v4 =	vand.u32 $0xFFFFFFC0, v54  }
0x266: {  	v3 =	vor.u32 v3, v4  }
0x267: {  	v4 =	vperm.xlane v3, v0;
	_ =	sdelay $0x1  }
0x268: {  	v4 =	vadd.s32 v1, v4;
	_ =	sdelay $0x4  }
0x269: {  	[tilespmem:s19], [sflag:$0x1] =	stream.indirect_vreg.gather [hbm4b:s28+s3], $0x80, v4, vm0, $0xb8;
	[tilespmem:$0x10800] =	vst v63  }
0x26a: {  	v3 =	vperm.xlane v3, v2  }
0x26b: {  	[tilespmem:s24], [sflag:$0x1] =	stream.indirect_vreg.gather [hbm4b:s5+s3], $0x80, v4, vm0, $0xb8;
	[tilespmem:$0x10800] =	vst v63  }
0x26c: {  	v3 =	vadd.s32 v1, v3  }
0x26d: {  	[tilespmem:s0], [sflag:$0x1] =	stream.indirect_vreg.gather [hbm4b:s6+s3], $0x80, v4, vm0, $0xb8;
	[tilespmem:$0x10800] =	vst v63  }
0x26e: {  	_ = 	snop  }
0x26f: {  	[tilespmem:s1], [sflag:$0x1] =	stream.indirect_vreg.gather [hbm4b:s7+s3], $0x80, v4, vm0, $0xb8;
	[tilespmem:$0x10800] =	vst v63  }
0x270: {  	_ = 	snop  }
0x271: {  	[tilespmem:s2], [sflag:$0x1] =	stream.indirect_vreg.gather [hbm4b:s28+s3], $0x80, v3, vm0, $0xb8;
	[tilespmem:$0x10800] =	vst v63  }
0x272: {  	_ = 	snop  }
0x273: {  	[tilespmem:s11], [sflag:$0x1] =	stream.indirect_vreg.gather [hbm4b:s5+s3], $0x80, v3, vm0, $0xb8;
	[tilespmem:$0x10800] =	vst v63  }
0x274: {  	_ = 	snop  }
0x275: {  	[tilespmem:s13], [sflag:$0x1] =	stream.indirect_vreg.gather [hbm4b:s6+s3], $0x80, v3, vm0, $0xb8;
	[tilespmem:$0x10800] =	vst v63  }
0x276: {  	_ = 	snop  }
0x277: {  	[tilespmem:s20], [sflag:$0x1] =	stream.indirect_vreg.gather [hbm4b:s7+s3], $0x80, v3, vm0, $0xb8;
	[tilespmem:$0x10800] =	vst v63  }
0x278: {  	v3 =	vld [tilespmem:$0x310];
	_ =	sdelay $0x4  }
0x279: {  	v55 =	vshll.u32 v3, $0x3  }
0x27a: {  	v3 =	vand.u32 $0x7, v3;
	v4 =	vand.u32 $0xFFFFFFC0, v55  }
0x27b: {  	v3 =	vor.u32 v3, v4  }
0x27c: {  	v4 =	vperm.xlane v3, v0;
	_ =	sdelay $0x1  }
0x27d: {  	v4 =	vadd.s32 v1, v4;
	_ =	sdelay $0x4  }
0x27e: {  	[tilespmem:s21], [sflag:$0x1] =	stream.indirect_vreg.gather [hbm4b:s28+s3], $0x80, v4, vm0, $0xb8;
	[tilespmem:$0x10800] =	vst v63  }
0x27f: {  	v3 =	vperm.xlane v3, v2  }
0x280: {  	[tilespmem:s23], [sflag:$0x1] =	stream.indirect_vreg.gather [hbm4b:s5+s3], $0x80, v4, vm0, $0xb8;
	[tilespmem:$0x10800] =	vst v63  }
0x281: {  	v3 =	vadd.s32 v1, v3  }
0x282: {  	[tilespmem:s14], [sflag:$0x1] =	stream.indirect_vreg.gather [hbm4b:s6+s3], $0x80, v4, vm0, $0xb8;
	[tilespmem:$0x10800] =	vst v63  }
0x283: {  	_ = 	snop  }
0x284: {  	[tilespmem:s15], [sflag:$0x1] =	stream.indirect_vreg.gather [hbm4b:s7+s3], $0x80, v4, vm0, $0xb8;
	[tilespmem:$0x10800] =	vst v63  }
0x285: {  	_ = 	snop  }
0x286: {  	[tilespmem:s16], [sflag:$0x1] =	stream.indirect_vreg.gather [hbm4b:s28+s3], $0x80, v3, vm0, $0xb8;
	[tilespmem:$0x10800] =	vst v63  }
0x287: {  	_ = 	snop  }
0x288: {  	[tilespmem:s17], [sflag:$0x1] =	stream.indirect_vreg.gather [hbm4b:s5+s3], $0x80, v3, vm0, $0xb8;
	[tilespmem:$0x10800] =	vst v63  }
0x289: {  	_ = 	snop  }
0x28a: {  	[tilespmem:s18], [sflag:$0x1] =	stream.indirect_vreg.gather [hbm4b:s6+s3], $0x80, v3, vm0, $0xb8;
	[tilespmem:$0x10800] =	vst v63  }
0x28b: {  	_ = 	snop  }
0x28c: {  	[tilespmem:s22], [sflag:$0x1] =	stream.indirect_vreg.gather [hbm4b:s7+s3], $0x80, v3, vm0, $0xb8;
	[tilespmem:$0x10800] =	vst v63  }
0x28d: {  	_ =	swait.ge [sflag:s29], $0x8000  }
0x28e: {  	[sflag:s29] =	ssyncset.done $0x0  }
0x28f: {  	[sflag:s29] =	ssyncadd.s32 $0xFFFF8000  }
0x290: {  	v3 =	vld [tilespmem:$0x680];
	_ =	sdelay $0x4  }
0x291: {  	v56 =	vshll.u32 v3, $0x3  }
0x292: {  	v3 =	vand.u32 $0x7, v3;
	v4 =	vand.u32 $0xFFFFFFC0, v56  }
0x293: {  	v3 =	vor.u32 v3, v4  }
0x294: {  	v4 =	vperm.xlane v3, v0;
	_ =	sdelay $0x1  }
0x295: {  	v4 =	vadd.s32 v1, v4;
	_ =	sdelay $0x3  }
0x296: {  	s1 =	simm.s32 $0x8800  }
0x297: {  	[hbm4b:s4+s3] =	stream.indirect_vreg.scatter [tilespmem:s1], [sflag:$0x4], $0x80, v4, vm0, $0xb8;
	[tilespmem:$0x10800] =	vst v63  }
0x298: {  	s16 =	simm.s32 $0x9000;
	v3 =	vperm.xlane v3, v2  }
0x299: {  	[hbm4b:s8+s3] =	stream.indirect_vreg.scatter [tilespmem:s16], [sflag:$0x4], $0x80, v4, vm0, $0xb8;
	[tilespmem:$0x10800] =	vst v63  }
0x29a: {  	s18 =	simm.s32 $0x9800;
	v3 =	vadd.s32 v1, v3  }
0x29b: {  	[hbm4b:s9+s3] =	stream.indirect_vreg.scatter [tilespmem:s18], [sflag:$0x4], $0x80, v4, vm0, $0xb8;
	[tilespmem:$0x10800] =	vst v63  }
0x29c: {  	s23 =	simm.s32 $0xA000  }
0x29d: {  	[hbm4b:s10+s3] =	stream.indirect_vreg.scatter [tilespmem:s23], [sflag:$0x4], $0x80, v4, vm0, $0xb8;
	[tilespmem:$0x10800] =	vst v63  }
0x29e: {  	s24 =	simm.s32 $0xA800  }
0x29f: {  	[hbm4b:s4+s3] =	stream.indirect_vreg.scatter [tilespmem:s24], [sflag:$0x4], $0x80, v3, vm0, $0xb8;
	[tilespmem:$0x10800] =	vst v63  }
0x2a0: {  	s21 =	simm.s32 $0xB000  }
0x2a1: {  	[hbm4b:s8+s3] =	stream.indirect_vreg.scatter [tilespmem:s21], [sflag:$0x4], $0x80, v3, vm0, $0xb8;
	[tilespmem:$0x10800] =	vst v63  }
0x2a2: {  	s26 =	simm.s32 $0xB800  }
0x2a3: {  	[hbm4b:s9+s3] =	stream.indirect_vreg.scatter [tilespmem:s26], [sflag:$0x4], $0x80, v3, vm0, $0xb8;
	[tilespmem:$0x10800] =	vst v63  }
0x2a4: {  	s17 =	simm.s32 $0xC000  }
0x2a5: {  	[hbm4b:s10+s3] =	stream.indirect_vreg.scatter [tilespmem:s17], [sflag:$0x4], $0x80, v3, vm0, $0xb8;
	[tilespmem:$0x10800] =	vst v63  }
0x2a6: {  	v3 =	vld [tilespmem:$0x690];
	_ =	sdelay $0x4  }
0x2a7: {  	v57 =	vshll.u32 v3, $0x3  }
0x2a8: {  	v3 =	vand.u32 $0x7, v3;
	v4 =	vand.u32 $0xFFFFFFC0, v57  }
0x2a9: {  	v3 =	vor.u32 v3, v4  }
0x2aa: {  	v4 =	vperm.xlane v3, v0;
	_ =	sdelay $0x1  }
0x2ab: {  	v4 =	vadd.s32 v1, v4;
	_ =	sdelay $0x3  }
0x2ac: {  	s19 =	simm.s32 $0xC800  }
0x2ad: {  	[hbm4b:s4+s3] =	stream.indirect_vreg.scatter [tilespmem:s19], [sflag:$0x4], $0x80, v4, vm0, $0xb8;
	[tilespmem:$0x10800] =	vst v63  }
0x2ae: {  	s20 =	simm.s32 $0xD000;
	v3 =	vperm.xlane v3, v2  }
0x2af: {  	[hbm4b:s8+s3] =	stream.indirect_vreg.scatter [tilespmem:s20], [sflag:$0x4], $0x80, v4, vm0, $0xb8;
	[tilespmem:$0x10800] =	vst v63  }
0x2b0: {  	s0 =	simm.s32 $0xD800;
	v3 =	vadd.s32 v1, v3  }
0x2b1: {  	[hbm4b:s9+s3] =	stream.indirect_vreg.scatter [tilespmem:s0], [sflag:$0x4], $0x80, v4, vm0, $0xb8;
	[tilespmem:$0x10800] =	vst v63  }
0x2b2: {  	s2 =	simm.s32 $0xE000  }
0x2b3: {  	[hbm4b:s10+s3] =	stream.indirect_vreg.scatter [tilespmem:s2], [sflag:$0x4], $0x80, v4, vm0, $0xb8;
	[tilespmem:$0x10800] =	vst v63  }
0x2b4: {  	s11 =	simm.s32 $0xE800  }
0x2b5: {  	[hbm4b:s4+s3] =	stream.indirect_vreg.scatter [tilespmem:s11], [sflag:$0x4], $0x80, v3, vm0, $0xb8;
	[tilespmem:$0x10800] =	vst v63  }
0x2b6: {  	s13 =	simm.s32 $0xF000  }
0x2b7: {  	[hbm4b:s8+s3] =	stream.indirect_vreg.scatter [tilespmem:s13], [sflag:$0x4], $0x80, v3, vm0, $0xb8;
	[tilespmem:$0x10800] =	vst v63  }
0x2b8: {  	s14 =	simm.s32 $0xF800  }
0x2b9: {  	[hbm4b:s9+s3] =	stream.indirect_vreg.scatter [tilespmem:s14], [sflag:$0x4], $0x80, v3, vm0, $0xb8;
	[tilespmem:$0x10800] =	vst v63  }
0x2ba: {  	s15 =	simm.s32 $0x10000  }
0x2bb: {  	[hbm4b:s10+s3] =	stream.indirect_vreg.scatter [tilespmem:s15], [sflag:$0x4], $0x80, v3, vm0, $0xb8;
	[tilespmem:$0x10800] =	vst v63  }
0x2bc: {  	_ =	swait.ge [sflag:s25], $0x8000  }
0x2bd: {  	[sflag:s25] =	ssyncset.done $0x0  }
0x2be: {  	[sflag:s25] =	ssyncadd.s32 $0xFFFF8000  }
0x2bf: {  	v3 =	vld [tilespmem:$0x380];
	_ =	sdelay $0x4  }
0x2c0: {  	v58 =	vshll.u32 v3, $0x3  }
0x2c1: {  	v3 =	vand.u32 $0x7, v3;
	v4 =	vand.u32 $0xFFFFFFC0, v58  }
0x2c2: {  	v3 =	vor.u32 v3, v4  }
0x2c3: {  	v4 =	vperm.xlane v3, v0;
	_ =	sdelay $0x1  }
0x2c4: {  	v4 =	vadd.s32 v1, v4;
	_ =	sdelay $0x4  }
0x2c5: {  	[tilespmem:s1], [sflag:$0x2] =	stream.indirect_vreg.gather [hbm4b:s28+s3], $0x80, v4, vm0, $0xb8;
	[tilespmem:$0x10800] =	vst v63  }
0x2c6: {  	v3 =	vperm.xlane v3, v2  }
0x2c7: {  	[tilespmem:s16], [sflag:$0x2] =	stream.indirect_vreg.gather [hbm4b:s5+s3], $0x80, v4, vm0, $0xb8;
	[tilespmem:$0x10800] =	vst v63  }
0x2c8: {  	v3 =	vadd.s32 v1, v3  }
0x2c9: {  	[tilespmem:s18], [sflag:$0x2] =	stream.indirect_vreg.gather [hbm4b:s6+s3], $0x80, v4, vm0, $0xb8;
	[tilespmem:$0x10800] =	vst v63  }
0x2ca: {  	_ = 	snop  }
0x2cb: {  	[tilespmem:s23], [sflag:$0x2] =	stream.indirect_vreg.gather [hbm4b:s7+s3], $0x80, v4, vm0, $0xb8;
	[tilespmem:$0x10800] =	vst v63  }
0x2cc: {  	_ = 	snop  }
0x2cd: {  	[tilespmem:s24], [sflag:$0x2] =	stream.indirect_vreg.gather [hbm4b:s28+s3], $0x80, v3, vm0, $0xb8;
	[tilespmem:$0x10800] =	vst v63  }
0x2ce: {  	_ = 	snop  }
0x2cf: {  	[tilespmem:s21], [sflag:$0x2] =	stream.indirect_vreg.gather [hbm4b:s5+s3], $0x80, v3, vm0, $0xb8;
	[tilespmem:$0x10800] =	vst v63  }
0x2d0: {  	_ = 	snop  }
0x2d1: {  	[tilespmem:s26], [sflag:$0x2] =	stream.indirect_vreg.gather [hbm4b:s6+s3], $0x80, v3, vm0, $0xb8;
	[tilespmem:$0x10800] =	vst v63  }
0x2d2: {  	_ = 	snop  }
0x2d3: {  	[tilespmem:s17], [sflag:$0x2] =	stream.indirect_vreg.gather [hbm4b:s7+s3], $0x80, v3, vm0, $0xb8;
	[tilespmem:$0x10800] =	vst v63  }
0x2d4: {  	v3 =	vld [tilespmem:$0x390];
	_ =	sdelay $0x4  }
0x2d5: {  	v59 =	vshll.u32 v3, $0x3  }
0x2d6: {  	v3 =	vand.u32 $0x7, v3;
	v4 =	vand.u32 $0xFFFFFFC0, v59  }
0x2d7: {  	v3 =	vor.u32 v3, v4  }
0x2d8: {  	v4 =	vperm.xlane v3, v0;
	_ =	sdelay $0x1  }
0x2d9: {  	v4 =	vadd.s32 v1, v4;
	_ =	sdelay $0x4  }
0x2da: {  	[tilespmem:s19], [sflag:$0x2] =	stream.indirect_vreg.gather [hbm4b:s28+s3], $0x80, v4, vm0, $0xb8;
	[tilespmem:$0x10800] =	vst v63  }
0x2db: {  	v3 =	vperm.xlane v3, v2  }
0x2dc: {  	[tilespmem:s20], [sflag:$0x2] =	stream.indirect_vreg.gather [hbm4b:s5+s3], $0x80, v4, vm0, $0xb8;
	[tilespmem:$0x10800] =	vst v63  }
0x2dd: {  	v3 =	vadd.s32 v1, v3  }
0x2de: {  	[tilespmem:s0], [sflag:$0x2] =	stream.indirect_vreg.gather [hbm4b:s6+s3], $0x80, v4, vm0, $0xb8;
	[tilespmem:$0x10800] =	vst v63  }
0x2df: {  	_ = 	snop  }
0x2e0: {  	[tilespmem:s2], [sflag:$0x2] =	stream.indirect_vreg.gather [hbm4b:s7+s3], $0x80, v4, vm0, $0xb8;
	[tilespmem:$0x10800] =	vst v63  }
0x2e1: {  	_ = 	snop  }
0x2e2: {  	[tilespmem:s11], [sflag:$0x2] =	stream.indirect_vreg.gather [hbm4b:s28+s3], $0x80, v3, vm0, $0xb8;
	[tilespmem:$0x10800] =	vst v63  }
0x2e3: {  	_ = 	snop  }
0x2e4: {  	[tilespmem:s13], [sflag:$0x2] =	stream.indirect_vreg.gather [hbm4b:s5+s3], $0x80, v3, vm0, $0xb8;
	[tilespmem:$0x10800] =	vst v63  }
0x2e5: {  	_ = 	snop  }
0x2e6: {  	[tilespmem:s14], [sflag:$0x2] =	stream.indirect_vreg.gather [hbm4b:s6+s3], $0x80, v3, vm0, $0xb8;
	[tilespmem:$0x10800] =	vst v63  }
0x2e7: {  	_ = 	snop  }
0x2e8: {  	[tilespmem:s15], [sflag:$0x2] =	stream.indirect_vreg.gather [hbm4b:s7+s3], $0x80, v3, vm0, $0xb8;
	[tilespmem:$0x10800] =	vst v63  }
0x2e9: {  	_ =	swait.ge [sflag:s30], $0x8000  }
0x2ea: {  	[sflag:s30] =	ssyncset.done $0x0  }
0x2eb: {  	[sflag:s30] =	ssyncadd.s32 $0xFFFF8000  }
0x2ec: {  	v3 =	vld [tilespmem:$0x700];
	_ =	sdelay $0x4  }
0x2ed: {  	v60 =	vshll.u32 v3, $0x3  }
0x2ee: {  	v3 =	vand.u32 $0x7, v3;
	v4 =	vand.u32 $0xFFFFFFC0, v60  }
0x2ef: {  	v3 =	vor.u32 v3, v4  }
0x2f0: {  	v4 =	vperm.xlane v3, v0;
	_ =	sdelay $0x1  }
0x2f1: {  	v4 =	vadd.s32 v1, v4;
	_ =	sdelay $0x3  }
0x2f2: {  	s30 =	simm.s32 $0x800  }
0x2f3: {  	[hbm4b:s4+s3] =	stream.indirect_vreg.scatter [tilespmem:s30], [sflag:$0x3], $0x80, v4, vm0, $0xb8;
	[tilespmem:$0x10800] =	vst v63  }
0x2f4: {  	v3 =	vperm.xlane v3, v2;
	s30 =	simm.s32 $0x1000  }
0x2f5: {  	[hbm4b:s8+s3] =	stream.indirect_vreg.scatter [tilespmem:s30], [sflag:$0x3], $0x80, v4, vm0, $0xb8;
	[tilespmem:$0x10800] =	vst v63  }
0x2f6: {  	v3 =	vadd.s32 v1, v3;
	s30 =	simm.s32 $0x1800  }
0x2f7: {  	[hbm4b:s9+s3] =	stream.indirect_vreg.scatter [tilespmem:s30], [sflag:$0x3], $0x80, v4, vm0, $0xb8;
	[tilespmem:$0x10800] =	vst v63  }
0x2f8: {  	s30 =	simm.s32 $0x2000  }
0x2f9: {  	[hbm4b:s10+s3] =	stream.indirect_vreg.scatter [tilespmem:s30], [sflag:$0x3], $0x80, v4, vm0, $0xb8;
	[tilespmem:$0x10800] =	vst v63  }
0x2fa: {  	s30 =	simm.s32 $0x2800  }
0x2fb: {  	[hbm4b:s4+s3] =	stream.indirect_vreg.scatter [tilespmem:s30], [sflag:$0x3], $0x80, v3, vm0, $0xb8;
	[tilespmem:$0x10800] =	vst v63  }
0x2fc: {  	s30 =	simm.s32 $0x3000  }
0x2fd: {  	[hbm4b:s8+s3] =	stream.indirect_vreg.scatter [tilespmem:s30], [sflag:$0x3], $0x80, v3, vm0, $0xb8;
	[tilespmem:$0x10800] =	vst v63  }
0x2fe: {  	s30 =	simm.s32 $0x3800  }
0x2ff: {  	[hbm4b:s9+s3] =	stream.indirect_vreg.scatter [tilespmem:s30], [sflag:$0x3], $0x80, v3, vm0, $0xb8;
	[tilespmem:$0x10800] =	vst v63  }
0x300: {  	s30 =	simm.s32 $0x4000  }
0x301: {  	[hbm4b:s10+s3] =	stream.indirect_vreg.scatter [tilespmem:s30], [sflag:$0x3], $0x80, v3, vm0, $0xb8;
	[tilespmem:$0x10800] =	vst v63  }
0x302: {  	v3 =	vld [tilespmem:$0x710];
	_ =	sdelay $0x4  }
0x303: {  	v61 =	vshll.u32 v3, $0x3  }
0x304: {  	v3 =	vand.u32 $0x7, v3;
	v4 =	vand.u32 $0xFFFFFFC0, v61  }
0x305: {  	v3 =	vor.u32 v3, v4  }
0x306: {  	v4 =	vperm.xlane v3, v0;
	_ =	sdelay $0x1  }
0x307: {  	v4 =	vadd.s32 v1, v4;
	_ =	sdelay $0x3  }
0x308: {  	s30 =	simm.s32 $0x4800  }
0x309: {  	[hbm4b:s4+s3] =	stream.indirect_vreg.scatter [tilespmem:s30], [sflag:$0x3], $0x80, v4, vm0, $0xb8;
	[tilespmem:$0x10800] =	vst v63  }
0x30a: {  	v3 =	vperm.xlane v3, v2;
	s30 =	simm.s32 $0x5000  }
0x30b: {  	[hbm4b:s8+s3] =	stream.indirect_vreg.scatter [tilespmem:s30], [sflag:$0x3], $0x80, v4, vm0, $0xb8;
	[tilespmem:$0x10800] =	vst v63  }
0x30c: {  	v3 =	vadd.s32 v1, v3;
	s30 =	simm.s32 $0x5800  }
0x30d: {  	[hbm4b:s9+s3] =	stream.indirect_vreg.scatter [tilespmem:s30], [sflag:$0x3], $0x80, v4, vm0, $0xb8;
	[tilespmem:$0x10800] =	vst v63  }
0x30e: {  	s30 =	simm.s32 $0x6000  }
0x30f: {  	[hbm4b:s10+s3] =	stream.indirect_vreg.scatter [tilespmem:s30], [sflag:$0x3], $0x80, v4, vm0, $0xb8;
	[tilespmem:$0x10800] =	vst v63  }
0x310: {  	s30 =	simm.s32 $0x6800  }
0x311: {  	[hbm4b:s4+s3] =	stream.indirect_vreg.scatter [tilespmem:s30], [sflag:$0x3], $0x80, v3, vm0, $0xb8;
	[tilespmem:$0x10800] =	vst v63  }
0x312: {  	s30 =	simm.s32 $0x7000  }
0x313: {  	[hbm4b:s8+s3] =	stream.indirect_vreg.scatter [tilespmem:s30], [sflag:$0x3], $0x80, v3, vm0, $0xb8;
	[tilespmem:$0x10800] =	vst v63  }
0x314: {  	s30 =	simm.s32 $0x7800  }
0x315: {  	[hbm4b:s9+s3] =	stream.indirect_vreg.scatter [tilespmem:s30], [sflag:$0x3], $0x80, v3, vm0, $0xb8;
	[tilespmem:$0x10800] =	vst v63  }
0x316: {  	s22 =	simm.s32 $0x8000  }
0x317: {  	[hbm4b:s10+s3] =	stream.indirect_vreg.scatter [tilespmem:s22], [sflag:$0x3], $0x80, v3, vm0, $0xb8;
	[tilespmem:$0x10800] =	vst v63  }
0x318: {  	_ =	swait.ge [sflag:s29], $0x8000  }
0x319: {  	[sflag:s29] =	ssyncset.done $0x0  }
0x31a: {  	[sflag:s29] =	ssyncadd.s32 $0xFFFF8000  }
0x31b: {  	v3 =	vld [tilespmem:$0x780];
	_ =	sdelay $0x4  }
0x31c: {  	v62 =	vshll.u32 v3, $0x3  }
0x31d: {  	v3 =	vand.u32 $0x7, v3;
	v4 =	vand.u32 $0xFFFFFFC0, v62  }
0x31e: {  	v3 =	vor.u32 v3, v4  }
0x31f: {  	v4 =	vperm.xlane v3, v0;
	_ =	sdelay $0x1  }
0x320: {  	v4 =	vadd.s32 v1, v4;
	_ =	sdelay $0x3  }
0x321: {  	s1 =	simm.s32 $0x8800  }
0x322: {  	[hbm4b:s4+s3] =	stream.indirect_vreg.scatter [tilespmem:s1], [sflag:$0x4], $0x80, v4, vm0, $0xb8;
	[tilespmem:$0x10800] =	vst v63  }
0x323: {  	s16 =	simm.s32 $0x9000;
	v3 =	vperm.xlane v3, v2  }
0x324: {  	[hbm4b:s8+s3] =	stream.indirect_vreg.scatter [tilespmem:s16], [sflag:$0x4], $0x80, v4, vm0, $0xb8;
	[tilespmem:$0x10800] =	vst v63  }
0x325: {  	s18 =	simm.s32 $0x9800;
	v3 =	vadd.s32 v1, v3  }
0x326: {  	[hbm4b:s9+s3] =	stream.indirect_vreg.scatter [tilespmem:s18], [sflag:$0x4], $0x80, v4, vm0, $0xb8;
	[tilespmem:$0x10800] =	vst v63  }
0x327: {  	s23 =	simm.s32 $0xA000  }
0x328: {  	[hbm4b:s10+s3] =	stream.indirect_vreg.scatter [tilespmem:s23], [sflag:$0x4], $0x80, v4, vm0, $0xb8;
	[tilespmem:$0x10800] =	vst v63  }
0x329: {  	s24 =	simm.s32 $0xA800  }
0x32a: {  	[hbm4b:s4+s3] =	stream.indirect_vreg.scatter [tilespmem:s24], [sflag:$0x4], $0x80, v3, vm0, $0xb8;
	[tilespmem:$0x10800] =	vst v63  }
0x32b: {  	s21 =	simm.s32 $0xB000  }
0x32c: {  	[hbm4b:s8+s3] =	stream.indirect_vreg.scatter [tilespmem:s21], [sflag:$0x4], $0x80, v3, vm0, $0xb8;
	[tilespmem:$0x10800] =	vst v63  }
0x32d: {  	_ = 	snop  }
0x32e: {  	[hbm4b:s9+s3] =	stream.indirect_vreg.scatter [tilespmem:s26], [sflag:$0x4], $0x80, v3, vm0, $0xb8;
	[tilespmem:$0x10800] =	vst v63  }
0x32f: {  	s17 =	simm.s32 $0xC000  }
0x330: {  	[hbm4b:s10+s3] =	stream.indirect_vreg.scatter [tilespmem:s17], [sflag:$0x4], $0x80, v3, vm0, $0xb8;
	[tilespmem:$0x10800] =	vst v63  }
0x331: {  	v3 =	vld [tilespmem:$0x790];
	_ =	sdelay $0x4  }
0x332: {  	v63 =	vshll.u32 v3, $0x3  }
0x333: {  	v3 =	vand.u32 $0x7, v3;
	v4 =	vand.u32 $0xFFFFFFC0, v63  }
0x334: {  	v3 =	vor.u32 v3, v4  }
0x335: {  	v4 =	vperm.xlane v3, v0;
	_ =	sdelay $0x1  }
0x336: {  	v4 =	vadd.s32 v1, v4;
	_ =	sdelay $0x3  }
0x337: {  	s19 =	simm.s32 $0xC800  }
0x338: {  	[hbm4b:s4+s3] =	stream.indirect_vreg.scatter [tilespmem:s19], [sflag:$0x4], $0x80, v4, vm0, $0xb8;
	[tilespmem:$0x10800] =	vst v63  }
0x339: {  	s20 =	simm.s32 $0xD000;
	v3 =	vperm.xlane v3, v2  }
0x33a: {  	[hbm4b:s8+s3] =	stream.indirect_vreg.scatter [tilespmem:s20], [sflag:$0x4], $0x80, v4, vm0, $0xb8;
	[tilespmem:$0x10800] =	vst v63  }
0x33b: {  	s0 =	simm.s32 $0xD800;
	v3 =	vadd.s32 v1, v3  }
0x33c: {  	[hbm4b:s9+s3] =	stream.indirect_vreg.scatter [tilespmem:s0], [sflag:$0x4], $0x80, v4, vm0, $0xb8;
	[tilespmem:$0x10800] =	vst v63  }
0x33d: {  	s2 =	simm.s32 $0xE000  }
0x33e: {  	[hbm4b:s10+s3] =	stream.indirect_vreg.scatter [tilespmem:s2], [sflag:$0x4], $0x80, v4, vm0, $0xb8;
	[tilespmem:$0x10800] =	vst v63  }
0x33f: {  	s11 =	simm.s32 $0xE800  }
0x340: {  	[hbm4b:s4+s3] =	stream.indirect_vreg.scatter [tilespmem:s11], [sflag:$0x4], $0x80, v3, vm0, $0xb8;
	[tilespmem:$0x10800] =	vst v63  }
0x341: {  	s13 =	simm.s32 $0xF000  }
0x342: {  	[hbm4b:s8+s3] =	stream.indirect_vreg.scatter [tilespmem:s13], [sflag:$0x4], $0x80, v3, vm0, $0xb8;
	[tilespmem:$0x10800] =	vst v63  }
0x343: {  	s14 =	simm.s32 $0xF800;
	s30 =	sld [smem:$0x7FB]  }
0x344: {  	[hbm4b:s9+s3] =	stream.indirect_vreg.scatter [tilespmem:s14], [sflag:$0x4], $0x80, v3, vm0, $0xb8;
	[tilespmem:$0x10800] =	vst v63  }
0x345: {  	s15 =	simm.s32 $0x10000  }
0x346: {  	[hbm4b:s10+s3] =	stream.indirect_vreg.scatter [tilespmem:s15], [sflag:$0x4], $0x80, v3, vm0, $0xb8;
	[tilespmem:$0x10800] =	vst v63  }
0x347: {  	p0 =	sne.s32 s30, $0x1;
	_ =	swait.ge [sflag:s31], $0x8000  }
.Ltmp0:
0x348: {  	[sflag:s31] =	ssyncset.done $0x0;
	(pc) =	sbr.rel @p0 .LBB2_1-.Ltmp0, $4  }
0x349: {  	[sflag:s31] =	ssyncadd.s32 $0xFFFF8000  }
0x34a: {  	_ =	swait.ge [sflag:s25], $0x8000  }
0x34b: {  	[sflag:s25] =	ssyncset.done $0x0  }
0x34c: {  	s1 =	sadd.s32 $0xFFFFFFFF, s30;
	[sflag:s25] =	ssyncadd.s32 $0xFFFF8000  }
0x34d: {  	_ =	sfence.sel $0x180000  }
0x34e: {  	[bflag:$0x0] =	sbarrier.arrive $0xFFFF  }
0x34f: {  	_ =	strace $0x90000047  }
0x350: {  	s0 =	stileid.u32;
	[bflag:$0x2] =	sbarrier.arrive $0xFFFF  }
0x351: {  	p0 =	sne.s32 s0, $0x0;
	s0 =	rddreg [dreg:$0x2]  }
0x352: {  	s0 =	sadd.s32 @!p0 $0x100000, s0  }
0x353: {  	[sflag:s0] =	ssyncadd.tile.s32 @!p0 $0x1;
	_ =	shalt  }
.Lfunc_end2:
_tile_overlayer_lowered:
.L_overlay_start_2:
0x354: {  	(tag) =	ssettag $0x2  }
0x355: {  	s0 =	rddreg [dreg:$0x0];
	s2 =	stileid.u32  }
0x356: {  	s1 =	rddreg [dreg:$0x1];
	p0 =	sne.s32 s2, $0x0  }
0x357: {  	s3 =	rddreg [dreg:$0x2];
	[bflag:$0x3] =	sbarrier.arrive $0xFFFF;
	s2 =	simm.s32 @!p0 $0x1C05  }
0x358: {  	[timem:s3], [sflag:s2] =	dma.local @!p0 [hbm:s0], s1  }
0x359: {  	s0 =	simm.s32 @!p0 $0x5  }
0x35a: {  	_ =	swait.ge @!p0 [sflag:s0], s1  }
0x35b: {  	s1 =	ssub.s32 @!p0 $0x0, s1;
	[sflag:s0] =	ssyncset.done @!p0 $0x0  }
0x35c: {  	[sflag:s0] =	ssyncadd.s32 @!p0 s1  }
0x35d: {  	[bflag:$0x3] =	sbarrier.arrive $0xFFFF  }
0x35e: {  	_ =	shalt  }

</sc_bundles>
